<compile_context>
chip_gen: v7x
topology: tpu7x:2x2x1
jax: 0.10.2.dev20260603
libtpu: 0.0.44.dev20260713+nightly
codegen_flags: <defaults>
</compile_context>

<pallas_src>
import dataclasses
import functools

import jax
import jax.numpy as jnp
import numpy as np
from jax import lax
from jax.experimental import pallas as pl
from jax.experimental.pallas import tpu as pltpu
from jax.experimental.pallas import tpu_sc as plsc

_K = 8
_INV = float(1.0 / np.sqrt(1.0 + 1e-5))

_NC = 2
_NS = 16
_L = 16


def _sc_transpose(embT, tail_flat, V, D):
    CK = 512
    n_full = V // CK
    tail = V - n_full * CK
    rounds = (n_full + _NC * _NS - 1) // (_NC * _NS)
    rounds += rounds % 2

    mesh = plsc.VectorSubcoreMesh(core_axis_name="c", subcore_axis_name="s")
    cp = pltpu.CompilerParams(needs_layout_passes=False,
                              use_tc_tiling_on_sc=True)

    nw = _NC * _NS
    assert rounds % 2 == 0

    @functools.partial(
        pl.kernel,
        mesh=mesh,
        compiler_params=cp,
        out_type=jax.ShapeDtypeStruct((V * D,), jnp.float32),
        scratch_types=[
            pltpu.VMEM((D, CK), jnp.float32),
            pltpu.VMEM((D, CK), jnp.float32),
            pltpu.VMEM((CK * D,), jnp.float32),
            pltpu.VMEM((CK * D,), jnp.float32),
            pltpu.SemaphoreType.DMA,
            pltpu.SemaphoreType.DMA,
            pltpu.SemaphoreType.DMA,
            pltpu.SemaphoreType.DMA,
        ],
    )
    def transpose_kernel(embT_hbm, out_hbm, buf0, buf1, outf0, outf1,
                         si0, si1, so0, so1):
        wid = lax.axis_index("s") * _NC + lax.axis_index("c")
        scat = lax.iota(jnp.int32, _L) * D

        def in_desc(t, buf, sem):
            c0 = (t * nw + wid) * CK
            return pltpu.make_async_copy(
                embT_hbm.at[:, pl.ds(c0, CK)], buf, sem)

        def out_desc(t, outf, sem):
            c0 = (t * nw + wid) * CK
            return pltpu.make_async_copy(
                outf, out_hbm.at[pl.ds(c0 * D, CK * D)], sem)

        def valid(t):
            return (t >= 0) & (t < rounds) & (t * nw + wid < n_full)

        def start_in(t, buf, sem):
            @pl.when(valid(t))
            def _():
                in_desc(t, buf, sem).start()

        def step(t, buf, sem_i, outf, sem_o):
            @pl.when(valid(t - 2))
            def _():
                out_desc(t - 2, outf, sem_o).wait()

            @pl.when(valid(t))
            def _():
                in_desc(t, buf, sem_i).wait()

                @pl.loop(0, CK, step=2 * _L)
                def _cols(l0):
                    for h in range(2):
                        lo = l0 + h * _L
                        for d in range(D):
                            vals = buf[d, pl.ds(lo, _L)]
                            plsc.store_scatter(
                                outf, [scat + (lo * D + d)], vals)

                out_desc(t, outf, sem_o).start()

        start_in(0, buf0, si0)
        start_in(1, buf1, si1)

        @pl.loop(0, rounds, step=2)
        def _round(t):
            start_in(t + 2, buf0, si0)
            step(t, buf0, si0, outf0, so0)
            start_in(t + 3, buf1, si1)
            step(t + 1, buf1, si1, outf1, so1)

        @pl.when(valid(rounds - 2))
        def _():
            out_desc(rounds - 2, outf0, so0).wait()

        @pl.when(valid(rounds - 1))
        def _():
            out_desc(rounds - 1, outf1, so1).wait()

    out = transpose_kernel(embT)
    if tail:
        out = lax.dynamic_update_slice(out, tail_flat, (n_full * CK * D,))
    return out


def _sc_gather(emb, lin2, idx_flat):
    n_idx = idx_flat.shape[0]
    V, D = emb.shape
    nw = _NC * _NS
    per_w = n_idx // nw
    C = 1664
    nchunk = per_w // C
    assert per_w % C == 0

    mesh = plsc.VectorSubcoreMesh(core_axis_name="c", subcore_axis_name="s")
    cp = pltpu.CompilerParams(needs_layout_passes=False,
                              use_tc_tiling_on_sc=False)

    @functools.partial(
        pl.kernel,
        mesh=mesh,
        compiler_params=cp,
        out_type=[
            jax.ShapeDtypeStruct((n_idx, D), jnp.float32),
            jax.ShapeDtypeStruct((n_idx,), jnp.float32),
        ],
        scratch_types=[
            pltpu.VMEM((C,), jnp.int32),
            pltpu.VMEM((C,), jnp.int32),
            pltpu.VMEM((C,), jnp.int32),
            pltpu.VMEM((C, D), jnp.float32),
            pltpu.VMEM((C, _L), jnp.float32),
            pltpu.VMEM((C,), jnp.float32),
            pltpu.SemaphoreType.DMA,
            pltpu.SemaphoreType.DMA,
        ],
    )
    def gather_kernel(emb_hbm, lin_hbm, idx_hbm, eg_hbm, lv_hbm,
                      idx_v, hi_v, lo_v, erows_v, lgran_v, lv_v, sem0, sem1):
        wid = lax.axis_index("s") * _NC + lax.axis_index("c")
        base = wid * per_w

        @pl.loop(0, nchunk)
        def _chunk(k):
            off = base + k * C
            pltpu.sync_copy(idx_hbm.at[pl.ds(off, C)], idx_v)

            @pl.loop(0, C, step=_L)
            def _split(i):
                v = idx_v[pl.ds(i, _L)]
                hi_v[pl.ds(i, _L)] = lax.shift_right_logical(v, 4)
                lo_v[pl.ds(i, _L)] = lax.bitwise_and(v, 15)

            ce = pltpu.async_copy(emb_hbm.at[idx_v], erows_v, sem0)
            cl = pltpu.async_copy(lin_hbm.at[hi_v], lgran_v, sem1)
            ce.wait()
            cl.wait()

            @pl.loop(0, C, step=_L)
            def _select(i):
                rows = lax.iota(jnp.int32, _L) + i
                lv_v[pl.ds(i, _L)] = plsc.load_gather(
                    lgran_v, [rows, lo_v[pl.ds(i, _L)]])

            pltpu.sync_copy(erows_v, eg_hbm.at[pl.ds(off, C)])
            pltpu.sync_copy(lv_v, lv_hbm.at[pl.ds(off, C)])

    return gather_kernel(emb, lin2, idx_flat)


def _dense_body(F, eg_ref, lv_ref, sf_ref, tf_ref, cw_ref, ca_ref, cc_ref,
                E_ref, w1_ref, a1_ref, c1_ref, w2_ref, a2_ref, c2_ref,
                w3_ref, cb_ref, y_ref):
    hi = lax.Precision.DEFAULT
    eb = eg_ref[...] * sf_ref[...] + tf_ref[...]
    z = jnp.dot(eb, cw_ref[...], precision=hi,
                preferred_element_type=jnp.float32)
    u = jnp.maximum(z * ca_ref[...] + cc_ref[...], 0.0)

    ut = u.T
    ii = lax.broadcasted_iota(jnp.int32, ut.shape, 0)
    rank = jnp.zeros(ut.shape, jnp.int32)
    for j in range(F):
        uj = ut[j:j + 1, :]
        beats = (uj > ut) | ((uj == ut) & (j < ii))
        rank = rank + beats.astype(jnp.int32)
    sel = rank < _K

    m = jnp.max(ut, axis=0, keepdims=True)
    p = jnp.where(sel, jnp.exp(ut - m), 0.0)
    s = jnp.sum(p, axis=0, keepdims=True)
    mask = (p / s).T

    me = jnp.dot(mask, E_ref[...], precision=hi,
                 preferred_element_type=jnp.float32)
    em = eb * me
    h1 = jnp.maximum(jnp.dot(em, w1_ref[...], precision=hi,
                             preferred_element_type=jnp.float32)
                     * a1_ref[...] + c1_ref[...], 0.0)
    h2 = jnp.maximum(jnp.dot(h1, w2_ref[...], precision=hi,
                             preferred_element_type=jnp.float32)
                     * a2_ref[...] + c2_ref[...], 0.0)
    out = jnp.sum(h2 * w3_ref[...], axis=1, keepdims=True)
    lin = jnp.sum(lv_ref[...], axis=1, keepdims=True)
    y_ref[...] = jax.nn.sigmoid(out + lin + cb_ref[0, 0]).T


def _tc_dense(eg2, lv2, sf, tf, cw, ca, cc, E, w1, a1, c1, w2, a2, c2, w3t, cb):
    B, FD = eg2.shape
    F = lv2.shape[1]
    R = 512
    grid = (B // R,)

    def row_spec(shape):
        return pl.BlockSpec(shape, lambda i: (i, 0))

    def full_spec(shape):
        return pl.BlockSpec(shape, lambda i: (0, 0))

    return pl.pallas_call(
        functools.partial(_dense_body, F),
        grid=grid,
        in_specs=[
            row_spec((R, FD)),
            row_spec((R, F)),
            full_spec(sf.shape),
            full_spec(tf.shape),
            full_spec(cw.shape),
            full_spec(ca.shape),
            full_spec(cc.shape),
            full_spec(E.shape),
            full_spec(w1.shape),
            full_spec(a1.shape),
            full_spec(c1.shape),
            full_spec(w2.shape),
            full_spec(a2.shape),
            full_spec(c2.shape),
            full_spec(w3t.shape),
            full_spec(cb.shape),
        ],
        out_specs=pl.BlockSpec((1, R), lambda i: (0, i)),
        out_shape=jax.ShapeDtypeStruct((1, B), jnp.float32),
        compiler_params=pltpu.CompilerParams(
            dimension_semantics=("parallel",)),
    )(eg2, lv2, sf, tf, cw, ca, cc, E, w1, a1, c1, w2, a2, c2, w3t, cb)


def kernel(x, emb, lin_w, lin_b, bn0_g, bn0_b, ctrl_w, ctrl_b, cbn_g, cbn_b,
           w1, b1, g1, be1, w2, b2, g2, be2, w3, b3):
    B, F = x.shape
    V, D = emb.shape
    per_field = V // F

    offs = (jnp.arange(F, dtype=jnp.int32) * per_field)[None, :]
    idx_flat = (x + offs).reshape(B * F)
    lin2 = lin_w[:, 0].reshape(V // _L, _L)

    n_main = (V // 1024) * 1024
    tail_flat = emb[n_main:, :].reshape((V - n_main) * D)
    table = _sc_transpose(emb.T, tail_flat, V, D).reshape(V, D)

    sf = jnp.repeat(bn0_g * _INV, D)[None, :]
    tf = jnp.repeat(bn0_b, D)[None, :]
    ca = (cbn_g * _INV)[None, :]
    cc = (ctrl_b * cbn_g * _INV + cbn_b)[None, :]
    a1 = (g1 * _INV)[None, :]
    c1 = (b1 * g1 * _INV + be1)[None, :]
    a2 = (g2 * _INV)[None, :]
    c2 = (b2 * g2 * _INV + be2)[None, :]
    E = (jnp.arange(F * D, dtype=jnp.int32)[None, :] // D
         == jnp.arange(F, dtype=jnp.int32)[:, None]).astype(jnp.float32)
    w3t = w3.reshape(1, -1)
    cb = (lin_b + b3).reshape(1, 1)

    halves = []
    H = B // 2
    for h in range(2):
        idx_h = lax.dynamic_slice_in_dim(idx_flat, h * H * F, H * F)
        eg, lvf = _sc_gather(table, lin2, idx_h)
        eg2 = eg.reshape(H, F * D)
        lv2 = lvf.reshape(H, F)
        halves.append(_tc_dense(eg2, lv2, sf, tf, ctrl_w, ca, cc, E,
                                w1, a1, c1, w2, a2, c2, w3t, cb))
    y = jnp.concatenate(halves, axis=1)
    return y.reshape(B)

# --- scband reference (transcript-rebuilt; emitter-appended) ---
"""Pipeline reference for scband-wide-and-deep-model-controller-hard-5677946765432 (READ-ONLY COPY).

The authoritative reference and input builder live on the scoring server;
editing this copy changes nothing except your own understanding.
"""

import jax, jax.numpy as jnp
import numpy as np

FIELD_DIMS = [100000] * 26
EMBED_DIM = 16
MLP_DIMS = [64, 32]
K = 8
EPS = 1e-5
B = 16384
F = len(FIELD_DIMS)
V = sum(FIELD_DIMS)
EMBED_OUT = F * EMBED_DIM
OFFSETS = np.concatenate([[0], np.cumsum(FIELD_DIMS)[:-1]]).astype(np.int32)


def setup_inputs(seed: int = 0):
    key = jax.random.key(seed)
    ks = jax.random.split(key, 16)
    inp = {}
    inp["x"] = jax.random.randint(ks[0], (B, F), 0, 100000, dtype=jnp.int32)
    inp["emb"] = jax.random.normal(ks[1], (V, EMBED_DIM), jnp.float32) * 0.01
    inp["lin_w"] = jax.random.normal(ks[2], (V, 1), jnp.float32) * 0.01
    inp["lin_b"] = jnp.zeros((1,), jnp.float32)
    inp["bn0_g"] = 1.0 + 0.1 * jax.random.normal(ks[3], (F,), jnp.float32)
    inp["bn0_b"] = 0.1 * jax.random.normal(ks[4], (F,), jnp.float32)
    inp["ctrl_w"] = jax.random.normal(ks[5], (EMBED_OUT, F), jnp.float32) / np.sqrt(EMBED_OUT)
    inp["ctrl_b"] = jnp.zeros((F,), jnp.float32)
    inp["cbn_g"] = 1.0 + 0.1 * jax.random.normal(ks[6], (F,), jnp.float32)
    inp["cbn_b"] = 0.1 * jax.random.normal(ks[7], (F,), jnp.float32)
    inp["w1"] = jax.random.normal(ks[8], (EMBED_OUT, MLP_DIMS[0]), jnp.float32) / np.sqrt(EMBED_OUT)
    inp["b1"] = jnp.zeros((MLP_DIMS[0],), jnp.float32)
    inp["g1"] = jnp.ones((MLP_DIMS[0],), jnp.float32)
    inp["be1"] = jnp.zeros((MLP_DIMS[0],), jnp.float32)
    inp["w2"] = jax.random.normal(ks[9], (MLP_DIMS[0], MLP_DIMS[1]), jnp.float32) / np.sqrt(MLP_DIMS[0])
    inp["b2"] = jnp.zeros((MLP_DIMS[1],), jnp.float32)
    inp["g2"] = jnp.ones((MLP_DIMS[1],), jnp.float32)
    inp["be2"] = jnp.zeros((MLP_DIMS[1],), jnp.float32)
    inp["w3"] = jax.random.normal(ks[10], (MLP_DIMS[1], 1), jnp.float32) / np.sqrt(MLP_DIMS[1])
    inp["b3"] = jnp.zeros((1,), jnp.float32)
    return inp


def _forward(x, emb, lin_w, lin_b, bn0_g, bn0_b, ctrl_w, ctrl_b, cbn_g, cbn_b,
             w1, b1, g1, be1, w2, b2, g2, be2, w3, b3):
    offsets = jnp.asarray(OFFSETS)
    idx = x + offsets[None, :]
    # FeaturesLinear: per-feature scalar weights, summed over fields, plus bias
    lin = jnp.sum(jnp.take(lin_w, idx, axis=0), axis=1) + lin_b  # (B, 1)
    # FeaturesEmbedding
    e = jnp.take(emb, idx, axis=0)  # (B, F, D)
    # BatchNorm1d(F) in eval mode (running_mean=0, running_var=1)
    inv = 1.0 / jnp.sqrt(1.0 + EPS)
    e = e * inv * bn0_g[None, :, None] + bn0_b[None, :, None]
    # controller MLP: flatten -> Linear(F*D, F) -> BN(eval) -> ReLU -> (Dropout eval=id) -> Softmax
    flat = e.reshape(e.shape[0], EMBED_OUT)
    w = flat @ ctrl_w + ctrl_b
    w = w * inv * cbn_g[None, :] + cbn_b[None, :]
    w = jax.nn.relu(w)
    w = jax.nn.softmax(w, axis=1)
    # kmax_pooling(weight, dim=1, k): top-k indices sorted ascending, gather values
    _, topi = jax.lax.top_k(w, K)
    topi = jnp.sort(topi, axis=1)
    kv = jnp.take_along_axis(w, topi, axis=1)
    kv = kv / jnp.sum(kv, axis=1, keepdims=True)
    # mask = zeros.scatter_(1, kmax_index, kmax_weight)
    rows = jnp.arange(w.shape[0])[:, None]
    mask = jnp.zeros(w.shape, jnp.float32).at[rows, topi].set(kv)
    e = e * mask[:, :, None]
    # MLP: Linear -> BN(eval) -> ReLU -> (Dropout eval=id) x2 -> Linear(., 1)
    h = e.reshape(e.shape[0], EMBED_OUT)
    h = jax.nn.relu((h @ w1 + b1) * inv * g1[None, :] + be1[None, :])
    h = jax.nn.relu((h @ w2 + b2) * inv * g2[None, :] + be2[None, :])
    out = h @ w3 + b3  # (B, 1)
    return jax.nn.sigmoid(jnp.squeeze(lin + out, axis=1))  # (B,)


def reference(x, emb, lin_w, lin_b, bn0_g, bn0_b, ctrl_w, ctrl_b, cbn_g, cbn_b,
              w1, b1, g1, be1, w2, b2, g2, be2, w3, b3):
    return _forward(x, emb, lin_w, lin_b, bn0_g, bn0_b, ctrl_w, ctrl_b, cbn_g, cbn_b,
                    w1, b1, g1, be1, w2, b2, g2, be2, w3, b3)

if __name__ == "__main__":
    import jax
    _d = setup_inputs()
    print(jax.jit(kernel)(*tuple(_d.values())))

</pallas_src>

<mosaic_0001>
#map = affine_map<(d0, d1) -> (0, 0)>
#map1 = affine_map<(d0, d1) -> (0)>
module attributes {stable_mosaic.version = 14 : i64} {
  func.func @gather_kernel(%arg0: i32, %arg1: i32, %arg2: memref<2600000x16xf32, #tpu.memory_space<hbm>>, %arg3: memref<162500x16xf32, #tpu.memory_space<hbm>>, %arg4: memref<212992xi32, #tpu.memory_space<hbm>>, %arg5: memref<212992x16xf32, #tpu.memory_space<hbm>>, %arg6: memref<212992xf32, #tpu.memory_space<hbm>>, %arg7: memref<1664xi32, #tpu.memory_space<vmem>>, %arg8: memref<1664xi32, #tpu.memory_space<vmem>>, %arg9: memref<1664xi32, #tpu.memory_space<vmem>>, %arg10: memref<1664x16xf32, #tpu.memory_space<vmem>>, %arg11: memref<1664x16xf32, #tpu.memory_space<vmem>>, %arg12: memref<1664xf32, #tpu.memory_space<vmem>>, %arg13: memref<!tpu.dma_semaphore, #tpu.memory_space<semaphore_mem>>, %arg14: memref<!tpu.dma_semaphore, #tpu.memory_space<semaphore_mem>>) attributes {dimension_semantics = [#tpu.dimension_semantics<core_parallel>, #tpu.dimension_semantics<subcore_parallel>], iteration_bounds = array<i64: 2, 16>, scalar_prefetch = 0 : i64, scratch_operands = 8 : i64, tpu.core_type = #tpu.core_type<sc_vector_subcore>, window_params = [{transform_indices = #map}, {transform_indices = #map}, {transform_indices = #map1}, {transform_indices = #map}, {transform_indices = #map1}]} {
    %mul3A = arith.constant 2 : i32
    %mul3A_0 = arith.muli %arg1, %mul3A : i32
    %add3A = arith.addi %mul3A_0, %arg0 : i32
    %mul3A_1 = arith.constant 6656 : i32
    %mul3A_2 = arith.muli %add3A, %mul3A_1 : i32
    %scan3A = arith.constant 0 : i32
    %scan3A_3 = arith.constant 4 : i32
    %scan3A_4 = arith.addi %scan3A, %scan3A_3 : i32
    %scan3A_5 = arith.constant 1 : i32
    scf.for %scan3A_7 = %scan3A to %scan3A_4 step %scan3A_5  : i32 {
      %mul3A_8 = arith.constant 1 : i32
      %mul3A_9 = arith.muli %scan3A_7, %mul3A_8 : i32
      %add3A_10 = arith.constant 0 : i32
      %add3A_11 = arith.addi %add3A_10, %mul3A_9 : i32
      %mul3A_12 = arith.constant 1664 : i32
      %mul3A_13 = arith.muli %add3A_11, %mul3A_12 : i32
      %add3A_14 = arith.addi %mul3A_2, %mul3A_13 : i32
      "tpu.region"() ({
        %run_scoped3A = tpu.sem_alloc : memref<!tpu.dma_semaphore, #tpu.memory_space<semaphore_mem>>
        %dma_start3A_35 = tpu.memref_slice %arg4[%add3A_14] : memref<212992xi32, #tpu.memory_space<hbm>> -> memref<1664xi32, #tpu.memory_space<hbm>>
        %dma_start3A_36 = tpu.memref_slice %arg4[%add3A_14] : memref<212992xi32, #tpu.memory_space<hbm>> -> memref<1664xi32, #tpu.memory_space<hbm>>
        tpu.enqueue_dma source(%dma_start3A_36 : memref<1664xi32, #tpu.memory_space<hbm>>) target(%arg7 : memref<1664xi32, #tpu.memory_space<vmem>>) target_semaphore(%run_scoped3A : memref<!tpu.dma_semaphore, #tpu.memory_space<semaphore_mem>>)
        %dma_wait3A_37 = tpu.memref_slice %arg4[%add3A_14] : memref<212992xi32, #tpu.memory_space<hbm>> -> memref<1664xi32, #tpu.memory_space<hbm>>
        %dma_wait3A_38 = tpu.memref_slice %arg4[%add3A_14] : memref<212992xi32, #tpu.memory_space<hbm>> -> memref<1664xi32, #tpu.memory_space<hbm>>
        tpu.wait_dma2 semaphore(%run_scoped3A : memref<!tpu.dma_semaphore, #tpu.memory_space<semaphore_mem>>) src(%dma_wait3A_38 : memref<1664xi32, #tpu.memory_space<hbm>>) dst(%arg7 : memref<1664xi32, #tpu.memory_space<vmem>>)
        tpu.yield
      }) : () -> ()
      %scan3A_15 = arith.constant 0 : i32
      %scan3A_16 = arith.constant 104 : i32
      %scan3A_17 = arith.addi %scan3A_15, %scan3A_16 : i32
      %scan3A_18 = arith.constant 1 : i32
      scf.for %scan3A_35 = %scan3A_15 to %scan3A_17 step %scan3A_18  : i32 {
        %mul3A_36 = arith.constant 16 : i32
        %mul3A_37 = arith.muli %scan3A_35, %mul3A_36 : i32
        %add3A_38 = arith.constant 0 : i32
        %add3A_39 = arith.addi %add3A_38, %mul3A_37 : i32
        %get3A = arith.index_cast %add3A_39 : i32 to index
        %get3A_40 = tpu.vector_load %arg7[%get3A] {strides = array<i32>} : memref<1664xi32, #tpu.memory_space<vmem>>, vector<16xi32>,
        %shift_right_logical3A = arith.constant 4 : i32
        %shift_right_logical3A_41 = vector.broadcast %shift_right_logical3A : i32 to vector<16xi32>
        %shift_right_logical3A_42 = arith.shrui %get3A_40, %shift_right_logical3A_41 : vector<16xi32>
        %swap3A = arith.index_cast %add3A_39 : i32 to index
        %swap3A_43 = tpu.vector_load %arg8[%swap3A] {strides = array<i32>} : memref<1664xi32, #tpu.memory_space<vmem>>, vector<16xi32>,
        tpu.vector_store %arg8[%swap3A], %shift_right_logical3A_42 {strides = array<i32>} : memref<1664xi32, #tpu.memory_space<vmem>>, vector<16xi32>,
        %and3A = arith.constant 15 : i32
        %and3A_44 = vector.broadcast %and3A : i32 to vector<16xi32>
        %and3A_45 = arith.andi %get3A_40, %and3A_44 : vector<16xi32>
        %swap3A_46 = arith.index_cast %add3A_39 : i32 to index
        %swap3A_47 = tpu.vector_load %arg9[%swap3A_46] {strides = array<i32>} : memref<1664xi32, #tpu.memory_space<vmem>>, vector<16xi32>,
        tpu.vector_store %arg9[%swap3A_46], %and3A_45 {strides = array<i32>} : memref<1664xi32, #tpu.memory_space<vmem>>, vector<16xi32>,
      }
      %scan3A_19 = arith.constant 104 : i32
      %dma_start3A = arith.constant 0 : i32
      %dma_start3A_20 = arith.constant 0 : i32
      %dma_start3A_21 = tpu.memref_slice %arg2[%dma_start3A, %dma_start3A_20] : memref<2600000x16xf32, #tpu.memory_space<hbm>> -> memref<2600000x16xf32, #tpu.memory_space<hbm>>
      tpu.enqueue_indirect_dma source(%dma_start3A_21 : memref<2600000x16xf32, #tpu.memory_space<hbm>>) target(%arg10 : memref<1664x16xf32, #tpu.memory_space<vmem>>) offsets(%arg7 : memref<1664xi32, #tpu.memory_space<vmem>>) semaphore(%arg13 : memref<!tpu.dma_semaphore, #tpu.memory_space<semaphore_mem>>)
      %dma_start3A_22 = arith.constant 0 : i32
      %dma_start3A_23 = arith.constant 0 : i32
      %dma_start3A_24 = tpu.memref_slice %arg3[%dma_start3A_22, %dma_start3A_23] : memref<162500x16xf32, #tpu.memory_space<hbm>> -> memref<162500x16xf32, #tpu.memory_space<hbm>>
      tpu.enqueue_indirect_dma source(%dma_start3A_24 : memref<162500x16xf32, #tpu.memory_space<hbm>>) target(%arg11 : memref<1664x16xf32, #tpu.memory_space<vmem>>) offsets(%arg8 : memref<1664xi32, #tpu.memory_space<vmem>>) semaphore(%arg14 : memref<!tpu.dma_semaphore, #tpu.memory_space<semaphore_mem>>)
      %dma_wait3A = arith.constant 0 : i32
      %dma_wait3A_25 = arith.constant 0 : i32
      %dma_wait3A_26 = tpu.memref_slice %arg2[%dma_wait3A, %dma_wait3A_25] : memref<2600000x16xf32, #tpu.memory_space<hbm>> -> memref<2600000x16xf32, #tpu.memory_space<hbm>>
      tpu.wait_indirect_dma semaphore(%arg13 : memref<!tpu.dma_semaphore, #tpu.memory_space<semaphore_mem>>) src(%dma_wait3A_26 : memref<2600000x16xf32, #tpu.memory_space<hbm>>) dst(%arg10 : memref<1664x16xf32, #tpu.memory_space<vmem>>)
      %dma_wait3A_27 = arith.constant 0 : i32
      %dma_wait3A_28 = arith.constant 0 : i32
      %dma_wait3A_29 = tpu.memref_slice %arg3[%dma_wait3A_27, %dma_wait3A_28] : memref<162500x16xf32, #tpu.memory_space<hbm>> -> memref<162500x16xf32, #tpu.memory_space<hbm>>
      tpu.wait_indirect_dma semaphore(%arg14 : memref<!tpu.dma_semaphore, #tpu.memory_space<semaphore_mem>>) src(%dma_wait3A_29 : memref<162500x16xf32, #tpu.memory_space<hbm>>) dst(%arg11 : memref<1664x16xf32, #tpu.memory_space<vmem>>)
      %scan3A_30 = arith.constant 0 : i32
      %scan3A_31 = arith.constant 104 : i32
      %scan3A_32 = arith.addi %scan3A_30, %scan3A_31 : i32
      %scan3A_33 = arith.constant 1 : i32
      scf.for %scan3A_35 = %scan3A_30 to %scan3A_32 step %scan3A_33  : i32 {
        %mul3A_36 = arith.constant 16 : i32
        %mul3A_37 = arith.muli %scan3A_35, %mul3A_36 : i32
        %add3A_38 = arith.constant 0 : i32
        %add3A_39 = arith.addi %add3A_38, %mul3A_37 : i32
        %iota3A = tpu.iota {dimensions = array<i32: 0>} : vector<16xi32>
        %add3A_40 = vector.broadcast %add3A_39 : i32 to vector<16xi32>
        %add3A_41 = arith.addi %iota3A, %add3A_40 : vector<16xi32>
        %get3A = arith.index_cast %add3A_39 : i32 to index
        %get3A_42 = tpu.vector_load %arg9[%get3A] {strides = array<i32>} : memref<1664xi32, #tpu.memory_space<vmem>>, vector<16xi32>,
        %gather3A = tpu.vector_load_idx %arg11[%add3A_41, %get3A_42] : memref<1664x16xf32, #tpu.memory_space<vmem>>[vector<16xi32>, vector<16xi32>], vector<16xf32>,
        %swap3A = arith.index_cast %add3A_39 : i32 to index
        %swap3A_43 = tpu.vector_load %arg12[%swap3A] {strides = array<i32>} : memref<1664xf32, #tpu.memory_space<vmem>>, vector<16xf32>,
        tpu.vector_store %arg12[%swap3A], %gather3A {strides = array<i32>} : memref<1664xf32, #tpu.memory_space<vmem>>, vector<16xf32>,
      }
      %scan3A_34 = arith.constant 104 : i32
      "tpu.region"() ({
        %run_scoped3A = tpu.sem_alloc : memref<!tpu.dma_semaphore, #tpu.memory_space<semaphore_mem>>
        %dma_start3A_35 = arith.constant 0 : i32
        %dma_start3A_36 = tpu.memref_slice %arg5[%add3A_14, %dma_start3A_35] : memref<212992x16xf32, #tpu.memory_space<hbm>> -> memref<1664x16xf32, #tpu.memory_space<hbm>>
        %dma_start3A_37 = arith.constant 0 : i32
        %dma_start3A_38 = tpu.memref_slice %arg5[%add3A_14, %dma_start3A_37] : memref<212992x16xf32, #tpu.memory_space<hbm>> -> memref<1664x16xf32, #tpu.memory_space<hbm>>
        tpu.enqueue_dma source(%arg10 : memref<1664x16xf32, #tpu.memory_space<vmem>>) target(%dma_start3A_38 : memref<1664x16xf32, #tpu.memory_space<hbm>>) target_semaphore(%run_scoped3A : memref<!tpu.dma_semaphore, #tpu.memory_space<semaphore_mem>>)
        %dma_wait3A_39 = arith.constant 0 : i32
        %dma_wait3A_40 = tpu.memref_slice %arg5[%add3A_14, %dma_wait3A_39] : memref<212992x16xf32, #tpu.memory_space<hbm>> -> memref<1664x16xf32, #tpu.memory_space<hbm>>
        %dma_wait3A_41 = arith.constant 0 : i32
        %dma_wait3A_42 = tpu.memref_slice %arg5[%add3A_14, %dma_wait3A_41] : memref<212992x16xf32, #tpu.memory_space<hbm>> -> memref<1664x16xf32, #tpu.memory_space<hbm>>
        tpu.wait_dma2 semaphore(%run_scoped3A : memref<!tpu.dma_semaphore, #tpu.memory_space<semaphore_mem>>) src(%arg10 : memref<1664x16xf32, #tpu.memory_space<vmem>>) dst(%dma_wait3A_42 : memref<1664x16xf32, #tpu.memory_space<hbm>>)
        tpu.yield
      }) : () -> ()
      "tpu.region"() ({
        %run_scoped3A = tpu.sem_alloc : memref<!tpu.dma_semaphore, #tpu.memory_space<semaphore_mem>>
        %dma_start3A_35 = tpu.memref_slice %arg6[%add3A_14] : memref<212992xf32, #tpu.memory_space<hbm>> -> memref<1664xf32, #tpu.memory_space<hbm>>
        %dma_start3A_36 = tpu.memref_slice %arg6[%add3A_14] : memref<212992xf32, #tpu.memory_space<hbm>> -> memref<1664xf32, #tpu.memory_space<hbm>>
        tpu.enqueue_dma source(%arg12 : memref<1664xf32, #tpu.memory_space<vmem>>) target(%dma_start3A_36 : memref<1664xf32, #tpu.memory_space<hbm>>) target_semaphore(%run_scoped3A : memref<!tpu.dma_semaphore, #tpu.memory_space<semaphore_mem>>)
        %dma_wait3A_37 = tpu.memref_slice %arg6[%add3A_14] : memref<212992xf32, #tpu.memory_space<hbm>> -> memref<1664xf32, #tpu.memory_space<hbm>>
        %dma_wait3A_38 = tpu.memref_slice %arg6[%add3A_14] : memref<212992xf32, #tpu.memory_space<hbm>> -> memref<1664xf32, #tpu.memory_space<hbm>>
        tpu.wait_dma2 semaphore(%run_scoped3A : memref<!tpu.dma_semaphore, #tpu.memory_space<semaphore_mem>>) src(%arg12 : memref<1664xf32, #tpu.memory_space<vmem>>) dst(%dma_wait3A_38 : memref<1664xf32, #tpu.memory_space<hbm>>)
        tpu.yield
      }) : () -> ()
    }
    %scan3A_6 = arith.constant 4 : i32
    return
  }
}

#map = affine_map<(d0, d1) -> (0, 0)>
#map1 = affine_map<(d0, d1) -> (0)>
module attributes {stable_mosaic.version = 14 : i64} {
  func.func @transpose_kernel(%arg0: i32, %arg1: i32, %arg2: memref<16x2600000xf32, #tpu.memory_space<hbm>>, %arg3: memref<41600000xf32, #tpu.memory_space<hbm>>, %arg4: memref<16x512xf32, #tpu.memory_space<vmem>>, %arg5: memref<16x512xf32, #tpu.memory_space<vmem>>, %arg6: memref<8192xf32, #tpu.memory_space<vmem>>, %arg7: memref<8192xf32, #tpu.memory_space<vmem>>, %arg8: memref<!tpu.dma_semaphore, #tpu.memory_space<semaphore_mem>>, %arg9: memref<!tpu.dma_semaphore, #tpu.memory_space<semaphore_mem>>, %arg10: memref<!tpu.dma_semaphore, #tpu.memory_space<semaphore_mem>>, %arg11: memref<!tpu.dma_semaphore, #tpu.memory_space<semaphore_mem>>) attributes {dimension_semantics = [#tpu.dimension_semantics<core_parallel>, #tpu.dimension_semantics<subcore_parallel>], iteration_bounds = array<i64: 2, 16>, scalar_prefetch = 0 : i64, scratch_operands = 8 : i64, tpu.core_type = #tpu.core_type<sc_vector_subcore>, window_params = [{transform_indices = #map}, {transform_indices = #map1}]} {
    %mul3A = arith.constant 2 : i32
    %mul3A_0 = arith.muli %arg1, %mul3A : i32
    %add3A = arith.addi %mul3A_0, %arg0 : i32
    %iota3A = tpu.iota {dimensions = array<i32: 0>} : vector<16xi32>
    %mul3A_1 = arith.constant 16 : i32
    %mul3A_2 = vector.broadcast %mul3A_1 : i32 to vector<16xi32>
    %mul3A_3 = arith.muli %iota3A, %mul3A_2 : vector<16xi32>
    %add3A_4 = arith.constant 0 : i32
    %add3A_5 = arith.addi %add3A_4, %add3A : i32
    %lt3A = arith.constant 5078 : i32
    %lt3A_6 = arith.cmpi slt, %add3A_5, %lt3A : i32
    %and3A = arith.constant true
    %and3A_7 = arith.andi %and3A, %lt3A_6 : i1
    %convert_element_type3A = arith.extui %and3A_7 : i1 to i32
    %cond3A = arith.constant 0 : i32
    %cond3A_8 = arith.cmpi ne, %convert_element_type3A, %cond3A : i32
    scf.if %cond3A_8 {
      %add3A_40 = arith.constant 0 : i32
      %add3A_41 = arith.addi %add3A_40, %add3A : i32
      %mul3A_42 = arith.constant 512 : i32
      %mul3A_43 = arith.muli %add3A_41, %mul3A_42 : i32
      %dma_start3A = arith.constant 0 : i32
      %dma_start3A_44 = tpu.memref_slice %arg2[%dma_start3A, %mul3A_43] : memref<16x2600000xf32, #tpu.memory_space<hbm>> -> memref<16x512xf32, #tpu.memory_space<hbm>>
      %dma_start3A_45 = arith.constant 0 : i32
      %dma_start3A_46 = tpu.memref_slice %arg2[%dma_start3A_45, %mul3A_43] : memref<16x2600000xf32, #tpu.memory_space<hbm>> -> memref<16x512xf32, #tpu.memory_space<hbm>>
      tpu.enqueue_dma source(%dma_start3A_46 : memref<16x512xf32, #tpu.memory_space<hbm>>) target(%arg4 : memref<16x512xf32, #tpu.memory_space<vmem>>) target_semaphore(%arg8 : memref<!tpu.dma_semaphore, #tpu.memory_space<semaphore_mem>>)
    } else {
    }
    %add3A_9 = arith.constant 32 : i32
    %add3A_10 = arith.addi %add3A_9, %add3A : i32
    %lt3A_11 = arith.constant 5078 : i32
    %lt3A_12 = arith.cmpi slt, %add3A_10, %lt3A_11 : i32
    %and3A_13 = arith.constant true
    %and3A_14 = arith.andi %and3A_13, %lt3A_12 : i1
    %convert_element_type3A_15 = arith.extui %and3A_14 : i1 to i32
    %cond3A_16 = arith.constant 0 : i32
    %cond3A_17 = arith.cmpi ne, %convert_element_type3A_15, %cond3A_16 : i32
    scf.if %cond3A_17 {
      %add3A_40 = arith.constant 32 : i32
      %add3A_41 = arith.addi %add3A_40, %add3A : i32
      %mul3A_42 = arith.constant 512 : i32
      %mul3A_43 = arith.muli %add3A_41, %mul3A_42 : i32
      %dma_start3A = arith.constant 0 : i32
      %dma_start3A_44 = tpu.memref_slice %arg2[%dma_start3A, %mul3A_43] : memref<16x2600000xf32, #tpu.memory_space<hbm>> -> memref<16x512xf32, #tpu.memory_space<hbm>>
      %dma_start3A_45 = arith.constant 0 : i32
      %dma_start3A_46 = tpu.memref_slice %arg2[%dma_start3A_45, %mul3A_43] : memref<16x2600000xf32, #tpu.memory_space<hbm>> -> memref<16x512xf32, #tpu.memory_space<hbm>>
      tpu.enqueue_dma source(%dma_start3A_46 : memref<16x512xf32, #tpu.memory_space<hbm>>) target(%arg5 : memref<16x512xf32, #tpu.memory_space<vmem>>) target_semaphore(%arg9 : memref<!tpu.dma_semaphore, #tpu.memory_space<semaphore_mem>>)
    } else {
    }
    %scan3A = arith.constant 0 : i32
    %scan3A_18 = arith.constant 80 : i32
    %scan3A_19 = arith.addi %scan3A, %scan3A_18 : i32
    %scan3A_20 = arith.constant 1 : i32
    scf.for %scan3A_40 = %scan3A to %scan3A_19 step %scan3A_20  : i32 {
      %mul3A_41 = arith.constant 2 : i32
      %mul3A_42 = arith.muli %scan3A_40, %mul3A_41 : i32
      %add3A_43 = arith.constant 0 : i32
      %add3A_44 = arith.addi %add3A_43, %mul3A_42 : i32
      %add3A_45 = arith.constant 2 : i32
      %add3A_46 = arith.addi %add3A_44, %add3A_45 : i32
      %ge3A = arith.constant 0 : i32
      %ge3A_47 = arith.cmpi sge, %add3A_46, %ge3A : i32
      %lt3A_48 = arith.constant 160 : i32
      %lt3A_49 = arith.cmpi slt, %add3A_46, %lt3A_48 : i32
      %and3A_50 = arith.andi %ge3A_47, %lt3A_49 : i1
      %mul3A_51 = arith.constant 32 : i32
      %mul3A_52 = arith.muli %add3A_46, %mul3A_51 : i32
      %add3A_53 = arith.addi %mul3A_52, %add3A : i32
      %lt3A_54 = arith.constant 5078 : i32
      %lt3A_55 = arith.cmpi slt, %add3A_53, %lt3A_54 : i32
      %and3A_56 = arith.andi %and3A_50, %lt3A_55 : i1
      %convert_element_type3A_57 = arith.extui %and3A_56 : i1 to i32
      %cond3A_58 = arith.constant 0 : i32
      %cond3A_59 = arith.cmpi ne, %convert_element_type3A_57, %cond3A_58 : i32
      scf.if %cond3A_59 {
        %mul3A_137 = arith.constant 32 : i32
        %mul3A_138 = arith.muli %add3A_46, %mul3A_137 : i32
        %add3A_139 = arith.addi %mul3A_138, %add3A : i32
        %mul3A_140 = arith.constant 512 : i32
        %mul3A_141 = arith.muli %add3A_139, %mul3A_140 : i32
        %dma_start3A = arith.constant 0 : i32
        %dma_start3A_142 = tpu.memref_slice %arg2[%dma_start3A, %mul3A_141] : memref<16x2600000xf32, #tpu.memory_space<hbm>> -> memref<16x512xf32, #tpu.memory_space<hbm>>
        %dma_start3A_143 = arith.constant 0 : i32
        %dma_start3A_144 = tpu.memref_slice %arg2[%dma_start3A_143, %mul3A_141] : memref<16x2600000xf32, #tpu.memory_space<hbm>> -> memref<16x512xf32, #tpu.memory_space<hbm>>
        tpu.enqueue_dma source(%dma_start3A_144 : memref<16x512xf32, #tpu.memory_space<hbm>>) target(%arg4 : memref<16x512xf32, #tpu.memory_space<vmem>>) target_semaphore(%arg8 : memref<!tpu.dma_semaphore, #tpu.memory_space<semaphore_mem>>)
      } else {
      }
      %sub3A = arith.constant 2 : i32
      %sub3A_60 = arith.subi %add3A_44, %sub3A : i32
      %ge3A_61 = arith.constant 0 : i32
      %ge3A_62 = arith.cmpi sge, %sub3A_60, %ge3A_61 : i32
      %lt3A_63 = arith.constant 160 : i32
      %lt3A_64 = arith.cmpi slt, %sub3A_60, %lt3A_63 : i32
      %and3A_65 = arith.andi %ge3A_62, %lt3A_64 : i1
      %mul3A_66 = arith.constant 32 : i32
      %mul3A_67 = arith.muli %sub3A_60, %mul3A_66 : i32
      %add3A_68 = arith.addi %mul3A_67, %add3A : i32
      %lt3A_69 = arith.constant 5078 : i32
      %lt3A_70 = arith.cmpi slt, %add3A_68, %lt3A_69 : i32
      %and3A_71 = arith.andi %and3A_65, %lt3A_70 : i1
      %convert_element_type3A_72 = arith.extui %and3A_71 : i1 to i32
      %cond3A_73 = arith.constant 0 : i32
      %cond3A_74 = arith.cmpi ne, %convert_element_type3A_72, %cond3A_73 : i32
      scf.if %cond3A_74 {
        %sub3A_137 = arith.constant 2 : i32
        %sub3A_138 = arith.subi %add3A_44, %sub3A_137 : i32
        %mul3A_139 = arith.constant 32 : i32
        %mul3A_140 = arith.muli %sub3A_138, %mul3A_139 : i32
        %add3A_141 = arith.addi %mul3A_140, %add3A : i32
        %mul3A_142 = arith.constant 512 : i32
        %mul3A_143 = arith.muli %add3A_141, %mul3A_142 : i32
        %mul3A_144 = arith.constant 16 : i32
        %mul3A_145 = arith.muli %mul3A_143, %mul3A_144 : i32
        %dma_wait3A = tpu.memref_slice %arg3[%mul3A_145] : memref<41600000xf32, #tpu.memory_space<hbm>> -> memref<8192xf32, #tpu.memory_space<hbm>>
        %dma_wait3A_146 = tpu.memref_slice %arg3[%mul3A_145] : memref<41600000xf32, #tpu.memory_space<hbm>> -> memref<8192xf32, #tpu.memory_space<hbm>>
        tpu.wait_dma2 semaphore(%arg10 : memref<!tpu.dma_semaphore, #tpu.memory_space<semaphore_mem>>) src(%arg6 : memref<8192xf32, #tpu.memory_space<vmem>>) dst(%dma_wait3A_146 : memref<8192xf32, #tpu.memory_space<hbm>>)
      } else {
      }
      %ge3A_75 = arith.constant 0 : i32
      %ge3A_76 = arith.cmpi sge, %add3A_44, %ge3A_75 : i32
      %lt3A_77 = arith.constant 160 : i32
      %lt3A_78 = arith.cmpi slt, %add3A_44, %lt3A_77 : i32
      %and3A_79 = arith.andi %ge3A_76, %lt3A_78 : i1
      %mul3A_80 = arith.constant 32 : i32
      %mul3A_81 = arith.muli %add3A_44, %mul3A_80 : i32
      %add3A_82 = arith.addi %mul3A_81, %add3A : i32
      %lt3A_83 = arith.constant 5078 : i32
      %lt3A_84 = arith.cmpi slt, %add3A_82, %lt3A_83 : i32
      %and3A_85 = arith.andi %and3A_79, %lt3A_84 : i1
      %convert_element_type3A_86 = arith.extui %and3A_85 : i1 to i32
      %cond3A_87 = arith.constant 0 : i32
      %cond3A_88 = arith.cmpi ne, %convert_element_type3A_86, %cond3A_87 : i32
      scf.if %cond3A_88 {
        %mul3A_137 = arith.constant 32 : i32
        %mul3A_138 = arith.muli %add3A_44, %mul3A_137 : i32
        %add3A_139 = arith.addi %mul3A_138, %add3A : i32
        %mul3A_140 = arith.constant 512 : i32
        %mul3A_141 = arith.muli %add3A_139, %mul3A_140 : i32
        %dma_wait3A = arith.constant 0 : i32
        %dma_wait3A_142 = tpu.memref_slice %arg2[%dma_wait3A, %mul3A_141] : memref<16x2600000xf32, #tpu.memory_space<hbm>> -> memref<16x512xf32, #tpu.memory_space<hbm>>
        %dma_wait3A_143 = arith.constant 0 : i32
        %dma_wait3A_144 = tpu.memref_slice %arg2[%dma_wait3A_143, %mul3A_141] : memref<16x2600000xf32, #tpu.memory_space<hbm>> -> memref<16x512xf32, #tpu.memory_space<hbm>>
        tpu.wait_dma2 semaphore(%arg8 : memref<!tpu.dma_semaphore, #tpu.memory_space<semaphore_mem>>) src(%dma_wait3A_144 : memref<16x512xf32, #tpu.memory_space<hbm>>) dst(%arg4 : memref<16x512xf32, #tpu.memory_space<vmem>>)
        %scan3A_145 = arith.constant 0 : i32
        %scan3A_146 = arith.constant 16 : i32
        %scan3A_147 = arith.addi %scan3A_145, %scan3A_146 : i32
        %scan3A_148 = arith.constant 1 : i32
        scf.for %scan3A_158 = %scan3A_145 to %scan3A_147 step %scan3A_148  : i32 {
          %mul3A_159 = arith.constant 32 : i32
          %mul3A_160 = arith.muli %scan3A_158, %mul3A_159 : i32
          %add3A_161 = arith.constant 0 : i32
          %add3A_162 = arith.addi %add3A_161, %mul3A_160 : i32
          %add3A_163 = arith.constant 0 : i32
          %add3A_164 = arith.addi %add3A_162, %add3A_163 : i32
          %get3A = arith.constant 0 : i32
          %get3A_165 = arith.index_cast %get3A : i32 to index
          %get3A_166 = arith.index_cast %add3A_164 : i32 to index
          %get3A_167 = tpu.vector_load %arg4[%get3A_165, %get3A_166] {strides = array<i32>} : memref<16x512xf32, #tpu.memory_space<vmem>>, vector<16xf32>,
          %mul3A_168 = arith.constant 16 : i32
          %mul3A_169 = arith.muli %add3A_164, %mul3A_168 : i32
          %add3A_170 = arith.constant 0 : i32
          %add3A_171 = arith.addi %mul3A_169, %add3A_170 : i32
          %add3A_172 = vector.broadcast %add3A_171 : i32 to vector<16xi32>
          %add3A_173 = arith.addi %mul3A_3, %add3A_172 : vector<16xi32>
          tpu.vector_store_idx %arg6[%add3A_173], %get3A_167 : memref<8192xf32, #tpu.memory_space<vmem>>[vector<16xi32>], vector<16xf32>,
          %get3A_174 = arith.constant 1 : i32
          %get3A_175 = arith.index_cast %get3A_174 : i32 to index
          %get3A_176 = arith.index_cast %add3A_164 : i32 to index
          %get3A_177 = tpu.vector_load %arg4[%get3A_175, %get3A_176] {strides = array<i32>} : memref<16x512xf32, #tpu.memory_space<vmem>>, vector<16xf32>,
          %mul3A_178 = arith.constant 16 : i32
          %mul3A_179 = arith.muli %add3A_164, %mul3A_178 : i32
          %add3A_180 = arith.constant 1 : i32
          %add3A_181 = arith.addi %mul3A_179, %add3A_180 : i32
          %add3A_182 = vector.broadcast %add3A_181 : i32 to vector<16xi32>
          %add3A_183 = arith.addi %mul3A_3, %add3A_182 : vector<16xi32>
          tpu.vector_store_idx %arg6[%add3A_183], %get3A_177 : memref<8192xf32, #tpu.memory_space<vmem>>[vector<16xi32>], vector<16xf32>,
          %get3A_184 = arith.constant 2 : i32
          %get3A_185 = arith.index_cast %get3A_184 : i32 to index
          %get3A_186 = arith.index_cast %add3A_164 : i32 to index
          %get3A_187 = tpu.vector_load %arg4[%get3A_185, %get3A_186] {strides = array<i32>} : memref<16x512xf32, #tpu.memory_space<vmem>>, vector<16xf32>,
          %mul3A_188 = arith.constant 16 : i32
          %mul3A_189 = arith.muli %add3A_164, %mul3A_188 : i32
          %add3A_190 = arith.constant 2 : i32
          %add3A_191 = arith.addi %mul3A_189, %add3A_190 : i32
          %add3A_192 = vector.broadcast %add3A_191 : i32 to vector<16xi32>
          %add3A_193 = arith.addi %mul3A_3, %add3A_192 : vector<16xi32>
          tpu.vector_store_idx %arg6[%add3A_193], %get3A_187 : memref<8192xf32, #tpu.memory_space<vmem>>[vector<16xi32>], vector<16xf32>,
          %get3A_194 = arith.constant 3 : i32
          %get3A_195 = arith.index_cast %get3A_194 : i32 to index
          %get3A_196 = arith.index_cast %add3A_164 : i32 to index
          %get3A_197 = tpu.vector_load %arg4[%get3A_195, %get3A_196] {strides = array<i32>} : memref<16x512xf32, #tpu.memory_space<vmem>>, vector<16xf32>,
          %mul3A_198 = arith.constant 16 : i32
          %mul3A_199 = arith.muli %add3A_164, %mul3A_198 : i32
          %add3A_200 = arith.constant 3 : i32
          %add3A_201 = arith.addi %mul3A_199, %add3A_200 : i32
          %add3A_202 = vector.broadcast %add3A_201 : i32 to vector<16xi32>
          %add3A_203 = arith.addi %mul3A_3, %add3A_202 : vector<16xi32>
          tpu.vector_store_idx %arg6[%add3A_203], %get3A_197 : memref<8192xf32, #tpu.memory_space<vmem>>[vector<16xi32>], vector<16xf32>,
          %get3A_204 = arith.constant 4 : i32
          %get3A_205 = arith.index_cast %get3A_204 : i32 to index
          %get3A_206 = arith.index_cast %add3A_164 : i32 to index
          %get3A_207 = tpu.vector_load %arg4[%get3A_205, %get3A_206] {strides = array<i32>} : memref<16x512xf32, #tpu.memory_space<vmem>>, vector<16xf32>,
          %mul3A_208 = arith.constant 16 : i32
          %mul3A_209 = arith.muli %add3A_164, %mul3A_208 : i32
          %add3A_210 = arith.constant 4 : i32
          %add3A_211 = arith.addi %mul3A_209, %add3A_210 : i32
          %add3A_212 = vector.broadcast %add3A_211 : i32 to vector<16xi32>
          %add3A_213 = arith.addi %mul3A_3, %add3A_212 : vector<16xi32>
          tpu.vector_store_idx %arg6[%add3A_213], %get3A_207 : memref<8192xf32, #tpu.memory_space<vmem>>[vector<16xi32>], vector<16xf32>,
          %get3A_214 = arith.constant 5 : i32
          %get3A_215 = arith.index_cast %get3A_214 : i32 to index
          %get3A_216 = arith.index_cast %add3A_164 : i32 to index
          %get3A_217 = tpu.vector_load %arg4[%get3A_215, %get3A_216] {strides = array<i32>} : memref<16x512xf32, #tpu.memory_space<vmem>>, vector<16xf32>,
          %mul3A_218 = arith.constant 16 : i32
          %mul3A_219 = arith.muli %add3A_164, %mul3A_218 : i32
          %add3A_220 = arith.constant 5 : i32
          %add3A_221 = arith.addi %mul3A_219, %add3A_220 : i32
          %add3A_222 = vector.broadcast %add3A_221 : i32 to vector<16xi32>
          %add3A_223 = arith.addi %mul3A_3, %add3A_222 : vector<16xi32>
          tpu.vector_store_idx %arg6[%add3A_223], %get3A_217 : memref<8192xf32, #tpu.memory_space<vmem>>[vector<16xi32>], vector<16xf32>,
          %get3A_224 = arith.constant 6 : i32
          %get3A_225 = arith.index_cast %get3A_224 : i32 to index
          %get3A_226 = arith.index_cast %add3A_164 : i32 to index
          %get3A_227 = tpu.vector_load %arg4[%get3A_225, %get3A_226] {strides = array<i32>} : memref<16x512xf32, #tpu.memory_space<vmem>>, vector<16xf32>,
          %mul3A_228 = arith.constant 16 : i32
          %mul3A_229 = arith.muli %add3A_164, %mul3A_228 : i32
          %add3A_230 = arith.constant 6 : i32
          %add3A_231 = arith.addi %mul3A_229, %add3A_230 : i32
          %add3A_232 = vector.broadcast %add3A_231 : i32 to vector<16xi32>
          %add3A_233 = arith.addi %mul3A_3, %add3A_232 : vector<16xi32>
          tpu.vector_store_idx %arg6[%add3A_233], %get3A_227 : memref<8192xf32, #tpu.memory_space<vmem>>[vector<16xi32>], vector<16xf32>,
          %get3A_234 = arith.constant 7 : i32
          %get3A_235 = arith.index_cast %get3A_234 : i32 to index
          %get3A_236 = arith.index_cast %add3A_164 : i32 to index
          %get3A_237 = tpu.vector_load %arg4[%get3A_235, %get3A_236] {strides = array<i32>} : memref<16x512xf32, #tpu.memory_space<vmem>>, vector<16xf32>,
          %mul3A_238 = arith.constant 16 : i32
          %mul3A_239 = arith.muli %add3A_164, %mul3A_238 : i32
          %add3A_240 = arith.constant 7 : i32
          %add3A_241 = arith.addi %mul3A_239, %add3A_240 : i32
          %add3A_242 = vector.broadcast %add3A_241 : i32 to vector<16xi32>
          %add3A_243 = arith.addi %mul3A_3, %add3A_242 : vector<16xi32>
          tpu.vector_store_idx %arg6[%add3A_243], %get3A_237 : memref<8192xf32, #tpu.memory_space<vmem>>[vector<16xi32>], vector<16xf32>,
          %get3A_244 = arith.constant 8 : i32
          %get3A_245 = arith.index_cast %get3A_244 : i32 to index
          %get3A_246 = arith.index_cast %add3A_164 : i32 to index
          %get3A_247 = tpu.vector_load %arg4[%get3A_245, %get3A_246] {strides = array<i32>} : memref<16x512xf32, #tpu.memory_space<vmem>>, vector<16xf32>,
          %mul3A_248 = arith.constant 16 : i32
          %mul3A_249 = arith.muli %add3A_164, %mul3A_248 : i32
          %add3A_250 = arith.constant 8 : i32
          %add3A_251 = arith.addi %mul3A_249, %add3A_250 : i32
          %add3A_252 = vector.broadcast %add3A_251 : i32 to vector<16xi32>
          %add3A_253 = arith.addi %mul3A_3, %add3A_252 : vector<16xi32>
          tpu.vector_store_idx %arg6[%add3A_253], %get3A_247 : memref<8192xf32, #tpu.memory_space<vmem>>[vector<16xi32>], vector<16xf32>,
          %get3A_254 = arith.constant 9 : i32
          %get3A_255 = arith.index_cast %get3A_254 : i32 to index
          %get3A_256 = arith.index_cast %add3A_164 : i32 to index
          %get3A_257 = tpu.vector_load %arg4[%get3A_255, %get3A_256] {strides = array<i32>} : memref<16x512xf32, #tpu.memory_space<vmem>>, vector<16xf32>,
          %mul3A_258 = arith.constant 16 : i32
          %mul3A_259 = arith.muli %add3A_164, %mul3A_258 : i32
          %add3A_260 = arith.constant 9 : i32
          %add3A_261 = arith.addi %mul3A_259, %add3A_260 : i32
          %add3A_262 = vector.broadcast %add3A_261 : i32 to vector<16xi32>
          %add3A_263 = arith.addi %mul3A_3, %add3A_262 : vector<16xi32>
          tpu.vector_store_idx %arg6[%add3A_263], %get3A_257 : memref<8192xf32, #tpu.memory_space<vmem>>[vector<16xi32>], vector<16xf32>,
          %get3A_264 = arith.constant 10 : i32
          %get3A_265 = arith.index_cast %get3A_264 : i32 to index
          %get3A_266 = arith.index_cast %add3A_164 : i32 to index
          %get3A_267 = tpu.vector_load %arg4[%get3A_265, %get3A_266] {strides = array<i32>} : memref<16x512xf32, #tpu.memory_space<vmem>>, vector<16xf32>,
          %mul3A_268 = arith.constant 16 : i32
          %mul3A_269 = arith.muli %add3A_164, %mul3A_268 : i32
          %add3A_270 = arith.constant 10 : i32
          %add3A_271 = arith.addi %mul3A_269, %add3A_270 : i32
          %add3A_272 = vector.broadcast %add3A_271 : i32 to vector<16xi32>
          %add3A_273 = arith.addi %mul3A_3, %add3A_272 : vector<16xi32>
          tpu.vector_store_idx %arg6[%add3A_273], %get3A_267 : memref<8192xf32, #tpu.memory_space<vmem>>[vector<16xi32>], vector<16xf32>,
          %get3A_274 = arith.constant 11 : i32
          %get3A_275 = arith.index_cast %get3A_274 : i32 to index
          %get3A_276 = arith.index_cast %add3A_164 : i32 to index
          %get3A_277 = tpu.vector_load %arg4[%get3A_275, %get3A_276] {strides = array<i32>} : memref<16x512xf32, #tpu.memory_space<vmem>>, vector<16xf32>,
          %mul3A_278 = arith.constant 16 : i32
          %mul3A_279 = arith.muli %add3A_164, %mul3A_278 : i32
          %add3A_280 = arith.constant 11 : i32
          %add3A_281 = arith.addi %mul3A_279, %add3A_280 : i32
          %add3A_282 = vector.broadcast %add3A_281 : i32 to vector<16xi32>
          %add3A_283 = arith.addi %mul3A_3, %add3A_282 : vector<16xi32>
          tpu.vector_store_idx %arg6[%add3A_283], %get3A_277 : memref<8192xf32, #tpu.memory_space<vmem>>[vector<16xi32>], vector<16xf32>,
          %get3A_284 = arith.constant 12 : i32
          %get3A_285 = arith.index_cast %get3A_284 : i32 to index
          %get3A_286 = arith.index_cast %add3A_164 : i32 to index
          %get3A_287 = tpu.vector_load %arg4[%get3A_285, %get3A_286] {strides = array<i32>} : memref<16x512xf32, #tpu.memory_space<vmem>>, vector<16xf32>,
          %mul3A_288 = arith.constant 16 : i32
          %mul3A_289 = arith.muli %add3A_164, %mul3A_288 : i32
          %add3A_290 = arith.constant 12 : i32
          %add3A_291 = arith.addi %mul3A_289, %add3A_290 : i32
          %add3A_292 = vector.broadcast %add3A_291 : i32 to vector<16xi32>
          %add3A_293 = arith.addi %mul3A_3, %add3A_292 : vector<16xi32>
          tpu.vector_store_idx %arg6[%add3A_293], %get3A_287 : memref<8192xf32, #tpu.memory_space<vmem>>[vector<16xi32>], vector<16xf32>,
          %get3A_294 = arith.constant 13 : i32
          %get3A_295 = arith.index_cast %get3A_294 : i32 to index
          %get3A_296 = arith.index_cast %add3A_164 : i32 to index
          %get3A_297 = tpu.vector_load %arg4[%get3A_295, %get3A_296] {strides = array<i32>} : memref<16x512xf32, #tpu.memory_space<vmem>>, vector<16xf32>,
          %mul3A_298 = arith.constant 16 : i32
          %mul3A_299 = arith.muli %add3A_164, %mul3A_298 : i32
          %add3A_300 = arith.constant 13 : i32
          %add3A_301 = arith.addi %mul3A_299, %add3A_300 : i32
          %add3A_302 = vector.broadcast %add3A_301 : i32 to vector<16xi32>
          %add3A_303 = arith.addi %mul3A_3, %add3A_302 : vector<16xi32>
          tpu.vector_store_idx %arg6[%add3A_303], %get3A_297 : memref<8192xf32, #tpu.memory_space<vmem>>[vector<16xi32>], vector<16xf32>,
          %get3A_304 = arith.constant 14 : i32
          %get3A_305 = arith.index_cast %get3A_304 : i32 to index
          %get3A_306 = arith.index_cast %add3A_164 : i32 to index
          %get3A_307 = tpu.vector_load %arg4[%get3A_305, %get3A_306] {strides = array<i32>} : memref<16x512xf32, #tpu.memory_space<vmem>>, vector<16xf32>,
          %mul3A_308 = arith.constant 16 : i32
          %mul3A_309 = arith.muli %add3A_164, %mul3A_308 : i32
          %add3A_310 = arith.constant 14 : i32
          %add3A_311 = arith.addi %mul3A_309, %add3A_310 : i32
          %add3A_312 = vector.broadcast %add3A_311 : i32 to vector<16xi32>
          %add3A_313 = arith.addi %mul3A_3, %add3A_312 : vector<16xi32>
          tpu.vector_store_idx %arg6[%add3A_313], %get3A_307 : memref<8192xf32, #tpu.memory_space<vmem>>[vector<16xi32>], vector<16xf32>,
          %get3A_314 = arith.constant 15 : i32
          %get3A_315 = arith.index_cast %get3A_314 : i32 to index
          %get3A_316 = arith.index_cast %add3A_164 : i32 to index
          %get3A_317 = tpu.vector_load %arg4[%get3A_315, %get3A_316] {strides = array<i32>} : memref<16x512xf32, #tpu.memory_space<vmem>>, vector<16xf32>,
          %mul3A_318 = arith.constant 16 : i32
          %mul3A_319 = arith.muli %add3A_164, %mul3A_318 : i32
          %add3A_320 = arith.constant 15 : i32
          %add3A_321 = arith.addi %mul3A_319, %add3A_320 : i32
          %add3A_322 = vector.broadcast %add3A_321 : i32 to vector<16xi32>
          %add3A_323 = arith.addi %mul3A_3, %add3A_322 : vector<16xi32>
          tpu.vector_store_idx %arg6[%add3A_323], %get3A_317 : memref<8192xf32, #tpu.memory_space<vmem>>[vector<16xi32>], vector<16xf32>,
          %add3A_324 = arith.constant 16 : i32
          %add3A_325 = arith.addi %add3A_162, %add3A_324 : i32
          %get3A_326 = arith.constant 0 : i32
          %get3A_327 = arith.index_cast %get3A_326 : i32 to index
          %get3A_328 = arith.index_cast %add3A_325 : i32 to index
          %get3A_329 = tpu.vector_load %arg4[%get3A_327, %get3A_328] {strides = array<i32>} : memref<16x512xf32, #tpu.memory_space<vmem>>, vector<16xf32>,
          %mul3A_330 = arith.constant 16 : i32
          %mul3A_331 = arith.muli %add3A_325, %mul3A_330 : i32
          %add3A_332 = arith.constant 0 : i32
          %add3A_333 = arith.addi %mul3A_331, %add3A_332 : i32
          %add3A_334 = vector.broadcast %add3A_333 : i32 to vector<16xi32>
          %add3A_335 = arith.addi %mul3A_3, %add3A_334 : vector<16xi32>
          tpu.vector_store_idx %arg6[%add3A_335], %get3A_329 : memref<8192xf32, #tpu.memory_space<vmem>>[vector<16xi32>], vector<16xf32>,
          %get3A_336 = arith.constant 1 : i32
          %get3A_337 = arith.index_cast %get3A_336 : i32 to index
          %get3A_338 = arith.index_cast %add3A_325 : i32 to index
          %get3A_339 = tpu.vector_load %arg4[%get3A_337, %get3A_338] {strides = array<i32>} : memref<16x512xf32, #tpu.memory_space<vmem>>, vector<16xf32>,
          %mul3A_340 = arith.constant 16 : i32
          %mul3A_341 = arith.muli %add3A_325, %mul3A_340 : i32
          %add3A_342 = arith.constant 1 : i32
          %add3A_343 = arith.addi %mul3A_341, %add3A_342 : i32
          %add3A_344 = vector.broadcast %add3A_343 : i32 to vector<16xi32>
          %add3A_345 = arith.addi %mul3A_3, %add3A_344 : vector<16xi32>
          tpu.vector_store_idx %arg6[%add3A_345], %get3A_339 : memref<8192xf32, #tpu.memory_space<vmem>>[vector<16xi32>], vector<16xf32>,
          %get3A_346 = arith.constant 2 : i32
          %get3A_347 = arith.index_cast %get3A_346 : i32 to index
          %get3A_348 = arith.index_cast %add3A_325 : i32 to index
          %get3A_349 = tpu.vector_load %arg4[%get3A_347, %get3A_348] {strides = array<i32>} : memref<16x512xf32, #tpu.memory_space<vmem>>, vector<16xf32>,
          %mul3A_350 = arith.constant 16 : i32
          %mul3A_351 = arith.muli %add3A_325, %mul3A_350 : i32
          %add3A_352 = arith.constant 2 : i32
          %add3A_353 = arith.addi %mul3A_351, %add3A_352 : i32
          %add3A_354 = vector.broadcast %add3A_353 : i32 to vector<16xi32>
          %add3A_355 = arith.addi %mul3A_3, %add3A_354 : vector<16xi32>
          tpu.vector_store_idx %arg6[%add3A_355], %get3A_349 : memref<8192xf32, #tpu.memory_space<vmem>>[vector<16xi32>], vector<16xf32>,
          %get3A_356 = arith.constant 3 : i32
          %get3A_357 = arith.index_cast %get3A_356 : i32 to index
          %get3A_358 = arith.index_cast %add3A_325 : i32 to index
          %get3A_359 = tpu.vector_load %arg4[%get3A_357, %get3A_358] {strides = array<i32>} : memref<16x512xf32, #tpu.memory_space<vmem>>, vector<16xf32>,
          %mul3A_360 = arith.constant 16 : i32
          %mul3A_361 = arith.muli %add3A_325, %mul3A_360 : i32
          %add3A_362 = arith.constant 3 : i32
          %add3A_363 = arith.addi %mul3A_361, %add3A_362 : i32
          %add3A_364 = vector.broadcast %add3A_363 : i32 to vector<16xi32>
          %add3A_365 = arith.addi %mul3A_3, %add3A_364 : vector<16xi32>
          tpu.vector_store_idx %arg6[%add3A_365], %get3A_359 : memref<8192xf32, #tpu.memory_space<vmem>>[vector<16xi32>], vector<16xf32>,
          %get3A_366 = arith.constant 4 : i32
          %get3A_367 = arith.index_cast %get3A_366 : i32 to index
          %get3A_368 = arith.index_cast %add3A_325 : i32 to index
          %get3A_369 = tpu.vector_load %arg4[%get3A_367, %get3A_368] {strides = array<i32>} : memref<16x512xf32, #tpu.memory_space<vmem>>, vector<16xf32>,
          %mul3A_370 = arith.constant 16 : i32
          %mul3A_371 = arith.muli %add3A_325, %mul3A_370 : i32
          %add3A_372 = arith.constant 4 : i32
          %add3A_373 = arith.addi %mul3A_371, %add3A_372 : i32
          %add3A_374 = vector.broadcast %add3A_373 : i32 to vector<16xi32>
          %add3A_375 = arith.addi %mul3A_3, %add3A_374 : vector<16xi32>
          tpu.vector_store_idx %arg6[%add3A_375], %get3A_369 : memref<8192xf32, #tpu.memory_space<vmem>>[vector<16xi32>], vector<16xf32>,
          %get3A_376 = arith.constant 5 : i32
          %get3A_377 = arith.index_cast %get3A_376 : i32 to index
          %get3A_378 = arith.index_cast %add3A_325 : i32 to index
          %get3A_379 = tpu.vector_load %arg4[%get3A_377, %get3A_378] {strides = array<i32>} : memref<16x512xf32, #tpu.memory_space<vmem>>, vector<16xf32>,
          %mul3A_380 = arith.constant 16 : i32
          %mul3A_381 = arith.muli %add3A_325, %mul3A_380 : i32
          %add3A_382 = arith.constant 5 : i32
          %add3A_383 = arith.addi %mul3A_381, %add3A_382 : i32
          %add3A_384 = vector.broadcast %add3A_383 : i32 to vector<16xi32>
          %add3A_385 = arith.addi %mul3A_3, %add3A_384 : vector<16xi32>
          tpu.vector_store_idx %arg6[%add3A_385], %get3A_379 : memref<8192xf32, #tpu.memory_space<vmem>>[vector<16xi32>], vector<16xf32>,
          %get3A_386 = arith.constant 6 : i32
          %get3A_387 = arith.index_cast %get3A_386 : i32 to index
          %get3A_388 = arith.index_cast %add3A_325 : i32 to index
          %get3A_389 = tpu.vector_load %arg4[%get3A_387, %get3A_388] {strides = array<i32>} : memref<16x512xf32, #tpu.memory_space<vmem>>, vector<16xf32>,
          %mul3A_390 = arith.constant 16 : i32
          %mul3A_391 = arith.muli %add3A_325, %mul3A_390 : i32
          %add3A_392 = arith.constant 6 : i32
          %add3A_393 = arith.addi %mul3A_391, %add3A_392 : i32
          %add3A_394 = vector.broadcast %add3A_393 : i32 to vector<16xi32>
          %add3A_395 = arith.addi %mul3A_3, %add3A_394 : vector<16xi32>
          tpu.vector_store_idx %arg6[%add3A_395], %get3A_389 : memref<8192xf32, #tpu.memory_space<vmem>>[vector<16xi32>], vector<16xf32>,
          %get3A_396 = arith.constant 7 : i32
          %get3A_397 = arith.index_cast %get3A_396 : i32 to index
          %get3A_398 = arith.index_cast %add3A_325 : i32 to index
          %get3A_399 = tpu.vector_load %arg4[%get3A_397, %get3A_398] {strides = array<i32>} : memref<16x512xf32, #tpu.memory_space<vmem>>, vector<16xf32>,
          %mul3A_400 = arith.constant 16 : i32
          %mul3A_401 = arith.muli %add3A_325, %mul3A_400 : i32
          %add3A_402 = arith.constant 7 : i32
          %add3A_403 = arith.addi %mul3A_401, %add3A_402 : i32
          %add3A_404 = vector.broadcast %add3A_403 : i32 to vector<16xi32>
          %add3A_405 = arith.addi %mul3A_3, %add3A_404 : vector<16xi32>
          tpu.vector_store_idx %arg6[%add3A_405], %get3A_399 : memref<8192xf32, #tpu.memory_space<vmem>>[vector<16xi32>], vector<16xf32>,
          %get3A_406 = arith.constant 8 : i32
          %get3A_407 = arith.index_cast %get3A_406 : i32 to index
          %get3A_408 = arith.index_cast %add3A_325 : i32 to index
          %get3A_409 = tpu.vector_load %arg4[%get3A_407, %get3A_408] {strides = array<i32>} : memref<16x512xf32, #tpu.memory_space<vmem>>, vector<16xf32>,
          %mul3A_410 = arith.constant 16 : i32
          %mul3A_411 = arith.muli %add3A_325, %mul3A_410 : i32
          %add3A_412 = arith.constant 8 : i32
          %add3A_413 = arith.addi %mul3A_411, %add3A_412 : i32
          %add3A_414 = vector.broadcast %add3A_413 : i32 to vector<16xi32>
          %add3A_415 = arith.addi %mul3A_3, %add3A_414 : vector<16xi32>
          tpu.vector_store_idx %arg6[%add3A_415], %get3A_409 : memref<8192xf32, #tpu.memory_space<vmem>>[vector<16xi32>], vector<16xf32>,
          %get3A_416 = arith.constant 9 : i32
          %get3A_417 = arith.index_cast %get3A_416 : i32 to index
          %get3A_418 = arith.index_cast %add3A_325 : i32 to index
          %get3A_419 = tpu.vector_load %arg4[%get3A_417, %get3A_418] {strides = array<i32>} : memref<16x512xf32, #tpu.memory_space<vmem>>, vector<16xf32>,
          %mul3A_420 = arith.constant 16 : i32
          %mul3A_421 = arith.muli %add3A_325, %mul3A_420 : i32
          %add3A_422 = arith.constant 9 : i32
          %add3A_423 = arith.addi %mul3A_421, %add3A_422 : i32
          %add3A_424 = vector.broadcast %add3A_423 : i32 to vector<16xi32>
          %add3A_425 = arith.addi %mul3A_3, %add3A_424 : vector<16xi32>
          tpu.vector_store_idx %arg6[%add3A_425], %get3A_419 : memref<8192xf32, #tpu.memory_space<vmem>>[vector<16xi32>], vector<16xf32>,
          %get3A_426 = arith.constant 10 : i32
          %get3A_427 = arith.index_cast %get3A_426 : i32 to index
          %get3A_428 = arith.index_cast %add3A_325 : i32 to index
          %get3A_429 = tpu.vector_load %arg4[%get3A_427, %get3A_428] {strides = array<i32>} : memref<16x512xf32, #tpu.memory_space<vmem>>, vector<16xf32>,
          %mul3A_430 = arith.constant 16 : i32
          %mul3A_431 = arith.muli %add3A_325, %mul3A_430 : i32
          %add3A_432 = arith.constant 10 : i32
          %add3A_433 = arith.addi %mul3A_431, %add3A_432 : i32
          %add3A_434 = vector.broadcast %add3A_433 : i32 to vector<16xi32>
          %add3A_435 = arith.addi %mul3A_3, %add3A_434 : vector<16xi32>
          tpu.vector_store_idx %arg6[%add3A_435], %get3A_429 : memref<8192xf32, #tpu.memory_space<vmem>>[vector<16xi32>], vector<16xf32>,
          %get3A_436 = arith.constant 11 : i32
          %get3A_437 = arith.index_cast %get3A_436 : i32 to index
          %get3A_438 = arith.index_cast %add3A_325 : i32 to index
          %get3A_439 = tpu.vector_load %arg4[%get3A_437, %get3A_438] {strides = array<i32>} : memref<16x512xf32, #tpu.memory_space<vmem>>, vector<16xf32>,
          %mul3A_440 = arith.constant 16 : i32
          %mul3A_441 = arith.muli %add3A_325, %mul3A_440 : i32
          %add3A_442 = arith.constant 11 : i32
          %add3A_443 = arith.addi %mul3A_441, %add3A_442 : i32
          %add3A_444 = vector.broadcast %add3A_443 : i32 to vector<16xi32>
          %add3A_445 = arith.addi %mul3A_3, %add3A_444 : vector<16xi32>
          tpu.vector_store_idx %arg6[%add3A_445], %get3A_439 : memref<8192xf32, #tpu.memory_space<vmem>>[vector<16xi32>], vector<16xf32>,
          %get3A_446 = arith.constant 12 : i32
          %get3A_447 = arith.index_cast %get3A_446 : i32 to index
          %get3A_448 = arith.index_cast %add3A_325 : i32 to index
          %get3A_449 = tpu.vector_load %arg4[%get3A_447, %get3A_448] {strides = array<i32>} : memref<16x512xf32, #tpu.memory_space<vmem>>, vector<16xf32>,
          %mul3A_450 = arith.constant 16 : i32
          %mul3A_451 = arith.muli %add3A_325, %mul3A_450 : i32
          %add3A_452 = arith.constant 12 : i32
          %add3A_453 = arith.addi %mul3A_451, %add3A_452 : i32
          %add3A_454 = vector.broadcast %add3A_453 : i32 to vector<16xi32>
          %add3A_455 = arith.addi %mul3A_3, %add3A_454 : vector<16xi32>
          tpu.vector_store_idx %arg6[%add3A_455], %get3A_449 : memref<8192xf32, #tpu.memory_space<vmem>>[vector<16xi32>], vector<16xf32>,
          %get3A_456 = arith.constant 13 : i32
          %get3A_457 = arith.index_cast %get3A_456 : i32 to index
          %get3A_458 = arith.index_cast %add3A_325 : i32 to index
          %get3A_459 = tpu.vector_load %arg4[%get3A_457, %get3A_458] {strides = array<i32>} : memref<16x512xf32, #tpu.memory_space<vmem>>, vector<16xf32>,
          %mul3A_460 = arith.constant 16 : i32
          %mul3A_461 = arith.muli %add3A_325, %mul3A_460 : i32
          %add3A_462 = arith.constant 13 : i32
          %add3A_463 = arith.addi %mul3A_461, %add3A_462 : i32
          %add3A_464 = vector.broadcast %add3A_463 : i32 to vector<16xi32>
          %add3A_465 = arith.addi %mul3A_3, %add3A_464 : vector<16xi32>
          tpu.vector_store_idx %arg6[%add3A_465], %get3A_459 : memref<8192xf32, #tpu.memory_space<vmem>>[vector<16xi32>], vector<16xf32>,
          %get3A_466 = arith.constant 14 : i32
          %get3A_467 = arith.index_cast %get3A_466 : i32 to index
          %get3A_468 = arith.index_cast %add3A_325 : i32 to index
          %get3A_469 = tpu.vector_load %arg4[%get3A_467, %get3A_468] {strides = array<i32>} : memref<16x512xf32, #tpu.memory_space<vmem>>, vector<16xf32>,
          %mul3A_470 = arith.constant 16 : i32
          %mul3A_471 = arith.muli %add3A_325, %mul3A_470 : i32
          %add3A_472 = arith.constant 14 : i32
          %add3A_473 = arith.addi %mul3A_471, %add3A_472 : i32
          %add3A_474 = vector.broadcast %add3A_473 : i32 to vector<16xi32>
          %add3A_475 = arith.addi %mul3A_3, %add3A_474 : vector<16xi32>
          tpu.vector_store_idx %arg6[%add3A_475], %get3A_469 : memref<8192xf32, #tpu.memory_space<vmem>>[vector<16xi32>], vector<16xf32>,
          %get3A_476 = arith.constant 15 : i32
          %get3A_477 = arith.index_cast %get3A_476 : i32 to index
          %get3A_478 = arith.index_cast %add3A_325 : i32 to index
          %get3A_479 = tpu.vector_load %arg4[%get3A_477, %get3A_478] {strides = array<i32>} : memref<16x512xf32, #tpu.memory_space<vmem>>, vector<16xf32>,
          %mul3A_480 = arith.constant 16 : i32
          %mul3A_481 = arith.muli %add3A_325, %mul3A_480 : i32
          %add3A_482 = arith.constant 15 : i32
          %add3A_483 = arith.addi %mul3A_481, %add3A_482 : i32
          %add3A_484 = vector.broadcast %add3A_483 : i32 to vector<16xi32>
          %add3A_485 = arith.addi %mul3A_3, %add3A_484 : vector<16xi32>
          tpu.vector_store_idx %arg6[%add3A_485], %get3A_479 : memref<8192xf32, #tpu.memory_space<vmem>>[vector<16xi32>], vector<16xf32>,
        }
        %scan3A_149 = arith.constant 16 : i32
        %mul3A_150 = arith.constant 32 : i32
        %mul3A_151 = arith.muli %add3A_44, %mul3A_150 : i32
        %add3A_152 = arith.addi %mul3A_151, %add3A : i32
        %mul3A_153 = arith.constant 512 : i32
        %mul3A_154 = arith.muli %add3A_152, %mul3A_153 : i32
        %mul3A_155 = arith.constant 16 : i32
        %mul3A_156 = arith.muli %mul3A_154, %mul3A_155 : i32
        %dma_start3A = tpu.memref_slice %arg3[%mul3A_156] : memref<41600000xf32, #tpu.memory_space<hbm>> -> memref<8192xf32, #tpu.memory_space<hbm>>
        %dma_start3A_157 = tpu.memref_slice %arg3[%mul3A_156] : memref<41600000xf32, #tpu.memory_space<hbm>> -> memref<8192xf32, #tpu.memory_space<hbm>>
        tpu.enqueue_dma source(%arg6 : memref<8192xf32, #tpu.memory_space<vmem>>) target(%dma_start3A_157 : memref<8192xf32, #tpu.memory_space<hbm>>) target_semaphore(%arg10 : memref<!tpu.dma_semaphore, #tpu.memory_space<semaphore_mem>>)
      } else {
      }
      %add3A_89 = arith.constant 3 : i32
      %add3A_90 = arith.addi %add3A_44, %add3A_89 : i32
      %ge3A_91 = arith.constant 0 : i32
      %ge3A_92 = arith.cmpi sge, %add3A_90, %ge3A_91 : i32
      %lt3A_93 = arith.constant 160 : i32
      %lt3A_94 = arith.cmpi slt, %add3A_90, %lt3A_93 : i32
      %and3A_95 = arith.andi %ge3A_92, %lt3A_94 : i1
      %mul3A_96 = arith.constant 32 : i32
      %mul3A_97 = arith.muli %add3A_90, %mul3A_96 : i32
      %add3A_98 = arith.addi %mul3A_97, %add3A : i32
      %lt3A_99 = arith.constant 5078 : i32
      %lt3A_100 = arith.cmpi slt, %add3A_98, %lt3A_99 : i32
      %and3A_101 = arith.andi %and3A_95, %lt3A_100 : i1
      %convert_element_type3A_102 = arith.extui %and3A_101 : i1 to i32
      %cond3A_103 = arith.constant 0 : i32
      %cond3A_104 = arith.cmpi ne, %convert_element_type3A_102, %cond3A_103 : i32
      scf.if %cond3A_104 {
        %mul3A_137 = arith.constant 32 : i32
        %mul3A_138 = arith.muli %add3A_90, %mul3A_137 : i32
        %add3A_139 = arith.addi %mul3A_138, %add3A : i32
        %mul3A_140 = arith.constant 512 : i32
        %mul3A_141 = arith.muli %add3A_139, %mul3A_140 : i32
        %dma_start3A = arith.constant 0 : i32
        %dma_start3A_142 = tpu.memref_slice %arg2[%dma_start3A, %mul3A_141] : memref<16x2600000xf32, #tpu.memory_space<hbm>> -> memref<16x512xf32, #tpu.memory_space<hbm>>
        %dma_start3A_143 = arith.constant 0 : i32
        %dma_start3A_144 = tpu.memref_slice %arg2[%dma_start3A_143, %mul3A_141] : memref<16x2600000xf32, #tpu.memory_space<hbm>> -> memref<16x512xf32, #tpu.memory_space<hbm>>
        tpu.enqueue_dma source(%dma_start3A_144 : memref<16x512xf32, #tpu.memory_space<hbm>>) target(%arg5 : memref<16x512xf32, #tpu.memory_space<vmem>>) target_semaphore(%arg9 : memref<!tpu.dma_semaphore, #tpu.memory_space<semaphore_mem>>)
      } else {
      }
      %add3A_105 = arith.constant 1 : i32
      %add3A_106 = arith.addi %add3A_44, %add3A_105 : i32
      %sub3A_107 = arith.constant 2 : i32
      %sub3A_108 = arith.subi %add3A_106, %sub3A_107 : i32
      %ge3A_109 = arith.constant 0 : i32
      %ge3A_110 = arith.cmpi sge, %sub3A_108, %ge3A_109 : i32
      %lt3A_111 = arith.constant 160 : i32
      %lt3A_112 = arith.cmpi slt, %sub3A_108, %lt3A_111 : i32
      %and3A_113 = arith.andi %ge3A_110, %lt3A_112 : i1
      %mul3A_114 = arith.constant 32 : i32
      %mul3A_115 = arith.muli %sub3A_108, %mul3A_114 : i32
      %add3A_116 = arith.addi %mul3A_115, %add3A : i32
      %lt3A_117 = arith.constant 5078 : i32
      %lt3A_118 = arith.cmpi slt, %add3A_116, %lt3A_117 : i32
      %and3A_119 = arith.andi %and3A_113, %lt3A_118 : i1
      %convert_element_type3A_120 = arith.extui %and3A_119 : i1 to i32
      %cond3A_121 = arith.constant 0 : i32
      %cond3A_122 = arith.cmpi ne, %convert_element_type3A_120, %cond3A_121 : i32
      scf.if %cond3A_122 {
        %sub3A_137 = arith.constant 2 : i32
        %sub3A_138 = arith.subi %add3A_106, %sub3A_137 : i32
        %mul3A_139 = arith.constant 32 : i32
        %mul3A_140 = arith.muli %sub3A_138, %mul3A_139 : i32
        %add3A_141 = arith.addi %mul3A_140, %add3A : i32
        %mul3A_142 = arith.constant 512 : i32
        %mul3A_143 = arith.muli %add3A_141, %mul3A_142 : i32
        %mul3A_144 = arith.constant 16 : i32
        %mul3A_145 = arith.muli %mul3A_143, %mul3A_144 : i32
        %dma_wait3A = tpu.memref_slice %arg3[%mul3A_145] : memref<41600000xf32, #tpu.memory_space<hbm>> -> memref<8192xf32, #tpu.memory_space<hbm>>
        %dma_wait3A_146 = tpu.memref_slice %arg3[%mul3A_145] : memref<41600000xf32, #tpu.memory_space<hbm>> -> memref<8192xf32, #tpu.memory_space<hbm>>
        tpu.wait_dma2 semaphore(%arg11 : memref<!tpu.dma_semaphore, #tpu.memory_space<semaphore_mem>>) src(%arg7 : memref<8192xf32, #tpu.memory_space<vmem>>) dst(%dma_wait3A_146 : memref<8192xf32, #tpu.memory_space<hbm>>)
      } else {
      }
      %ge3A_123 = arith.constant 0 : i32
      %ge3A_124 = arith.cmpi sge, %add3A_106, %ge3A_123 : i32
      %lt3A_125 = arith.constant 160 : i32
      %lt3A_126 = arith.cmpi slt, %add3A_106, %lt3A_125 : i32
      %and3A_127 = arith.andi %ge3A_124, %lt3A_126 : i1
      %mul3A_128 = arith.constant 32 : i32
      %mul3A_129 = arith.muli %add3A_106, %mul3A_128 : i32
      %add3A_130 = arith.addi %mul3A_129, %add3A : i32
      %lt3A_131 = arith.constant 5078 : i32
      %lt3A_132 = arith.cmpi slt, %add3A_130, %lt3A_131 : i32
      %and3A_133 = arith.andi %and3A_127, %lt3A_132 : i1
      %convert_element_type3A_134 = arith.extui %and3A_133 : i1 to i32
      %cond3A_135 = arith.constant 0 : i32
      %cond3A_136 = arith.cmpi ne, %convert_element_type3A_134, %cond3A_135 : i32
      scf.if %cond3A_136 {
        %mul3A_137 = arith.constant 32 : i32
        %mul3A_138 = arith.muli %add3A_106, %mul3A_137 : i32
        %add3A_139 = arith.addi %mul3A_138, %add3A : i32
        %mul3A_140 = arith.constant 512 : i32
        %mul3A_141 = arith.muli %add3A_139, %mul3A_140 : i32
        %dma_wait3A = arith.constant 0 : i32
        %dma_wait3A_142 = tpu.memref_slice %arg2[%dma_wait3A, %mul3A_141] : memref<16x2600000xf32, #tpu.memory_space<hbm>> -> memref<16x512xf32, #tpu.memory_space<hbm>>
        %dma_wait3A_143 = arith.constant 0 : i32
        %dma_wait3A_144 = tpu.memref_slice %arg2[%dma_wait3A_143, %mul3A_141] : memref<16x2600000xf32, #tpu.memory_space<hbm>> -> memref<16x512xf32, #tpu.memory_space<hbm>>
        tpu.wait_dma2 semaphore(%arg9 : memref<!tpu.dma_semaphore, #tpu.memory_space<semaphore_mem>>) src(%dma_wait3A_144 : memref<16x512xf32, #tpu.memory_space<hbm>>) dst(%arg5 : memref<16x512xf32, #tpu.memory_space<vmem>>)
        %scan3A_145 = arith.constant 0 : i32
        %scan3A_146 = arith.constant 16 : i32
        %scan3A_147 = arith.addi %scan3A_145, %scan3A_146 : i32
        %scan3A_148 = arith.constant 1 : i32
        scf.for %scan3A_158 = %scan3A_145 to %scan3A_147 step %scan3A_148  : i32 {
          %mul3A_159 = arith.constant 32 : i32
          %mul3A_160 = arith.muli %scan3A_158, %mul3A_159 : i32
          %add3A_161 = arith.constant 0 : i32
          %add3A_162 = arith.addi %add3A_161, %mul3A_160 : i32
          %add3A_163 = arith.constant 0 : i32
          %add3A_164 = arith.addi %add3A_162, %add3A_163 : i32
          %get3A = arith.constant 0 : i32
          %get3A_165 = arith.index_cast %get3A : i32 to index
          %get3A_166 = arith.index_cast %add3A_164 : i32 to index
          %get3A_167 = tpu.vector_load %arg5[%get3A_165, %get3A_166] {strides = array<i32>} : memref<16x512xf32, #tpu.memory_space<vmem>>, vector<16xf32>,
          %mul3A_168 = arith.constant 16 : i32
          %mul3A_169 = arith.muli %add3A_164, %mul3A_168 : i32
          %add3A_170 = arith.constant 0 : i32
          %add3A_171 = arith.addi %mul3A_169, %add3A_170 : i32
          %add3A_172 = vector.broadcast %add3A_171 : i32 to vector<16xi32>
          %add3A_173 = arith.addi %mul3A_3, %add3A_172 : vector<16xi32>
          tpu.vector_store_idx %arg7[%add3A_173], %get3A_167 : memref<8192xf32, #tpu.memory_space<vmem>>[vector<16xi32>], vector<16xf32>,
          %get3A_174 = arith.constant 1 : i32
          %get3A_175 = arith.index_cast %get3A_174 : i32 to index
          %get3A_176 = arith.index_cast %add3A_164 : i32 to index
          %get3A_177 = tpu.vector_load %arg5[%get3A_175, %get3A_176] {strides = array<i32>} : memref<16x512xf32, #tpu.memory_space<vmem>>, vector<16xf32>,
          %mul3A_178 = arith.constant 16 : i32
          %mul3A_179 = arith.muli %add3A_164, %mul3A_178 : i32
          %add3A_180 = arith.constant 1 : i32
          %add3A_181 = arith.addi %mul3A_179, %add3A_180 : i32
          %add3A_182 = vector.broadcast %add3A_181 : i32 to vector<16xi32>
          %add3A_183 = arith.addi %mul3A_3, %add3A_182 : vector<16xi32>
          tpu.vector_store_idx %arg7[%add3A_183], %get3A_177 : memref<8192xf32, #tpu.memory_space<vmem>>[vector<16xi32>], vector<16xf32>,
          %get3A_184 = arith.constant 2 : i32
          %get3A_185 = arith.index_cast %get3A_184 : i32 to index
          %get3A_186 = arith.index_cast %add3A_164 : i32 to index
          %get3A_187 = tpu.vector_load %arg5[%get3A_185, %get3A_186] {strides = array<i32>} : memref<16x512xf32, #tpu.memory_space<vmem>>, vector<16xf32>,
          %mul3A_188 = arith.constant 16 : i32
          %mul3A_189 = arith.muli %add3A_164, %mul3A_188 : i32
          %add3A_190 = arith.constant 2 : i32
          %add3A_191 = arith.addi %mul3A_189, %add3A_190 : i32
          %add3A_192 = vector.broadcast %add3A_191 : i32 to vector<16xi32>
          %add3A_193 = arith.addi %mul3A_3, %add3A_192 : vector<16xi32>
          tpu.vector_store_idx %arg7[%add3A_193], %get3A_187 : memref<8192xf32, #tpu.memory_space<vmem>>[vector<16xi32>], vector<16xf32>,
          %get3A_194 = arith.constant 3 : i32
          %get3A_195 = arith.index_cast %get3A_194 : i32 to index
          %get3A_196 = arith.index_cast %add3A_164 : i32 to index
          %get3A_197 = tpu.vector_load %arg5[%get3A_195, %get3A_196] {strides = array<i32>} : memref<16x512xf32, #tpu.memory_space<vmem>>, vector<16xf32>,
          %mul3A_198 = arith.constant 16 : i32
          %mul3A_199 = arith.muli %add3A_164, %mul3A_198 : i32
          %add3A_200 = arith.constant 3 : i32
          %add3A_201 = arith.addi %mul3A_199, %add3A_200 : i32
          %add3A_202 = vector.broadcast %add3A_201 : i32 to vector<16xi32>
          %add3A_203 = arith.addi %mul3A_3, %add3A_202 : vector<16xi32>
          tpu.vector_store_idx %arg7[%add3A_203], %get3A_197 : memref<8192xf32, #tpu.memory_space<vmem>>[vector<16xi32>], vector<16xf32>,
          %get3A_204 = arith.constant 4 : i32
          %get3A_205 = arith.index_cast %get3A_204 : i32 to index
          %get3A_206 = arith.index_cast %add3A_164 : i32 to index
          %get3A_207 = tpu.vector_load %arg5[%get3A_205, %get3A_206] {strides = array<i32>} : memref<16x512xf32, #tpu.memory_space<vmem>>, vector<16xf32>,
          %mul3A_208 = arith.constant 16 : i32
          %mul3A_209 = arith.muli %add3A_164, %mul3A_208 : i32
          %add3A_210 = arith.constant 4 : i32
          %add3A_211 = arith.addi %mul3A_209, %add3A_210 : i32
          %add3A_212 = vector.broadcast %add3A_211 : i32 to vector<16xi32>
          %add3A_213 = arith.addi %mul3A_3, %add3A_212 : vector<16xi32>
          tpu.vector_store_idx %arg7[%add3A_213], %get3A_207 : memref<8192xf32, #tpu.memory_space<vmem>>[vector<16xi32>], vector<16xf32>,
          %get3A_214 = arith.constant 5 : i32
          %get3A_215 = arith.index_cast %get3A_214 : i32 to index
          %get3A_216 = arith.index_cast %add3A_164 : i32 to index
          %get3A_217 = tpu.vector_load %arg5[%get3A_215, %get3A_216] {strides = array<i32>} : memref<16x512xf32, #tpu.memory_space<vmem>>, vector<16xf32>,
          %mul3A_218 = arith.constant 16 : i32
          %mul3A_219 = arith.muli %add3A_164, %mul3A_218 : i32
          %add3A_220 = arith.constant 5 : i32
          %add3A_221 = arith.addi %mul3A_219, %add3A_220 : i32
          %add3A_222 = vector.broadcast %add3A_221 : i32 to vector<16xi32>
          %add3A_223 = arith.addi %mul3A_3, %add3A_222 : vector<16xi32>
          tpu.vector_store_idx %arg7[%add3A_223], %get3A_217 : memref<8192xf32, #tpu.memory_space<vmem>>[vector<16xi32>], vector<16xf32>,
          %get3A_224 = arith.constant 6 : i32
          %get3A_225 = arith.index_cast %get3A_224 : i32 to index
          %get3A_226 = arith.index_cast %add3A_164 : i32 to index
          %get3A_227 = tpu.vector_load %arg5[%get3A_225, %get3A_226] {strides = array<i32>} : memref<16x512xf32, #tpu.memory_space<vmem>>, vector<16xf32>,
          %mul3A_228 = arith.constant 16 : i32
          %mul3A_229 = arith.muli %add3A_164, %mul3A_228 : i32
          %add3A_230 = arith.constant 6 : i32
          %add3A_231 = arith.addi %mul3A_229, %add3A_230 : i32
          %add3A_232 = vector.broadcast %add3A_231 : i32 to vector<16xi32>
          %add3A_233 = arith.addi %mul3A_3, %add3A_232 : vector<16xi32>
          tpu.vector_store_idx %arg7[%add3A_233], %get3A_227 : memref<8192xf32, #tpu.memory_space<vmem>>[vector<16xi32>], vector<16xf32>,
          %get3A_234 = arith.constant 7 : i32
          %get3A_235 = arith.index_cast %get3A_234 : i32 to index
          %get3A_236 = arith.index_cast %add3A_164 : i32 to index
          %get3A_237 = tpu.vector_load %arg5[%get3A_235, %get3A_236] {strides = array<i32>} : memref<16x512xf32, #tpu.memory_space<vmem>>, vector<16xf32>,
          %mul3A_238 = arith.constant 16 : i32
          %mul3A_239 = arith.muli %add3A_164, %mul3A_238 : i32
          %add3A_240 = arith.constant 7 : i32
          %add3A_241 = arith.addi %mul3A_239, %add3A_240 : i32
          %add3A_242 = vector.broadcast %add3A_241 : i32 to vector<16xi32>
          %add3A_243 = arith.addi %mul3A_3, %add3A_242 : vector<16xi32>
          tpu.vector_store_idx %arg7[%add3A_243], %get3A_237 : memref<8192xf32, #tpu.memory_space<vmem>>[vector<16xi32>], vector<16xf32>,
          %get3A_244 = arith.constant 8 : i32
          %get3A_245 = arith.index_cast %get3A_244 : i32 to index
          %get3A_246 = arith.index_cast %add3A_164 : i32 to index
          %get3A_247 = tpu.vector_load %arg5[%get3A_245, %get3A_246] {strides = array<i32>} : memref<16x512xf32, #tpu.memory_space<vmem>>, vector<16xf32>,
          %mul3A_248 = arith.constant 16 : i32
          %mul3A_249 = arith.muli %add3A_164, %mul3A_248 : i32
          %add3A_250 = arith.constant 8 : i32
          %add3A_251 = arith.addi %mul3A_249, %add3A_250 : i32
          %add3A_252 = vector.broadcast %add3A_251 : i32 to vector<16xi32>
          %add3A_253 = arith.addi %mul3A_3, %add3A_252 : vector<16xi32>
          tpu.vector_store_idx %arg7[%add3A_253], %get3A_247 : memref<8192xf32, #tpu.memory_space<vmem>>[vector<16xi32>], vector<16xf32>,
          %get3A_254 = arith.constant 9 : i32
          %get3A_255 = arith.index_cast %get3A_254 : i32 to index
          %get3A_256 = arith.index_cast %add3A_164 : i32 to index
          %get3A_257 = tpu.vector_load %arg5[%get3A_255, %get3A_256] {strides = array<i32>} : memref<16x512xf32, #tpu.memory_space<vmem>>, vector<16xf32>,
          %mul3A_258 = arith.constant 16 : i32
          %mul3A_259 = arith.muli %add3A_164, %mul3A_258 : i32
          %add3A_260 = arith.constant 9 : i32
          %add3A_261 = arith.addi %mul3A_259, %add3A_260 : i32
          %add3A_262 = vector.broadcast %add3A_261 : i32 to vector<16xi32>
          %add3A_263 = arith.addi %mul3A_3, %add3A_262 : vector<16xi32>
          tpu.vector_store_idx %arg7[%add3A_263], %get3A_257 : memref<8192xf32, #tpu.memory_space<vmem>>[vector<16xi32>], vector<16xf32>,
          %get3A_264 = arith.constant 10 : i32
          %get3A_265 = arith.index_cast %get3A_264 : i32 to index
          %get3A_266 = arith.index_cast %add3A_164 : i32 to index
          %get3A_267 = tpu.vector_load %arg5[%get3A_265, %get3A_266] {strides = array<i32>} : memref<16x512xf32, #tpu.memory_space<vmem>>, vector<16xf32>,
          %mul3A_268 = arith.constant 16 : i32
          %mul3A_269 = arith.muli %add3A_164, %mul3A_268 : i32
          %add3A_270 = arith.constant 10 : i32
          %add3A_271 = arith.addi %mul3A_269, %add3A_270 : i32
          %add3A_272 = vector.broadcast %add3A_271 : i32 to vector<16xi32>
          %add3A_273 = arith.addi %mul3A_3, %add3A_272 : vector<16xi32>
          tpu.vector_store_idx %arg7[%add3A_273], %get3A_267 : memref<8192xf32, #tpu.memory_space<vmem>>[vector<16xi32>], vector<16xf32>,
          %get3A_274 = arith.constant 11 : i32
          %get3A_275 = arith.index_cast %get3A_274 : i32 to index
          %get3A_276 = arith.index_cast %add3A_164 : i32 to index
          %get3A_277 = tpu.vector_load %arg5[%get3A_275, %get3A_276] {strides = array<i32>} : memref<16x512xf32, #tpu.memory_space<vmem>>, vector<16xf32>,
          %mul3A_278 = arith.constant 16 : i32
          %mul3A_279 = arith.muli %add3A_164, %mul3A_278 : i32
          %add3A_280 = arith.constant 11 : i32
          %add3A_281 = arith.addi %mul3A_279, %add3A_280 : i32
          %add3A_282 = vector.broadcast %add3A_281 : i32 to vector<16xi32>
          %add3A_283 = arith.addi %mul3A_3, %add3A_282 : vector<16xi32>
          tpu.vector_store_idx %arg7[%add3A_283], %get3A_277 : memref<8192xf32, #tpu.memory_space<vmem>>[vector<16xi32>], vector<16xf32>,
          %get3A_284 = arith.constant 12 : i32
          %get3A_285 = arith.index_cast %get3A_284 : i32 to index
          %get3A_286 = arith.index_cast %add3A_164 : i32 to index
          %get3A_287 = tpu.vector_load %arg5[%get3A_285, %get3A_286] {strides = array<i32>} : memref<16x512xf32, #tpu.memory_space<vmem>>, vector<16xf32>,
          %mul3A_288 = arith.constant 16 : i32
          %mul3A_289 = arith.muli %add3A_164, %mul3A_288 : i32
          %add3A_290 = arith.constant 12 : i32
          %add3A_291 = arith.addi %mul3A_289, %add3A_290 : i32
          %add3A_292 = vector.broadcast %add3A_291 : i32 to vector<16xi32>
          %add3A_293 = arith.addi %mul3A_3, %add3A_292 : vector<16xi32>
          tpu.vector_store_idx %arg7[%add3A_293], %get3A_287 : memref<8192xf32, #tpu.memory_space<vmem>>[vector<16xi32>], vector<16xf32>,
          %get3A_294 = arith.constant 13 : i32
          %get3A_295 = arith.index_cast %get3A_294 : i32 to index
          %get3A_296 = arith.index_cast %add3A_164 : i32 to index
          %get3A_297 = tpu.vector_load %arg5[%get3A_295, %get3A_296] {strides = array<i32>} : memref<16x512xf32, #tpu.memory_space<vmem>>, vector<16xf32>,
          %mul3A_298 = arith.constant 16 : i32
          %mul3A_299 = arith.muli %add3A_164, %mul3A_298 : i32
          %add3A_300 = arith.constant 13 : i32
          %add3A_301 = arith.addi %mul3A_299, %add3A_300 : i32
          %add3A_302 = vector.broadcast %add3A_301 : i32 to vector<16xi32>
          %add3A_303 = arith.addi %mul3A_3, %add3A_302 : vector<16xi32>
          tpu.vector_store_idx %arg7[%add3A_303], %get3A_297 : memref<8192xf32, #tpu.memory_space<vmem>>[vector<16xi32>], vector<16xf32>,
          %get3A_304 = arith.constant 14 : i32
          %get3A_305 = arith.index_cast %get3A_304 : i32 to index
          %get3A_306 = arith.index_cast %add3A_164 : i32 to index
          %get3A_307 = tpu.vector_load %arg5[%get3A_305, %get3A_306] {strides = array<i32>} : memref<16x512xf32, #tpu.memory_space<vmem>>, vector<16xf32>,
          %mul3A_308 = arith.constant 16 : i32
          %mul3A_309 = arith.muli %add3A_164, %mul3A_308 : i32
          %add3A_310 = arith.constant 14 : i32
          %add3A_311 = arith.addi %mul3A_309, %add3A_310 : i32
          %add3A_312 = vector.broadcast %add3A_311 : i32 to vector<16xi32>
          %add3A_313 = arith.addi %mul3A_3, %add3A_312 : vector<16xi32>
          tpu.vector_store_idx %arg7[%add3A_313], %get3A_307 : memref<8192xf32, #tpu.memory_space<vmem>>[vector<16xi32>], vector<16xf32>,
          %get3A_314 = arith.constant 15 : i32
          %get3A_315 = arith.index_cast %get3A_314 : i32 to index
          %get3A_316 = arith.index_cast %add3A_164 : i32 to index
          %get3A_317 = tpu.vector_load %arg5[%get3A_315, %get3A_316] {strides = array<i32>} : memref<16x512xf32, #tpu.memory_space<vmem>>, vector<16xf32>,
          %mul3A_318 = arith.constant 16 : i32
          %mul3A_319 = arith.muli %add3A_164, %mul3A_318 : i32
          %add3A_320 = arith.constant 15 : i32
          %add3A_321 = arith.addi %mul3A_319, %add3A_320 : i32
          %add3A_322 = vector.broadcast %add3A_321 : i32 to vector<16xi32>
          %add3A_323 = arith.addi %mul3A_3, %add3A_322 : vector<16xi32>
          tpu.vector_store_idx %arg7[%add3A_323], %get3A_317 : memref<8192xf32, #tpu.memory_space<vmem>>[vector<16xi32>], vector<16xf32>,
          %add3A_324 = arith.constant 16 : i32
          %add3A_325 = arith.addi %add3A_162, %add3A_324 : i32
          %get3A_326 = arith.constant 0 : i32
          %get3A_327 = arith.index_cast %get3A_326 : i32 to index
          %get3A_328 = arith.index_cast %add3A_325 : i32 to index
          %get3A_329 = tpu.vector_load %arg5[%get3A_327, %get3A_328] {strides = array<i32>} : memref<16x512xf32, #tpu.memory_space<vmem>>, vector<16xf32>,
          %mul3A_330 = arith.constant 16 : i32
          %mul3A_331 = arith.muli %add3A_325, %mul3A_330 : i32
          %add3A_332 = arith.constant 0 : i32
          %add3A_333 = arith.addi %mul3A_331, %add3A_332 : i32
          %add3A_334 = vector.broadcast %add3A_333 : i32 to vector<16xi32>
          %add3A_335 = arith.addi %mul3A_3, %add3A_334 : vector<16xi32>
          tpu.vector_store_idx %arg7[%add3A_335], %get3A_329 : memref<8192xf32, #tpu.memory_space<vmem>>[vector<16xi32>], vector<16xf32>,
          %get3A_336 = arith.constant 1 : i32
          %get3A_337 = arith.index_cast %get3A_336 : i32 to index
          %get3A_338 = arith.index_cast %add3A_325 : i32 to index
          %get3A_339 = tpu.vector_load %arg5[%get3A_337, %get3A_338] {strides = array<i32>} : memref<16x512xf32, #tpu.memory_space<vmem>>, vector<16xf32>,
          %mul3A_340 = arith.constant 16 : i32
          %mul3A_341 = arith.muli %add3A_325, %mul3A_340 : i32
          %add3A_342 = arith.constant 1 : i32
          %add3A_343 = arith.addi %mul3A_341, %add3A_342 : i32
          %add3A_344 = vector.broadcast %add3A_343 : i32 to vector<16xi32>
          %add3A_345 = arith.addi %mul3A_3, %add3A_344 : vector<16xi32>
          tpu.vector_store_idx %arg7[%add3A_345], %get3A_339 : memref<8192xf32, #tpu.memory_space<vmem>>[vector<16xi32>], vector<16xf32>,
          %get3A_346 = arith.constant 2 : i32
          %get3A_347 = arith.index_cast %get3A_346 : i32 to index
          %get3A_348 = arith.index_cast %add3A_325 : i32 to index
          %get3A_349 = tpu.vector_load %arg5[%get3A_347, %get3A_348] {strides = array<i32>} : memref<16x512xf32, #tpu.memory_space<vmem>>, vector<16xf32>,
          %mul3A_350 = arith.constant 16 : i32
          %mul3A_351 = arith.muli %add3A_325, %mul3A_350 : i32
          %add3A_352 = arith.constant 2 : i32
          %add3A_353 = arith.addi %mul3A_351, %add3A_352 : i32
          %add3A_354 = vector.broadcast %add3A_353 : i32 to vector<16xi32>
          %add3A_355 = arith.addi %mul3A_3, %add3A_354 : vector<16xi32>
          tpu.vector_store_idx %arg7[%add3A_355], %get3A_349 : memref<8192xf32, #tpu.memory_space<vmem>>[vector<16xi32>], vector<16xf32>,
          %get3A_356 = arith.constant 3 : i32
          %get3A_357 = arith.index_cast %get3A_356 : i32 to index
          %get3A_358 = arith.index_cast %add3A_325 : i32 to index
          %get3A_359 = tpu.vector_load %arg5[%get3A_357, %get3A_358] {strides = array<i32>} : memref<16x512xf32, #tpu.memory_space<vmem>>, vector<16xf32>,
          %mul3A_360 = arith.constant 16 : i32
          %mul3A_361 = arith.muli %add3A_325, %mul3A_360 : i32
          %add3A_362 = arith.constant 3 : i32
          %add3A_363 = arith.addi %mul3A_361, %add3A_362 : i32
          %add3A_364 = vector.broadcast %add3A_363 : i32 to vector<16xi32>
          %add3A_365 = arith.addi %mul3A_3, %add3A_364 : vector<16xi32>
          tpu.vector_store_idx %arg7[%add3A_365], %get3A_359 : memref<8192xf32, #tpu.memory_space<vmem>>[vector<16xi32>], vector<16xf32>,
          %get3A_366 = arith.constant 4 : i32
          %get3A_367 = arith.index_cast %get3A_366 : i32 to index
          %get3A_368 = arith.index_cast %add3A_325 : i32 to index
          %get3A_369 = tpu.vector_load %arg5[%get3A_367, %get3A_368] {strides = array<i32>} : memref<16x512xf32, #tpu.memory_space<vmem>>, vector<16xf32>,
          %mul3A_370 = arith.constant 16 : i32
          %mul3A_371 = arith.muli %add3A_325, %mul3A_370 : i32
          %add3A_372 = arith.constant 4 : i32
          %add3A_373 = arith.addi %mul3A_371, %add3A_372 : i32
          %add3A_374 = vector.broadcast %add3A_373 : i32 to vector<16xi32>
          %add3A_375 = arith.addi %mul3A_3, %add3A_374 : vector<16xi32>
          tpu.vector_store_idx %arg7[%add3A_375], %get3A_369 : memref<8192xf32, #tpu.memory_space<vmem>>[vector<16xi32>], vector<16xf32>,
          %get3A_376 = arith.constant 5 : i32
          %get3A_377 = arith.index_cast %get3A_376 : i32 to index
          %get3A_378 = arith.index_cast %add3A_325 : i32 to index
          %get3A_379 = tpu.vector_load %arg5[%get3A_377, %get3A_378] {strides = array<i32>} : memref<16x512xf32, #tpu.memory_space<vmem>>, vector<16xf32>,
          %mul3A_380 = arith.constant 16 : i32
          %mul3A_381 = arith.muli %add3A_325, %mul3A_380 : i32
          %add3A_382 = arith.constant 5 : i32
          %add3A_383 = arith.addi %mul3A_381, %add3A_382 : i32
          %add3A_384 = vector.broadcast %add3A_383 : i32 to vector<16xi32>
          %add3A_385 = arith.addi %mul3A_3, %add3A_384 : vector<16xi32>
          tpu.vector_store_idx %arg7[%add3A_385], %get3A_379 : memref<8192xf32, #tpu.memory_space<vmem>>[vector<16xi32>], vector<16xf32>,
          %get3A_386 = arith.constant 6 : i32
          %get3A_387 = arith.index_cast %get3A_386 : i32 to index
          %get3A_388 = arith.index_cast %add3A_325 : i32 to index
          %get3A_389 = tpu.vector_load %arg5[%get3A_387, %get3A_388] {strides = array<i32>} : memref<16x512xf32, #tpu.memory_space<vmem>>, vector<16xf32>,
          %mul3A_390 = arith.constant 16 : i32
          %mul3A_391 = arith.muli %add3A_325, %mul3A_390 : i32
          %add3A_392 = arith.constant 6 : i32
          %add3A_393 = arith.addi %mul3A_391, %add3A_392 : i32
          %add3A_394 = vector.broadcast %add3A_393 : i32 to vector<16xi32>
          %add3A_395 = arith.addi %mul3A_3, %add3A_394 : vector<16xi32>
          tpu.vector_store_idx %arg7[%add3A_395], %get3A_389 : memref<8192xf32, #tpu.memory_space<vmem>>[vector<16xi32>], vector<16xf32>,
          %get3A_396 = arith.constant 7 : i32
          %get3A_397 = arith.index_cast %get3A_396 : i32 to index
          %get3A_398 = arith.index_cast %add3A_325 : i32 to index
          %get3A_399 = tpu.vector_load %arg5[%get3A_397, %get3A_398] {strides = array<i32>} : memref<16x512xf32, #tpu.memory_space<vmem>>, vector<16xf32>,
          %mul3A_400 = arith.constant 16 : i32
          %mul3A_401 = arith.muli %add3A_325, %mul3A_400 : i32
          %add3A_402 = arith.constant 7 : i32
          %add3A_403 = arith.addi %mul3A_401, %add3A_402 : i32
          %add3A_404 = vector.broadcast %add3A_403 : i32 to vector<16xi32>
          %add3A_405 = arith.addi %mul3A_3, %add3A_404 : vector<16xi32>
          tpu.vector_store_idx %arg7[%add3A_405], %get3A_399 : memref<8192xf32, #tpu.memory_space<vmem>>[vector<16xi32>], vector<16xf32>,
          %get3A_406 = arith.constant 8 : i32
          %get3A_407 = arith.index_cast %get3A_406 : i32 to index
          %get3A_408 = arith.index_cast %add3A_325 : i32 to index
          %get3A_409 = tpu.vector_load %arg5[%get3A_407, %get3A_408] {strides = array<i32>} : memref<16x512xf32, #tpu.memory_space<vmem>>, vector<16xf32>,
          %mul3A_410 = arith.constant 16 : i32
          %mul3A_411 = arith.muli %add3A_325, %mul3A_410 : i32
          %add3A_412 = arith.constant 8 : i32
          %add3A_413 = arith.addi %mul3A_411, %add3A_412 : i32
          %add3A_414 = vector.broadcast %add3A_413 : i32 to vector<16xi32>
          %add3A_415 = arith.addi %mul3A_3, %add3A_414 : vector<16xi32>
          tpu.vector_store_idx %arg7[%add3A_415], %get3A_409 : memref<8192xf32, #tpu.memory_space<vmem>>[vector<16xi32>], vector<16xf32>,
          %get3A_416 = arith.constant 9 : i32
          %get3A_417 = arith.index_cast %get3A_416 : i32 to index
          %get3A_418 = arith.index_cast %add3A_325 : i32 to index
          %get3A_419 = tpu.vector_load %arg5[%get3A_417, %get3A_418] {strides = array<i32>} : memref<16x512xf32, #tpu.memory_space<vmem>>, vector<16xf32>,
          %mul3A_420 = arith.constant 16 : i32
          %mul3A_421 = arith.muli %add3A_325, %mul3A_420 : i32
          %add3A_422 = arith.constant 9 : i32
          %add3A_423 = arith.addi %mul3A_421, %add3A_422 : i32
          %add3A_424 = vector.broadcast %add3A_423 : i32 to vector<16xi32>
          %add3A_425 = arith.addi %mul3A_3, %add3A_424 : vector<16xi32>
          tpu.vector_store_idx %arg7[%add3A_425], %get3A_419 : memref<8192xf32, #tpu.memory_space<vmem>>[vector<16xi32>], vector<16xf32>,
          %get3A_426 = arith.constant 10 : i32
          %get3A_427 = arith.index_cast %get3A_426 : i32 to index
          %get3A_428 = arith.index_cast %add3A_325 : i32 to index
          %get3A_429 = tpu.vector_load %arg5[%get3A_427, %get3A_428] {strides = array<i32>} : memref<16x512xf32, #tpu.memory_space<vmem>>, vector<16xf32>,
          %mul3A_430 = arith.constant 16 : i32
          %mul3A_431 = arith.muli %add3A_325, %mul3A_430 : i32
          %add3A_432 = arith.constant 10 : i32
          %add3A_433 = arith.addi %mul3A_431, %add3A_432 : i32
          %add3A_434 = vector.broadcast %add3A_433 : i32 to vector<16xi32>
          %add3A_435 = arith.addi %mul3A_3, %add3A_434 : vector<16xi32>
          tpu.vector_store_idx %arg7[%add3A_435], %get3A_429 : memref<8192xf32, #tpu.memory_space<vmem>>[vector<16xi32>], vector<16xf32>,
          %get3A_436 = arith.constant 11 : i32
          %get3A_437 = arith.index_cast %get3A_436 : i32 to index
          %get3A_438 = arith.index_cast %add3A_325 : i32 to index
          %get3A_439 = tpu.vector_load %arg5[%get3A_437, %get3A_438] {strides = array<i32>} : memref<16x512xf32, #tpu.memory_space<vmem>>, vector<16xf32>,
          %mul3A_440 = arith.constant 16 : i32
          %mul3A_441 = arith.muli %add3A_325, %mul3A_440 : i32
          %add3A_442 = arith.constant 11 : i32
          %add3A_443 = arith.addi %mul3A_441, %add3A_442 : i32
          %add3A_444 = vector.broadcast %add3A_443 : i32 to vector<16xi32>
          %add3A_445 = arith.addi %mul3A_3, %add3A_444 : vector<16xi32>
          tpu.vector_store_idx %arg7[%add3A_445], %get3A_439 : memref<8192xf32, #tpu.memory_space<vmem>>[vector<16xi32>], vector<16xf32>,
          %get3A_446 = arith.constant 12 : i32
          %get3A_447 = arith.index_cast %get3A_446 : i32 to index
          %get3A_448 = arith.index_cast %add3A_325 : i32 to index
          %get3A_449 = tpu.vector_load %arg5[%get3A_447, %get3A_448] {strides = array<i32>} : memref<16x512xf32, #tpu.memory_space<vmem>>, vector<16xf32>,
          %mul3A_450 = arith.constant 16 : i32
          %mul3A_451 = arith.muli %add3A_325, %mul3A_450 : i32
          %add3A_452 = arith.constant 12 : i32
          %add3A_453 = arith.addi %mul3A_451, %add3A_452 : i32
          %add3A_454 = vector.broadcast %add3A_453 : i32 to vector<16xi32>
          %add3A_455 = arith.addi %mul3A_3, %add3A_454 : vector<16xi32>
          tpu.vector_store_idx %arg7[%add3A_455], %get3A_449 : memref<8192xf32, #tpu.memory_space<vmem>>[vector<16xi32>], vector<16xf32>,
          %get3A_456 = arith.constant 13 : i32
          %get3A_457 = arith.index_cast %get3A_456 : i32 to index
          %get3A_458 = arith.index_cast %add3A_325 : i32 to index
          %get3A_459 = tpu.vector_load %arg5[%get3A_457, %get3A_458] {strides = array<i32>} : memref<16x512xf32, #tpu.memory_space<vmem>>, vector<16xf32>,
          %mul3A_460 = arith.constant 16 : i32
          %mul3A_461 = arith.muli %add3A_325, %mul3A_460 : i32
          %add3A_462 = arith.constant 13 : i32
          %add3A_463 = arith.addi %mul3A_461, %add3A_462 : i32
          %add3A_464 = vector.broadcast %add3A_463 : i32 to vector<16xi32>
          %add3A_465 = arith.addi %mul3A_3, %add3A_464 : vector<16xi32>
          tpu.vector_store_idx %arg7[%add3A_465], %get3A_459 : memref<8192xf32, #tpu.memory_space<vmem>>[vector<16xi32>], vector<16xf32>,
          %get3A_466 = arith.constant 14 : i32
          %get3A_467 = arith.index_cast %get3A_466 : i32 to index
          %get3A_468 = arith.index_cast %add3A_325 : i32 to index
          %get3A_469 = tpu.vector_load %arg5[%get3A_467, %get3A_468] {strides = array<i32>} : memref<16x512xf32, #tpu.memory_space<vmem>>, vector<16xf32>,
          %mul3A_470 = arith.constant 16 : i32
          %mul3A_471 = arith.muli %add3A_325, %mul3A_470 : i32
          %add3A_472 = arith.constant 14 : i32
          %add3A_473 = arith.addi %mul3A_471, %add3A_472 : i32
          %add3A_474 = vector.broadcast %add3A_473 : i32 to vector<16xi32>
          %add3A_475 = arith.addi %mul3A_3, %add3A_474 : vector<16xi32>
          tpu.vector_store_idx %arg7[%add3A_475], %get3A_469 : memref<8192xf32, #tpu.memory_space<vmem>>[vector<16xi32>], vector<16xf32>,
          %get3A_476 = arith.constant 15 : i32
          %get3A_477 = arith.index_cast %get3A_476 : i32 to index
          %get3A_478 = arith.index_cast %add3A_325 : i32 to index
          %get3A_479 = tpu.vector_load %arg5[%get3A_477, %get3A_478] {strides = array<i32>} : memref<16x512xf32, #tpu.memory_space<vmem>>, vector<16xf32>,
          %mul3A_480 = arith.constant 16 : i32
          %mul3A_481 = arith.muli %add3A_325, %mul3A_480 : i32
          %add3A_482 = arith.constant 15 : i32
          %add3A_483 = arith.addi %mul3A_481, %add3A_482 : i32
          %add3A_484 = vector.broadcast %add3A_483 : i32 to vector<16xi32>
          %add3A_485 = arith.addi %mul3A_3, %add3A_484 : vector<16xi32>
          tpu.vector_store_idx %arg7[%add3A_485], %get3A_479 : memref<8192xf32, #tpu.memory_space<vmem>>[vector<16xi32>], vector<16xf32>,
        }
        %scan3A_149 = arith.constant 16 : i32
        %mul3A_150 = arith.constant 32 : i32
        %mul3A_151 = arith.muli %add3A_106, %mul3A_150 : i32
        %add3A_152 = arith.addi %mul3A_151, %add3A : i32
        %mul3A_153 = arith.constant 512 : i32
        %mul3A_154 = arith.muli %add3A_152, %mul3A_153 : i32
        %mul3A_155 = arith.constant 16 : i32
        %mul3A_156 = arith.muli %mul3A_154, %mul3A_155 : i32
        %dma_start3A = tpu.memref_slice %arg3[%mul3A_156] : memref<41600000xf32, #tpu.memory_space<hbm>> -> memref<8192xf32, #tpu.memory_space<hbm>>
        %dma_start3A_157 = tpu.memref_slice %arg3[%mul3A_156] : memref<41600000xf32, #tpu.memory_space<hbm>> -> memref<8192xf32, #tpu.memory_space<hbm>>
        tpu.enqueue_dma source(%arg7 : memref<8192xf32, #tpu.memory_space<vmem>>) target(%dma_start3A_157 : memref<8192xf32, #tpu.memory_space<hbm>>) target_semaphore(%arg11 : memref<!tpu.dma_semaphore, #tpu.memory_space<semaphore_mem>>)
      } else {
      }
    }
    %scan3A_21 = arith.constant 80 : i32
    %add3A_22 = arith.constant 5056 : i32
    %add3A_23 = arith.addi %add3A_22, %add3A : i32
    %lt3A_24 = arith.constant 5078 : i32
    %lt3A_25 = arith.cmpi slt, %add3A_23, %lt3A_24 : i32
    %and3A_26 = arith.constant true
    %and3A_27 = arith.andi %and3A_26, %lt3A_25 : i1
    %convert_element_type3A_28 = arith.extui %and3A_27 : i1 to i32
    %cond3A_29 = arith.constant 0 : i32
    %cond3A_30 = arith.cmpi ne, %convert_element_type3A_28, %cond3A_29 : i32
    scf.if %cond3A_30 {
      %add3A_40 = arith.constant 5056 : i32
      %add3A_41 = arith.addi %add3A_40, %add3A : i32
      %mul3A_42 = arith.constant 512 : i32
      %mul3A_43 = arith.muli %add3A_41, %mul3A_42 : i32
      %mul3A_44 = arith.constant 16 : i32
      %mul3A_45 = arith.muli %mul3A_43, %mul3A_44 : i32
      %dma_wait3A = tpu.memref_slice %arg3[%mul3A_45] : memref<41600000xf32, #tpu.memory_space<hbm>> -> memref<8192xf32, #tpu.memory_space<hbm>>
      %dma_wait3A_46 = tpu.memref_slice %arg3[%mul3A_45] : memref<41600000xf32, #tpu.memory_space<hbm>> -> memref<8192xf32, #tpu.memory_space<hbm>>
      tpu.wait_dma2 semaphore(%arg10 : memref<!tpu.dma_semaphore, #tpu.memory_space<semaphore_mem>>) src(%arg6 : memref<8192xf32, #tpu.memory_space<vmem>>) dst(%dma_wait3A_46 : memref<8192xf32, #tpu.memory_space<hbm>>)
    } else {
    }
    %add3A_31 = arith.constant 5088 : i32
    %add3A_32 = arith.addi %add3A_31, %add3A : i32
    %lt3A_33 = arith.constant 5078 : i32
    %lt3A_34 = arith.cmpi slt, %add3A_32, %lt3A_33 : i32
    %and3A_35 = arith.constant true
    %and3A_36 = arith.andi %and3A_35, %lt3A_34 : i1
    %convert_element_type3A_37 = arith.extui %and3A_36 : i1 to i32
    %cond3A_38 = arith.constant 0 : i32
    %cond3A_39 = arith.cmpi ne, %convert_element_type3A_37, %cond3A_38 : i32
    scf.if %cond3A_39 {
      %add3A_40 = arith.constant 5088 : i32
      %add3A_41 = arith.addi %add3A_40, %add3A : i32
      %mul3A_42 = arith.constant 512 : i32
      %mul3A_43 = arith.muli %add3A_41, %mul3A_42 : i32
      %mul3A_44 = arith.constant 16 : i32
      %mul3A_45 = arith.muli %mul3A_43, %mul3A_44 : i32
      %dma_wait3A = tpu.memref_slice %arg3[%mul3A_45] : memref<41600000xf32, #tpu.memory_space<hbm>> -> memref<8192xf32, #tpu.memory_space<hbm>>
      %dma_wait3A_46 = tpu.memref_slice %arg3[%mul3A_45] : memref<41600000xf32, #tpu.memory_space<hbm>> -> memref<8192xf32, #tpu.memory_space<hbm>>
      tpu.wait_dma2 semaphore(%arg11 : memref<!tpu.dma_semaphore, #tpu.memory_space<semaphore_mem>>) src(%arg7 : memref<8192xf32, #tpu.memory_space<vmem>>) dst(%dma_wait3A_46 : memref<8192xf32, #tpu.memory_space<hbm>>)
    } else {
    }
    return
  }
}

#map = affine_map<(d0, d1) -> (0, 0)>
#map1 = affine_map<(d0, d1) -> (0)>
module attributes {stable_mosaic.version = 14 : i64} {
  func.func @gather_kernel(%arg0: i32, %arg1: i32, %arg2: memref<2600000x16xf32, #tpu.memory_space<hbm>>, %arg3: memref<162500x16xf32, #tpu.memory_space<hbm>>, %arg4: memref<212992xi32, #tpu.memory_space<hbm>>, %arg5: memref<212992x16xf32, #tpu.memory_space<hbm>>, %arg6: memref<212992xf32, #tpu.memory_space<hbm>>, %arg7: memref<1664xi32, #tpu.memory_space<vmem>>, %arg8: memref<1664xi32, #tpu.memory_space<vmem>>, %arg9: memref<1664xi32, #tpu.memory_space<vmem>>, %arg10: memref<1664x16xf32, #tpu.memory_space<vmem>>, %arg11: memref<1664x16xf32, #tpu.memory_space<vmem>>, %arg12: memref<1664xf32, #tpu.memory_space<vmem>>, %arg13: memref<!tpu.dma_semaphore, #tpu.memory_space<semaphore_mem>>, %arg14: memref<!tpu.dma_semaphore, #tpu.memory_space<semaphore_mem>>) attributes {dimension_semantics = [#tpu.dimension_semantics<core_parallel>, #tpu.dimension_semantics<subcore_parallel>], iteration_bounds = array<i64: 2, 16>, scalar_prefetch = 0 : i64, scratch_operands = 8 : i64, tpu.core_type = #tpu.core_type<sc_vector_subcore>, window_params = [{transform_indices = #map}, {transform_indices = #map}, {transform_indices = #map1}, {transform_indices = #map}, {transform_indices = #map1}]} {
    %mul3A = arith.constant 2 : i32
    %mul3A_0 = arith.muli %arg1, %mul3A : i32
    %add3A = arith.addi %mul3A_0, %arg0 : i32
    %mul3A_1 = arith.constant 6656 : i32
    %mul3A_2 = arith.muli %add3A, %mul3A_1 : i32
    %scan3A = arith.constant 0 : i32
    %scan3A_3 = arith.constant 4 : i32
    %scan3A_4 = arith.addi %scan3A, %scan3A_3 : i32
    %scan3A_5 = arith.constant 1 : i32
    scf.for %scan3A_7 = %scan3A to %scan3A_4 step %scan3A_5  : i32 {
      %mul3A_8 = arith.constant 1 : i32
      %mul3A_9 = arith.muli %scan3A_7, %mul3A_8 : i32
      %add3A_10 = arith.constant 0 : i32
      %add3A_11 = arith.addi %add3A_10, %mul3A_9 : i32
      %mul3A_12 = arith.constant 1664 : i32
      %mul3A_13 = arith.muli %add3A_11, %mul3A_12 : i32
      %add3A_14 = arith.addi %mul3A_2, %mul3A_13 : i32
      "tpu.region"() ({
        %run_scoped3A = tpu.sem_alloc : memref<!tpu.dma_semaphore, #tpu.memory_space<semaphore_mem>>
        %dma_start3A_35 = tpu.memref_slice %arg4[%add3A_14] : memref<212992xi32, #tpu.memory_space<hbm>> -> memref<1664xi32, #tpu.memory_space<hbm>>
        %dma_start3A_36 = tpu.memref_slice %arg4[%add3A_14] : memref<212992xi32, #tpu.memory_space<hbm>> -> memref<1664xi32, #tpu.memory_space<hbm>>
        tpu.enqueue_dma source(%dma_start3A_36 : memref<1664xi32, #tpu.memory_space<hbm>>) target(%arg7 : memref<1664xi32, #tpu.memory_space<vmem>>) target_semaphore(%run_scoped3A : memref<!tpu.dma_semaphore, #tpu.memory_space<semaphore_mem>>)
        %dma_wait3A_37 = tpu.memref_slice %arg4[%add3A_14] : memref<212992xi32, #tpu.memory_space<hbm>> -> memref<1664xi32, #tpu.memory_space<hbm>>
        %dma_wait3A_38 = tpu.memref_slice %arg4[%add3A_14] : memref<212992xi32, #tpu.memory_space<hbm>> -> memref<1664xi32, #tpu.memory_space<hbm>>
        tpu.wait_dma2 semaphore(%run_scoped3A : memref<!tpu.dma_semaphore, #tpu.memory_space<semaphore_mem>>) src(%dma_wait3A_38 : memref<1664xi32, #tpu.memory_space<hbm>>) dst(%arg7 : memref<1664xi32, #tpu.memory_space<vmem>>)
        tpu.yield
      }) : () -> ()
      %scan3A_15 = arith.constant 0 : i32
      %scan3A_16 = arith.constant 104 : i32
      %scan3A_17 = arith.addi %scan3A_15, %scan3A_16 : i32
      %scan3A_18 = arith.constant 1 : i32
      scf.for %scan3A_35 = %scan3A_15 to %scan3A_17 step %scan3A_18  : i32 {
        %mul3A_36 = arith.constant 16 : i32
        %mul3A_37 = arith.muli %scan3A_35, %mul3A_36 : i32
        %add3A_38 = arith.constant 0 : i32
        %add3A_39 = arith.addi %add3A_38, %mul3A_37 : i32
        %get3A = arith.index_cast %add3A_39 : i32 to index
        %get3A_40 = tpu.vector_load %arg7[%get3A] {strides = array<i32>} : memref<1664xi32, #tpu.memory_space<vmem>>, vector<16xi32>,
        %shift_right_logical3A = arith.constant 4 : i32
        %shift_right_logical3A_41 = vector.broadcast %shift_right_logical3A : i32 to vector<16xi32>
        %shift_right_logical3A_42 = arith.shrui %get3A_40, %shift_right_logical3A_41 : vector<16xi32>
        %swap3A = arith.index_cast %add3A_39 : i32 to index
        %swap3A_43 = tpu.vector_load %arg8[%swap3A] {strides = array<i32>} : memref<1664xi32, #tpu.memory_space<vmem>>, vector<16xi32>,
        tpu.vector_store %arg8[%swap3A], %shift_right_logical3A_42 {strides = array<i32>} : memref<1664xi32, #tpu.memory_space<vmem>>, vector<16xi32>,
        %and3A = arith.constant 15 : i32
        %and3A_44 = vector.broadcast %and3A : i32 to vector<16xi32>
        %and3A_45 = arith.andi %get3A_40, %and3A_44 : vector<16xi32>
        %swap3A_46 = arith.index_cast %add3A_39 : i32 to index
        %swap3A_47 = tpu.vector_load %arg9[%swap3A_46] {strides = array<i32>} : memref<1664xi32, #tpu.memory_space<vmem>>, vector<16xi32>,
        tpu.vector_store %arg9[%swap3A_46], %and3A_45 {strides = array<i32>} : memref<1664xi32, #tpu.memory_space<vmem>>, vector<16xi32>,
      }
      %scan3A_19 = arith.constant 104 : i32
      %dma_start3A = arith.constant 0 : i32
      %dma_start3A_20 = arith.constant 0 : i32
      %dma_start3A_21 = tpu.memref_slice %arg2[%dma_start3A, %dma_start3A_20] : memref<2600000x16xf32, #tpu.memory_space<hbm>> -> memref<2600000x16xf32, #tpu.memory_space<hbm>>
      tpu.enqueue_indirect_dma source(%dma_start3A_21 : memref<2600000x16xf32, #tpu.memory_space<hbm>>) target(%arg10 : memref<1664x16xf32, #tpu.memory_space<vmem>>) offsets(%arg7 : memref<1664xi32, #tpu.memory_space<vmem>>) semaphore(%arg13 : memref<!tpu.dma_semaphore, #tpu.memory_space<semaphore_mem>>)
      %dma_start3A_22 = arith.constant 0 : i32
      %dma_start3A_23 = arith.constant 0 : i32
      %dma_start3A_24 = tpu.memref_slice %arg3[%dma_start3A_22, %dma_start3A_23] : memref<162500x16xf32, #tpu.memory_space<hbm>> -> memref<162500x16xf32, #tpu.memory_space<hbm>>
      tpu.enqueue_indirect_dma source(%dma_start3A_24 : memref<162500x16xf32, #tpu.memory_space<hbm>>) target(%arg11 : memref<1664x16xf32, #tpu.memory_space<vmem>>) offsets(%arg8 : memref<1664xi32, #tpu.memory_space<vmem>>) semaphore(%arg14 : memref<!tpu.dma_semaphore, #tpu.memory_space<semaphore_mem>>)
      %dma_wait3A = arith.constant 0 : i32
      %dma_wait3A_25 = arith.constant 0 : i32
      %dma_wait3A_26 = tpu.memref_slice %arg2[%dma_wait3A, %dma_wait3A_25] : memref<2600000x16xf32, #tpu.memory_space<hbm>> -> memref<2600000x16xf32, #tpu.memory_space<hbm>>
      tpu.wait_indirect_dma semaphore(%arg13 : memref<!tpu.dma_semaphore, #tpu.memory_space<semaphore_mem>>) src(%dma_wait3A_26 : memref<2600000x16xf32, #tpu.memory_space<hbm>>) dst(%arg10 : memref<1664x16xf32, #tpu.memory_space<vmem>>)
      %dma_wait3A_27 = arith.constant 0 : i32
      %dma_wait3A_28 = arith.constant 0 : i32
      %dma_wait3A_29 = tpu.memref_slice %arg3[%dma_wait3A_27, %dma_wait3A_28] : memref<162500x16xf32, #tpu.memory_space<hbm>> -> memref<162500x16xf32, #tpu.memory_space<hbm>>
      tpu.wait_indirect_dma semaphore(%arg14 : memref<!tpu.dma_semaphore, #tpu.memory_space<semaphore_mem>>) src(%dma_wait3A_29 : memref<162500x16xf32, #tpu.memory_space<hbm>>) dst(%arg11 : memref<1664x16xf32, #tpu.memory_space<vmem>>)
      %scan3A_30 = arith.constant 0 : i32
      %scan3A_31 = arith.constant 104 : i32
      %scan3A_32 = arith.addi %scan3A_30, %scan3A_31 : i32
      %scan3A_33 = arith.constant 1 : i32
      scf.for %scan3A_35 = %scan3A_30 to %scan3A_32 step %scan3A_33  : i32 {
        %mul3A_36 = arith.constant 16 : i32
        %mul3A_37 = arith.muli %scan3A_35, %mul3A_36 : i32
        %add3A_38 = arith.constant 0 : i32
        %add3A_39 = arith.addi %add3A_38, %mul3A_37 : i32
        %iota3A = tpu.iota {dimensions = array<i32: 0>} : vector<16xi32>
        %add3A_40 = vector.broadcast %add3A_39 : i32 to vector<16xi32>
        %add3A_41 = arith.addi %iota3A, %add3A_40 : vector<16xi32>
        %get3A = arith.index_cast %add3A_39 : i32 to index
        %get3A_42 = tpu.vector_load %arg9[%get3A] {strides = array<i32>} : memref<1664xi32, #tpu.memory_space<vmem>>, vector<16xi32>,
        %gather3A = tpu.vector_load_idx %arg11[%add3A_41, %get3A_42] : memref<1664x16xf32, #tpu.memory_space<vmem>>[vector<16xi32>, vector<16xi32>], vector<16xf32>,
        %swap3A = arith.index_cast %add3A_39 : i32 to index
        %swap3A_43 = tpu.vector_load %arg12[%swap3A] {strides = array<i32>} : memref<1664xf32, #tpu.memory_space<vmem>>, vector<16xf32>,
        tpu.vector_store %arg12[%swap3A], %gather3A {strides = array<i32>} : memref<1664xf32, #tpu.memory_space<vmem>>, vector<16xf32>,
      }
      %scan3A_34 = arith.constant 104 : i32
      "tpu.region"() ({
        %run_scoped3A = tpu.sem_alloc : memref<!tpu.dma_semaphore, #tpu.memory_space<semaphore_mem>>
        %dma_start3A_35 = arith.constant 0 : i32
        %dma_start3A_36 = tpu.memref_slice %arg5[%add3A_14, %dma_start3A_35] : memref<212992x16xf32, #tpu.memory_space<hbm>> -> memref<1664x16xf32, #tpu.memory_space<hbm>>
        %dma_start3A_37 = arith.constant 0 : i32
        %dma_start3A_38 = tpu.memref_slice %arg5[%add3A_14, %dma_start3A_37] : memref<212992x16xf32, #tpu.memory_space<hbm>> -> memref<1664x16xf32, #tpu.memory_space<hbm>>
        tpu.enqueue_dma source(%arg10 : memref<1664x16xf32, #tpu.memory_space<vmem>>) target(%dma_start3A_38 : memref<1664x16xf32, #tpu.memory_space<hbm>>) target_semaphore(%run_scoped3A : memref<!tpu.dma_semaphore, #tpu.memory_space<semaphore_mem>>)
        %dma_wait3A_39 = arith.constant 0 : i32
        %dma_wait3A_40 = tpu.memref_slice %arg5[%add3A_14, %dma_wait3A_39] : memref<212992x16xf32, #tpu.memory_space<hbm>> -> memref<1664x16xf32, #tpu.memory_space<hbm>>
        %dma_wait3A_41 = arith.constant 0 : i32
        %dma_wait3A_42 = tpu.memref_slice %arg5[%add3A_14, %dma_wait3A_41] : memref<212992x16xf32, #tpu.memory_space<hbm>> -> memref<1664x16xf32, #tpu.memory_space<hbm>>
        tpu.wait_dma2 semaphore(%run_scoped3A : memref<!tpu.dma_semaphore, #tpu.memory_space<semaphore_mem>>) src(%arg10 : memref<1664x16xf32, #tpu.memory_space<vmem>>) dst(%dma_wait3A_42 : memref<1664x16xf32, #tpu.memory_space<hbm>>)
        tpu.yield
      }) : () -> ()
      "tpu.region"() ({
        %run_scoped3A = tpu.sem_alloc : memref<!tpu.dma_semaphore, #tpu.memory_space<semaphore_mem>>
        %dma_start3A_35 = tpu.memref_slice %arg6[%add3A_14] : memref<212992xf32, #tpu.memory_space<hbm>> -> memref<1664xf32, #tpu.memory_space<hbm>>
        %dma_start3A_36 = tpu.memref_slice %arg6[%add3A_14] : memref<212992xf32, #tpu.memory_space<hbm>> -> memref<1664xf32, #tpu.memory_space<hbm>>
        tpu.enqueue_dma source(%arg12 : memref<1664xf32, #tpu.memory_space<vmem>>) target(%dma_start3A_36 : memref<1664xf32, #tpu.memory_space<hbm>>) target_semaphore(%run_scoped3A : memref<!tpu.dma_semaphore, #tpu.memory_space<semaphore_mem>>)
        %dma_wait3A_37 = tpu.memref_slice %arg6[%add3A_14] : memref<212992xf32, #tpu.memory_space<hbm>> -> memref<1664xf32, #tpu.memory_space<hbm>>
        %dma_wait3A_38 = tpu.memref_slice %arg6[%add3A_14] : memref<212992xf32, #tpu.memory_space<hbm>> -> memref<1664xf32, #tpu.memory_space<hbm>>
        tpu.wait_dma2 semaphore(%run_scoped3A : memref<!tpu.dma_semaphore, #tpu.memory_space<semaphore_mem>>) src(%arg12 : memref<1664xf32, #tpu.memory_space<vmem>>) dst(%dma_wait3A_38 : memref<1664xf32, #tpu.memory_space<hbm>>)
        tpu.yield
      }) : () -> ()
    }
    %scan3A_6 = arith.constant 4 : i32
    return
  }
}

module attributes {stable_mosaic.version = 14 : i64} {
  func.func @_dense_body(%arg0: i32, %arg1: memref<512x416xf32, #tpu.memory_space<vmem>>, %arg2: memref<512x26xf32, #tpu.memory_space<vmem>>, %arg3: memref<1x416xf32, #tpu.memory_space<vmem>>, %arg4: memref<1x416xf32, #tpu.memory_space<vmem>>, %arg5: memref<416x26xf32, #tpu.memory_space<vmem>>, %arg6: memref<1x26xf32, #tpu.memory_space<vmem>>, %arg7: memref<1x26xf32, #tpu.memory_space<vmem>>, %arg8: memref<26x416xf32, #tpu.memory_space<vmem>>, %arg9: memref<416x64xf32, #tpu.memory_space<vmem>>, %arg10: memref<1x64xf32, #tpu.memory_space<vmem>>, %arg11: memref<1x64xf32, #tpu.memory_space<vmem>>, %arg12: memref<64x32xf32, #tpu.memory_space<vmem>>, %arg13: memref<1x32xf32, #tpu.memory_space<vmem>>, %arg14: memref<1x32xf32, #tpu.memory_space<vmem>>, %arg15: memref<1x32xf32, #tpu.memory_space<vmem>>, %arg16: memref<1x1xf32, #tpu.memory_space<vmem>>, %arg17: memref<1x512xf32, #tpu.memory_space<vmem>>) attributes {dimension_semantics = [#tpu.dimension_semantics<parallel>], iteration_bounds = array<i64: 16>, scalar_prefetch = 0 : i64, scratch_operands = 0 : i64, tpu.core_type = #tpu.core_type<tc>, window_params = [{transform_indices = @transform_0, window_bounds = array<i64: 512, 416>}, {transform_indices = @transform_1, window_bounds = array<i64: 512, 26>}, {pipeline_mode = #tpu.pipeline_mode<synchronous>, transform_indices = @transform_2, window_bounds = array<i64: 1, 416>}, {pipeline_mode = #tpu.pipeline_mode<synchronous>, transform_indices = @transform_3, window_bounds = array<i64: 1, 416>}, {pipeline_mode = #tpu.pipeline_mode<synchronous>, transform_indices = @transform_4, window_bounds = array<i64: 416, 26>}, {pipeline_mode = #tpu.pipeline_mode<synchronous>, transform_indices = @transform_5, window_bounds = array<i64: 1, 26>}, {pipeline_mode = #tpu.pipeline_mode<synchronous>, transform_indices = @transform_6, window_bounds = array<i64: 1, 26>}, {pipeline_mode = #tpu.pipeline_mode<synchronous>, transform_indices = @transform_7, window_bounds = array<i64: 26, 416>}, {pipeline_mode = #tpu.pipeline_mode<synchronous>, transform_indices = @transform_8, window_bounds = array<i64: 416, 64>}, {pipeline_mode = #tpu.pipeline_mode<synchronous>, transform_indices = @transform_9, window_bounds = array<i64: 1, 64>}, {pipeline_mode = #tpu.pipeline_mode<synchronous>, transform_indices = @transform_10, window_bounds = array<i64: 1, 64>}, {pipeline_mode = #tpu.pipeline_mode<synchronous>, transform_indices = @transform_11, window_bounds = array<i64: 64, 32>}, {pipeline_mode = #tpu.pipeline_mode<synchronous>, transform_indices = @transform_12, window_bounds = array<i64: 1, 32>}, {pipeline_mode = #tpu.pipeline_mode<synchronous>, transform_indices = @transform_13, window_bounds = array<i64: 1, 32>}, {pipeline_mode = #tpu.pipeline_mode<synchronous>, transform_indices = @transform_14, window_bounds = array<i64: 1, 32>}, {pipeline_mode = #tpu.pipeline_mode<synchronous>, transform_indices = @transform_15, window_bounds = array<i64: 1, 1>}, {transform_indices = @transform_16, window_bounds = array<i64: 1, 512>}]} {
    %get3A = arith.constant 0 : index
    %get3A_0 = arith.constant 0 : index
    %get3A_1 = vector.load %arg1[%get3A, %get3A_0] : memref<512x416xf32, #tpu.memory_space<vmem>>, vector<512x416xf32>
    %get3A_2 = arith.constant 0 : index
    %get3A_3 = arith.constant 0 : index
    %get3A_4 = vector.load %arg3[%get3A_2, %get3A_3] : memref<1x416xf32, #tpu.memory_space<vmem>>, vector<1x416xf32>
    %mul3A = vector.broadcast %get3A_4 : vector<1x416xf32> to vector<512x416xf32>
    %mul3A_5 = arith.mulf %get3A_1, %mul3A : vector<512x416xf32>
    %get3A_6 = arith.constant 0 : index
    %get3A_7 = arith.constant 0 : index
    %get3A_8 = vector.load %arg4[%get3A_6, %get3A_7] : memref<1x416xf32, #tpu.memory_space<vmem>>, vector<1x416xf32>
    %add3A = vector.broadcast %get3A_8 : vector<1x416xf32> to vector<512x416xf32>
    %add3A_9 = arith.addf %mul3A_5, %add3A : vector<512x416xf32>
    %get3A_10 = arith.constant 0 : index
    %get3A_11 = arith.constant 0 : index
    %get3A_12 = vector.load %arg5[%get3A_10, %get3A_11] : memref<416x26xf32, #tpu.memory_space<vmem>>, vector<416x26xf32>
    %dot_general3A = arith.constant dense<0.000000e+00> : vector<512x26xf32>
    %dot_general3A_13 = tpu.matmul %add3A_9, %get3A_12, %dot_general3A {dimension_numbers = #tpu.dot_dimension_numbers<[1], [0], [0], [1], [0, 0, 1, 1], [], []>, transpose_lhs_hint = false} : vector<512x416xf32>, vector<416x26xf32>, vector<512x26xf32> -> vector<512x26xf32>
    %get3A_14 = arith.constant 0 : index
    %get3A_15 = arith.constant 0 : index
    %get3A_16 = vector.load %arg6[%get3A_14, %get3A_15] : memref<1x26xf32, #tpu.memory_space<vmem>>, vector<1x26xf32>
    %mul3A_17 = vector.broadcast %get3A_16 : vector<1x26xf32> to vector<512x26xf32>
    %mul3A_18 = arith.mulf %dot_general3A_13, %mul3A_17 : vector<512x26xf32>
    %get3A_19 = arith.constant 0 : index
    %get3A_20 = arith.constant 0 : index
    %get3A_21 = vector.load %arg7[%get3A_19, %get3A_20] : memref<1x26xf32, #tpu.memory_space<vmem>>, vector<1x26xf32>
    %add3A_22 = vector.broadcast %get3A_21 : vector<1x26xf32> to vector<512x26xf32>
    %add3A_23 = arith.addf %mul3A_18, %add3A_22 : vector<512x26xf32>
    %max3A = arith.constant 0.000000e+00 : f32
    %max3A_24 = vector.broadcast %max3A : f32 to vector<512x26xf32>
    %max3A_25 = arith.maximumf %add3A_23, %max3A_24 : vector<512x26xf32>
    %transpose3A = tpu.transpose %max3A_25, [1, 0] : vector<512x26xf32> -> vector<26x512xf32>
    %iota3A = tpu.iota {dimensions = array<i32: 0>} : vector<26x512xi32>
    %broadcast_in_dim3A = arith.constant 0 : i32
    %broadcast_in_dim3A_26 = vector.broadcast %broadcast_in_dim3A : i32 to vector<26x512xi32>
    %slice3A = vector.extract_strided_slice %transpose3A {offsets = [0, 0], sizes = [1, 512], strides = [1, 1]} : vector<26x512xf32> to vector<1x512xf32>
    %gt3A = vector.broadcast %slice3A : vector<1x512xf32> to vector<26x512xf32>
    %gt3A_27 = arith.cmpf ogt, %gt3A, %transpose3A : vector<26x512xf32>
    %eq3A = vector.broadcast %slice3A : vector<1x512xf32> to vector<26x512xf32>
    %eq3A_28 = arith.cmpf oeq, %eq3A, %transpose3A : vector<26x512xf32>
    %gt3A_29 = arith.constant 0 : i32
    %gt3A_30 = vector.broadcast %gt3A_29 : i32 to vector<26x512xi32>
    %gt3A_31 = arith.cmpi sgt, %iota3A, %gt3A_30 : vector<26x512xi32>
    %and3A = arith.andi %eq3A_28, %gt3A_31 : vector<26x512xi1>
    %or3A = arith.ori %gt3A_27, %and3A : vector<26x512xi1>
    %convert_element_type3A = arith.extui %or3A : vector<26x512xi1> to vector<26x512xi32>
    %add3A_32 = arith.addi %broadcast_in_dim3A_26, %convert_element_type3A : vector<26x512xi32>
    %slice3A_33 = vector.extract_strided_slice %transpose3A {offsets = [1, 0], sizes = [1, 512], strides = [1, 1]} : vector<26x512xf32> to vector<1x512xf32>
    %gt3A_34 = vector.broadcast %slice3A_33 : vector<1x512xf32> to vector<26x512xf32>
    %gt3A_35 = arith.cmpf ogt, %gt3A_34, %transpose3A : vector<26x512xf32>
    %eq3A_36 = vector.broadcast %slice3A_33 : vector<1x512xf32> to vector<26x512xf32>
    %eq3A_37 = arith.cmpf oeq, %eq3A_36, %transpose3A : vector<26x512xf32>
    %gt3A_38 = arith.constant 1 : i32
    %gt3A_39 = vector.broadcast %gt3A_38 : i32 to vector<26x512xi32>
    %gt3A_40 = arith.cmpi sgt, %iota3A, %gt3A_39 : vector<26x512xi32>
    %and3A_41 = arith.andi %eq3A_37, %gt3A_40 : vector<26x512xi1>
    %or3A_42 = arith.ori %gt3A_35, %and3A_41 : vector<26x512xi1>
    %convert_element_type3A_43 = arith.extui %or3A_42 : vector<26x512xi1> to vector<26x512xi32>
    %add3A_44 = arith.addi %add3A_32, %convert_element_type3A_43 : vector<26x512xi32>
    %slice3A_45 = vector.extract_strided_slice %transpose3A {offsets = [2, 0], sizes = [1, 512], strides = [1, 1]} : vector<26x512xf32> to vector<1x512xf32>
    %gt3A_46 = vector.broadcast %slice3A_45 : vector<1x512xf32> to vector<26x512xf32>
    %gt3A_47 = arith.cmpf ogt, %gt3A_46, %transpose3A : vector<26x512xf32>
    %eq3A_48 = vector.broadcast %slice3A_45 : vector<1x512xf32> to vector<26x512xf32>
    %eq3A_49 = arith.cmpf oeq, %eq3A_48, %transpose3A : vector<26x512xf32>
    %gt3A_50 = arith.constant 2 : i32
    %gt3A_51 = vector.broadcast %gt3A_50 : i32 to vector<26x512xi32>
    %gt3A_52 = arith.cmpi sgt, %iota3A, %gt3A_51 : vector<26x512xi32>
    %and3A_53 = arith.andi %eq3A_49, %gt3A_52 : vector<26x512xi1>
    %or3A_54 = arith.ori %gt3A_47, %and3A_53 : vector<26x512xi1>
    %convert_element_type3A_55 = arith.extui %or3A_54 : vector<26x512xi1> to vector<26x512xi32>
    %add3A_56 = arith.addi %add3A_44, %convert_element_type3A_55 : vector<26x512xi32>
    %slice3A_57 = vector.extract_strided_slice %transpose3A {offsets = [3, 0], sizes = [1, 512], strides = [1, 1]} : vector<26x512xf32> to vector<1x512xf32>
    %gt3A_58 = vector.broadcast %slice3A_57 : vector<1x512xf32> to vector<26x512xf32>
    %gt3A_59 = arith.cmpf ogt, %gt3A_58, %transpose3A : vector<26x512xf32>
    %eq3A_60 = vector.broadcast %slice3A_57 : vector<1x512xf32> to vector<26x512xf32>
    %eq3A_61 = arith.cmpf oeq, %eq3A_60, %transpose3A : vector<26x512xf32>
    %gt3A_62 = arith.constant 3 : i32
    %gt3A_63 = vector.broadcast %gt3A_62 : i32 to vector<26x512xi32>
    %gt3A_64 = arith.cmpi sgt, %iota3A, %gt3A_63 : vector<26x512xi32>
    %and3A_65 = arith.andi %eq3A_61, %gt3A_64 : vector<26x512xi1>
    %or3A_66 = arith.ori %gt3A_59, %and3A_65 : vector<26x512xi1>
    %convert_element_type3A_67 = arith.extui %or3A_66 : vector<26x512xi1> to vector<26x512xi32>
    %add3A_68 = arith.addi %add3A_56, %convert_element_type3A_67 : vector<26x512xi32>
    %slice3A_69 = vector.extract_strided_slice %transpose3A {offsets = [4, 0], sizes = [1, 512], strides = [1, 1]} : vector<26x512xf32> to vector<1x512xf32>
    %gt3A_70 = vector.broadcast %slice3A_69 : vector<1x512xf32> to vector<26x512xf32>
    %gt3A_71 = arith.cmpf ogt, %gt3A_70, %transpose3A : vector<26x512xf32>
    %eq3A_72 = vector.broadcast %slice3A_69 : vector<1x512xf32> to vector<26x512xf32>
    %eq3A_73 = arith.cmpf oeq, %eq3A_72, %transpose3A : vector<26x512xf32>
    %gt3A_74 = arith.constant 4 : i32
    %gt3A_75 = vector.broadcast %gt3A_74 : i32 to vector<26x512xi32>
    %gt3A_76 = arith.cmpi sgt, %iota3A, %gt3A_75 : vector<26x512xi32>
    %and3A_77 = arith.andi %eq3A_73, %gt3A_76 : vector<26x512xi1>
    %or3A_78 = arith.ori %gt3A_71, %and3A_77 : vector<26x512xi1>
    %convert_element_type3A_79 = arith.extui %or3A_78 : vector<26x512xi1> to vector<26x512xi32>
    %add3A_80 = arith.addi %add3A_68, %convert_element_type3A_79 : vector<26x512xi32>
    %slice3A_81 = vector.extract_strided_slice %transpose3A {offsets = [5, 0], sizes = [1, 512], strides = [1, 1]} : vector<26x512xf32> to vector<1x512xf32>
    %gt3A_82 = vector.broadcast %slice3A_81 : vector<1x512xf32> to vector<26x512xf32>
    %gt3A_83 = arith.cmpf ogt, %gt3A_82, %transpose3A : vector<26x512xf32>
    %eq3A_84 = vector.broadcast %slice3A_81 : vector<1x512xf32> to vector<26x512xf32>
    %eq3A_85 = arith.cmpf oeq, %eq3A_84, %transpose3A : vector<26x512xf32>
    %gt3A_86 = arith.constant 5 : i32
    %gt3A_87 = vector.broadcast %gt3A_86 : i32 to vector<26x512xi32>
    %gt3A_88 = arith.cmpi sgt, %iota3A, %gt3A_87 : vector<26x512xi32>
    %and3A_89 = arith.andi %eq3A_85, %gt3A_88 : vector<26x512xi1>
    %or3A_90 = arith.ori %gt3A_83, %and3A_89 : vector<26x512xi1>
    %convert_element_type3A_91 = arith.extui %or3A_90 : vector<26x512xi1> to vector<26x512xi32>
    %add3A_92 = arith.addi %add3A_80, %convert_element_type3A_91 : vector<26x512xi32>
    %slice3A_93 = vector.extract_strided_slice %transpose3A {offsets = [6, 0], sizes = [1, 512], strides = [1, 1]} : vector<26x512xf32> to vector<1x512xf32>
    %gt3A_94 = vector.broadcast %slice3A_93 : vector<1x512xf32> to vector<26x512xf32>
    %gt3A_95 = arith.cmpf ogt, %gt3A_94, %transpose3A : vector<26x512xf32>
    %eq3A_96 = vector.broadcast %slice3A_93 : vector<1x512xf32> to vector<26x512xf32>
    %eq3A_97 = arith.cmpf oeq, %eq3A_96, %transpose3A : vector<26x512xf32>
    %gt3A_98 = arith.constant 6 : i32
    %gt3A_99 = vector.broadcast %gt3A_98 : i32 to vector<26x512xi32>
    %gt3A_100 = arith.cmpi sgt, %iota3A, %gt3A_99 : vector<26x512xi32>
    %and3A_101 = arith.andi %eq3A_97, %gt3A_100 : vector<26x512xi1>
    %or3A_102 = arith.ori %gt3A_95, %and3A_101 : vector<26x512xi1>
    %convert_element_type3A_103 = arith.extui %or3A_102 : vector<26x512xi1> to vector<26x512xi32>
    %add3A_104 = arith.addi %add3A_92, %convert_element_type3A_103 : vector<26x512xi32>
    %slice3A_105 = vector.extract_strided_slice %transpose3A {offsets = [7, 0], sizes = [1, 512], strides = [1, 1]} : vector<26x512xf32> to vector<1x512xf32>
    %gt3A_106 = vector.broadcast %slice3A_105 : vector<1x512xf32> to vector<26x512xf32>
    %gt3A_107 = arith.cmpf ogt, %gt3A_106, %transpose3A : vector<26x512xf32>
    %eq3A_108 = vector.broadcast %slice3A_105 : vector<1x512xf32> to vector<26x512xf32>
    %eq3A_109 = arith.cmpf oeq, %eq3A_108, %transpose3A : vector<26x512xf32>
    %gt3A_110 = arith.constant 7 : i32
    %gt3A_111 = vector.broadcast %gt3A_110 : i32 to vector<26x512xi32>
    %gt3A_112 = arith.cmpi sgt, %iota3A, %gt3A_111 : vector<26x512xi32>
    %and3A_113 = arith.andi %eq3A_109, %gt3A_112 : vector<26x512xi1>
    %or3A_114 = arith.ori %gt3A_107, %and3A_113 : vector<26x512xi1>
    %convert_element_type3A_115 = arith.extui %or3A_114 : vector<26x512xi1> to vector<26x512xi32>
    %add3A_116 = arith.addi %add3A_104, %convert_element_type3A_115 : vector<26x512xi32>
    %slice3A_117 = vector.extract_strided_slice %transpose3A {offsets = [8, 0], sizes = [1, 512], strides = [1, 1]} : vector<26x512xf32> to vector<1x512xf32>
    %gt3A_118 = vector.broadcast %slice3A_117 : vector<1x512xf32> to vector<26x512xf32>
    %gt3A_119 = arith.cmpf ogt, %gt3A_118, %transpose3A : vector<26x512xf32>
    %eq3A_120 = vector.broadcast %slice3A_117 : vector<1x512xf32> to vector<26x512xf32>
    %eq3A_121 = arith.cmpf oeq, %eq3A_120, %transpose3A : vector<26x512xf32>
    %gt3A_122 = arith.constant 8 : i32
    %gt3A_123 = vector.broadcast %gt3A_122 : i32 to vector<26x512xi32>
    %gt3A_124 = arith.cmpi sgt, %iota3A, %gt3A_123 : vector<26x512xi32>
    %and3A_125 = arith.andi %eq3A_121, %gt3A_124 : vector<26x512xi1>
    %or3A_126 = arith.ori %gt3A_119, %and3A_125 : vector<26x512xi1>
    %convert_element_type3A_127 = arith.extui %or3A_126 : vector<26x512xi1> to vector<26x512xi32>
    %add3A_128 = arith.addi %add3A_116, %convert_element_type3A_127 : vector<26x512xi32>
    %slice3A_129 = vector.extract_strided_slice %transpose3A {offsets = [9, 0], sizes = [1, 512], strides = [1, 1]} : vector<26x512xf32> to vector<1x512xf32>
    %gt3A_130 = vector.broadcast %slice3A_129 : vector<1x512xf32> to vector<26x512xf32>
    %gt3A_131 = arith.cmpf ogt, %gt3A_130, %transpose3A : vector<26x512xf32>
    %eq3A_132 = vector.broadcast %slice3A_129 : vector<1x512xf32> to vector<26x512xf32>
    %eq3A_133 = arith.cmpf oeq, %eq3A_132, %transpose3A : vector<26x512xf32>
    %gt3A_134 = arith.constant 9 : i32
    %gt3A_135 = vector.broadcast %gt3A_134 : i32 to vector<26x512xi32>
    %gt3A_136 = arith.cmpi sgt, %iota3A, %gt3A_135 : vector<26x512xi32>
    %and3A_137 = arith.andi %eq3A_133, %gt3A_136 : vector<26x512xi1>
    %or3A_138 = arith.ori %gt3A_131, %and3A_137 : vector<26x512xi1>
    %convert_element_type3A_139 = arith.extui %or3A_138 : vector<26x512xi1> to vector<26x512xi32>
    %add3A_140 = arith.addi %add3A_128, %convert_element_type3A_139 : vector<26x512xi32>
    %slice3A_141 = vector.extract_strided_slice %transpose3A {offsets = [10, 0], sizes = [1, 512], strides = [1, 1]} : vector<26x512xf32> to vector<1x512xf32>
    %gt3A_142 = vector.broadcast %slice3A_141 : vector<1x512xf32> to vector<26x512xf32>
    %gt3A_143 = arith.cmpf ogt, %gt3A_142, %transpose3A : vector<26x512xf32>
    %eq3A_144 = vector.broadcast %slice3A_141 : vector<1x512xf32> to vector<26x512xf32>
    %eq3A_145 = arith.cmpf oeq, %eq3A_144, %transpose3A : vector<26x512xf32>
    %gt3A_146 = arith.constant 10 : i32
    %gt3A_147 = vector.broadcast %gt3A_146 : i32 to vector<26x512xi32>
    %gt3A_148 = arith.cmpi sgt, %iota3A, %gt3A_147 : vector<26x512xi32>
    %and3A_149 = arith.andi %eq3A_145, %gt3A_148 : vector<26x512xi1>
    %or3A_150 = arith.ori %gt3A_143, %and3A_149 : vector<26x512xi1>
    %convert_element_type3A_151 = arith.extui %or3A_150 : vector<26x512xi1> to vector<26x512xi32>
    %add3A_152 = arith.addi %add3A_140, %convert_element_type3A_151 : vector<26x512xi32>
    %slice3A_153 = vector.extract_strided_slice %transpose3A {offsets = [11, 0], sizes = [1, 512], strides = [1, 1]} : vector<26x512xf32> to vector<1x512xf32>
    %gt3A_154 = vector.broadcast %slice3A_153 : vector<1x512xf32> to vector<26x512xf32>
    %gt3A_155 = arith.cmpf ogt, %gt3A_154, %transpose3A : vector<26x512xf32>
    %eq3A_156 = vector.broadcast %slice3A_153 : vector<1x512xf32> to vector<26x512xf32>
    %eq3A_157 = arith.cmpf oeq, %eq3A_156, %transpose3A : vector<26x512xf32>
    %gt3A_158 = arith.constant 11 : i32
    %gt3A_159 = vector.broadcast %gt3A_158 : i32 to vector<26x512xi32>
    %gt3A_160 = arith.cmpi sgt, %iota3A, %gt3A_159 : vector<26x512xi32>
    %and3A_161 = arith.andi %eq3A_157, %gt3A_160 : vector<26x512xi1>
    %or3A_162 = arith.ori %gt3A_155, %and3A_161 : vector<26x512xi1>
    %convert_element_type3A_163 = arith.extui %or3A_162 : vector<26x512xi1> to vector<26x512xi32>
    %add3A_164 = arith.addi %add3A_152, %convert_element_type3A_163 : vector<26x512xi32>
    %slice3A_165 = vector.extract_strided_slice %transpose3A {offsets = [12, 0], sizes = [1, 512], strides = [1, 1]} : vector<26x512xf32> to vector<1x512xf32>
    %gt3A_166 = vector.broadcast %slice3A_165 : vector<1x512xf32> to vector<26x512xf32>
    %gt3A_167 = arith.cmpf ogt, %gt3A_166, %transpose3A : vector<26x512xf32>
    %eq3A_168 = vector.broadcast %slice3A_165 : vector<1x512xf32> to vector<26x512xf32>
    %eq3A_169 = arith.cmpf oeq, %eq3A_168, %transpose3A : vector<26x512xf32>
    %gt3A_170 = arith.constant 12 : i32
    %gt3A_171 = vector.broadcast %gt3A_170 : i32 to vector<26x512xi32>
    %gt3A_172 = arith.cmpi sgt, %iota3A, %gt3A_171 : vector<26x512xi32>
    %and3A_173 = arith.andi %eq3A_169, %gt3A_172 : vector<26x512xi1>
    %or3A_174 = arith.ori %gt3A_167, %and3A_173 : vector<26x512xi1>
    %convert_element_type3A_175 = arith.extui %or3A_174 : vector<26x512xi1> to vector<26x512xi32>
    %add3A_176 = arith.addi %add3A_164, %convert_element_type3A_175 : vector<26x512xi32>
    %slice3A_177 = vector.extract_strided_slice %transpose3A {offsets = [13, 0], sizes = [1, 512], strides = [1, 1]} : vector<26x512xf32> to vector<1x512xf32>
    %gt3A_178 = vector.broadcast %slice3A_177 : vector<1x512xf32> to vector<26x512xf32>
    %gt3A_179 = arith.cmpf ogt, %gt3A_178, %transpose3A : vector<26x512xf32>
    %eq3A_180 = vector.broadcast %slice3A_177 : vector<1x512xf32> to vector<26x512xf32>
    %eq3A_181 = arith.cmpf oeq, %eq3A_180, %transpose3A : vector<26x512xf32>
    %gt3A_182 = arith.constant 13 : i32
    %gt3A_183 = vector.broadcast %gt3A_182 : i32 to vector<26x512xi32>
    %gt3A_184 = arith.cmpi sgt, %iota3A, %gt3A_183 : vector<26x512xi32>
    %and3A_185 = arith.andi %eq3A_181, %gt3A_184 : vector<26x512xi1>
    %or3A_186 = arith.ori %gt3A_179, %and3A_185 : vector<26x512xi1>
    %convert_element_type3A_187 = arith.extui %or3A_186 : vector<26x512xi1> to vector<26x512xi32>
    %add3A_188 = arith.addi %add3A_176, %convert_element_type3A_187 : vector<26x512xi32>
    %slice3A_189 = vector.extract_strided_slice %transpose3A {offsets = [14, 0], sizes = [1, 512], strides = [1, 1]} : vector<26x512xf32> to vector<1x512xf32>
    %gt3A_190 = vector.broadcast %slice3A_189 : vector<1x512xf32> to vector<26x512xf32>
    %gt3A_191 = arith.cmpf ogt, %gt3A_190, %transpose3A : vector<26x512xf32>
    %eq3A_192 = vector.broadcast %slice3A_189 : vector<1x512xf32> to vector<26x512xf32>
    %eq3A_193 = arith.cmpf oeq, %eq3A_192, %transpose3A : vector<26x512xf32>
    %gt3A_194 = arith.constant 14 : i32
    %gt3A_195 = vector.broadcast %gt3A_194 : i32 to vector<26x512xi32>
    %gt3A_196 = arith.cmpi sgt, %iota3A, %gt3A_195 : vector<26x512xi32>
    %and3A_197 = arith.andi %eq3A_193, %gt3A_196 : vector<26x512xi1>
    %or3A_198 = arith.ori %gt3A_191, %and3A_197 : vector<26x512xi1>
    %convert_element_type3A_199 = arith.extui %or3A_198 : vector<26x512xi1> to vector<26x512xi32>
    %add3A_200 = arith.addi %add3A_188, %convert_element_type3A_199 : vector<26x512xi32>
    %slice3A_201 = vector.extract_strided_slice %transpose3A {offsets = [15, 0], sizes = [1, 512], strides = [1, 1]} : vector<26x512xf32> to vector<1x512xf32>
    %gt3A_202 = vector.broadcast %slice3A_201 : vector<1x512xf32> to vector<26x512xf32>
    %gt3A_203 = arith.cmpf ogt, %gt3A_202, %transpose3A : vector<26x512xf32>
    %eq3A_204 = vector.broadcast %slice3A_201 : vector<1x512xf32> to vector<26x512xf32>
    %eq3A_205 = arith.cmpf oeq, %eq3A_204, %transpose3A : vector<26x512xf32>
    %gt3A_206 = arith.constant 15 : i32
    %gt3A_207 = vector.broadcast %gt3A_206 : i32 to vector<26x512xi32>
    %gt3A_208 = arith.cmpi sgt, %iota3A, %gt3A_207 : vector<26x512xi32>
    %and3A_209 = arith.andi %eq3A_205, %gt3A_208 : vector<26x512xi1>
    %or3A_210 = arith.ori %gt3A_203, %and3A_209 : vector<26x512xi1>
    %convert_element_type3A_211 = arith.extui %or3A_210 : vector<26x512xi1> to vector<26x512xi32>
    %add3A_212 = arith.addi %add3A_200, %convert_element_type3A_211 : vector<26x512xi32>
    %slice3A_213 = vector.extract_strided_slice %transpose3A {offsets = [16, 0], sizes = [1, 512], strides = [1, 1]} : vector<26x512xf32> to vector<1x512xf32>
    %gt3A_214 = vector.broadcast %slice3A_213 : vector<1x512xf32> to vector<26x512xf32>
    %gt3A_215 = arith.cmpf ogt, %gt3A_214, %transpose3A : vector<26x512xf32>
    %eq3A_216 = vector.broadcast %slice3A_213 : vector<1x512xf32> to vector<26x512xf32>
    %eq3A_217 = arith.cmpf oeq, %eq3A_216, %transpose3A : vector<26x512xf32>
    %gt3A_218 = arith.constant 16 : i32
    %gt3A_219 = vector.broadcast %gt3A_218 : i32 to vector<26x512xi32>
    %gt3A_220 = arith.cmpi sgt, %iota3A, %gt3A_219 : vector<26x512xi32>
    %and3A_221 = arith.andi %eq3A_217, %gt3A_220 : vector<26x512xi1>
    %or3A_222 = arith.ori %gt3A_215, %and3A_221 : vector<26x512xi1>
    %convert_element_type3A_223 = arith.extui %or3A_222 : vector<26x512xi1> to vector<26x512xi32>
    %add3A_224 = arith.addi %add3A_212, %convert_element_type3A_223 : vector<26x512xi32>
    %slice3A_225 = vector.extract_strided_slice %transpose3A {offsets = [17, 0], sizes = [1, 512], strides = [1, 1]} : vector<26x512xf32> to vector<1x512xf32>
    %gt3A_226 = vector.broadcast %slice3A_225 : vector<1x512xf32> to vector<26x512xf32>
    %gt3A_227 = arith.cmpf ogt, %gt3A_226, %transpose3A : vector<26x512xf32>
    %eq3A_228 = vector.broadcast %slice3A_225 : vector<1x512xf32> to vector<26x512xf32>
    %eq3A_229 = arith.cmpf oeq, %eq3A_228, %transpose3A : vector<26x512xf32>
    %gt3A_230 = arith.constant 17 : i32
    %gt3A_231 = vector.broadcast %gt3A_230 : i32 to vector<26x512xi32>
    %gt3A_232 = arith.cmpi sgt, %iota3A, %gt3A_231 : vector<26x512xi32>
    %and3A_233 = arith.andi %eq3A_229, %gt3A_232 : vector<26x512xi1>
    %or3A_234 = arith.ori %gt3A_227, %and3A_233 : vector<26x512xi1>
    %convert_element_type3A_235 = arith.extui %or3A_234 : vector<26x512xi1> to vector<26x512xi32>
    %add3A_236 = arith.addi %add3A_224, %convert_element_type3A_235 : vector<26x512xi32>
    %slice3A_237 = vector.extract_strided_slice %transpose3A {offsets = [18, 0], sizes = [1, 512], strides = [1, 1]} : vector<26x512xf32> to vector<1x512xf32>
    %gt3A_238 = vector.broadcast %slice3A_237 : vector<1x512xf32> to vector<26x512xf32>
    %gt3A_239 = arith.cmpf ogt, %gt3A_238, %transpose3A : vector<26x512xf32>
    %eq3A_240 = vector.broadcast %slice3A_237 : vector<1x512xf32> to vector<26x512xf32>
    %eq3A_241 = arith.cmpf oeq, %eq3A_240, %transpose3A : vector<26x512xf32>
    %gt3A_242 = arith.constant 18 : i32
    %gt3A_243 = vector.broadcast %gt3A_242 : i32 to vector<26x512xi32>
    %gt3A_244 = arith.cmpi sgt, %iota3A, %gt3A_243 : vector<26x512xi32>
    %and3A_245 = arith.andi %eq3A_241, %gt3A_244 : vector<26x512xi1>
    %or3A_246 = arith.ori %gt3A_239, %and3A_245 : vector<26x512xi1>
    %convert_element_type3A_247 = arith.extui %or3A_246 : vector<26x512xi1> to vector<26x512xi32>
    %add3A_248 = arith.addi %add3A_236, %convert_element_type3A_247 : vector<26x512xi32>
    %slice3A_249 = vector.extract_strided_slice %transpose3A {offsets = [19, 0], sizes = [1, 512], strides = [1, 1]} : vector<26x512xf32> to vector<1x512xf32>
    %gt3A_250 = vector.broadcast %slice3A_249 : vector<1x512xf32> to vector<26x512xf32>
    %gt3A_251 = arith.cmpf ogt, %gt3A_250, %transpose3A : vector<26x512xf32>
    %eq3A_252 = vector.broadcast %slice3A_249 : vector<1x512xf32> to vector<26x512xf32>
    %eq3A_253 = arith.cmpf oeq, %eq3A_252, %transpose3A : vector<26x512xf32>
    %gt3A_254 = arith.constant 19 : i32
    %gt3A_255 = vector.broadcast %gt3A_254 : i32 to vector<26x512xi32>
    %gt3A_256 = arith.cmpi sgt, %iota3A, %gt3A_255 : vector<26x512xi32>
    %and3A_257 = arith.andi %eq3A_253, %gt3A_256 : vector<26x512xi1>
    %or3A_258 = arith.ori %gt3A_251, %and3A_257 : vector<26x512xi1>
    %convert_element_type3A_259 = arith.extui %or3A_258 : vector<26x512xi1> to vector<26x512xi32>
    %add3A_260 = arith.addi %add3A_248, %convert_element_type3A_259 : vector<26x512xi32>
    %slice3A_261 = vector.extract_strided_slice %transpose3A {offsets = [20, 0], sizes = [1, 512], strides = [1, 1]} : vector<26x512xf32> to vector<1x512xf32>
    %gt3A_262 = vector.broadcast %slice3A_261 : vector<1x512xf32> to vector<26x512xf32>
    %gt3A_263 = arith.cmpf ogt, %gt3A_262, %transpose3A : vector<26x512xf32>
    %eq3A_264 = vector.broadcast %slice3A_261 : vector<1x512xf32> to vector<26x512xf32>
    %eq3A_265 = arith.cmpf oeq, %eq3A_264, %transpose3A : vector<26x512xf32>
    %gt3A_266 = arith.constant 20 : i32
    %gt3A_267 = vector.broadcast %gt3A_266 : i32 to vector<26x512xi32>
    %gt3A_268 = arith.cmpi sgt, %iota3A, %gt3A_267 : vector<26x512xi32>
    %and3A_269 = arith.andi %eq3A_265, %gt3A_268 : vector<26x512xi1>
    %or3A_270 = arith.ori %gt3A_263, %and3A_269 : vector<26x512xi1>
    %convert_element_type3A_271 = arith.extui %or3A_270 : vector<26x512xi1> to vector<26x512xi32>
    %add3A_272 = arith.addi %add3A_260, %convert_element_type3A_271 : vector<26x512xi32>
    %slice3A_273 = vector.extract_strided_slice %transpose3A {offsets = [21, 0], sizes = [1, 512], strides = [1, 1]} : vector<26x512xf32> to vector<1x512xf32>
    %gt3A_274 = vector.broadcast %slice3A_273 : vector<1x512xf32> to vector<26x512xf32>
    %gt3A_275 = arith.cmpf ogt, %gt3A_274, %transpose3A : vector<26x512xf32>
    %eq3A_276 = vector.broadcast %slice3A_273 : vector<1x512xf32> to vector<26x512xf32>
    %eq3A_277 = arith.cmpf oeq, %eq3A_276, %transpose3A : vector<26x512xf32>
    %gt3A_278 = arith.constant 21 : i32
    %gt3A_279 = vector.broadcast %gt3A_278 : i32 to vector<26x512xi32>
    %gt3A_280 = arith.cmpi sgt, %iota3A, %gt3A_279 : vector<26x512xi32>
    %and3A_281 = arith.andi %eq3A_277, %gt3A_280 : vector<26x512xi1>
    %or3A_282 = arith.ori %gt3A_275, %and3A_281 : vector<26x512xi1>
    %convert_element_type3A_283 = arith.extui %or3A_282 : vector<26x512xi1> to vector<26x512xi32>
    %add3A_284 = arith.addi %add3A_272, %convert_element_type3A_283 : vector<26x512xi32>
    %slice3A_285 = vector.extract_strided_slice %transpose3A {offsets = [22, 0], sizes = [1, 512], strides = [1, 1]} : vector<26x512xf32> to vector<1x512xf32>
    %gt3A_286 = vector.broadcast %slice3A_285 : vector<1x512xf32> to vector<26x512xf32>
    %gt3A_287 = arith.cmpf ogt, %gt3A_286, %transpose3A : vector<26x512xf32>
    %eq3A_288 = vector.broadcast %slice3A_285 : vector<1x512xf32> to vector<26x512xf32>
    %eq3A_289 = arith.cmpf oeq, %eq3A_288, %transpose3A : vector<26x512xf32>
    %gt3A_290 = arith.constant 22 : i32
    %gt3A_291 = vector.broadcast %gt3A_290 : i32 to vector<26x512xi32>
    %gt3A_292 = arith.cmpi sgt, %iota3A, %gt3A_291 : vector<26x512xi32>
    %and3A_293 = arith.andi %eq3A_289, %gt3A_292 : vector<26x512xi1>
    %or3A_294 = arith.ori %gt3A_287, %and3A_293 : vector<26x512xi1>
    %convert_element_type3A_295 = arith.extui %or3A_294 : vector<26x512xi1> to vector<26x512xi32>
    %add3A_296 = arith.addi %add3A_284, %convert_element_type3A_295 : vector<26x512xi32>
    %slice3A_297 = vector.extract_strided_slice %transpose3A {offsets = [23, 0], sizes = [1, 512], strides = [1, 1]} : vector<26x512xf32> to vector<1x512xf32>
    %gt3A_298 = vector.broadcast %slice3A_297 : vector<1x512xf32> to vector<26x512xf32>
    %gt3A_299 = arith.cmpf ogt, %gt3A_298, %transpose3A : vector<26x512xf32>
    %eq3A_300 = vector.broadcast %slice3A_297 : vector<1x512xf32> to vector<26x512xf32>
    %eq3A_301 = arith.cmpf oeq, %eq3A_300, %transpose3A : vector<26x512xf32>
    %gt3A_302 = arith.constant 23 : i32
    %gt3A_303 = vector.broadcast %gt3A_302 : i32 to vector<26x512xi32>
    %gt3A_304 = arith.cmpi sgt, %iota3A, %gt3A_303 : vector<26x512xi32>
    %and3A_305 = arith.andi %eq3A_301, %gt3A_304 : vector<26x512xi1>
    %or3A_306 = arith.ori %gt3A_299, %and3A_305 : vector<26x512xi1>
    %convert_element_type3A_307 = arith.extui %or3A_306 : vector<26x512xi1> to vector<26x512xi32>
    %add3A_308 = arith.addi %add3A_296, %convert_element_type3A_307 : vector<26x512xi32>
    %slice3A_309 = vector.extract_strided_slice %transpose3A {offsets = [24, 0], sizes = [1, 512], strides = [1, 1]} : vector<26x512xf32> to vector<1x512xf32>
    %gt3A_310 = vector.broadcast %slice3A_309 : vector<1x512xf32> to vector<26x512xf32>
    %gt3A_311 = arith.cmpf ogt, %gt3A_310, %transpose3A : vector<26x512xf32>
    %eq3A_312 = vector.broadcast %slice3A_309 : vector<1x512xf32> to vector<26x512xf32>
    %eq3A_313 = arith.cmpf oeq, %eq3A_312, %transpose3A : vector<26x512xf32>
    %gt3A_314 = arith.constant 24 : i32
    %gt3A_315 = vector.broadcast %gt3A_314 : i32 to vector<26x512xi32>
    %gt3A_316 = arith.cmpi sgt, %iota3A, %gt3A_315 : vector<26x512xi32>
    %and3A_317 = arith.andi %eq3A_313, %gt3A_316 : vector<26x512xi1>
    %or3A_318 = arith.ori %gt3A_311, %and3A_317 : vector<26x512xi1>
    %convert_element_type3A_319 = arith.extui %or3A_318 : vector<26x512xi1> to vector<26x512xi32>
    %add3A_320 = arith.addi %add3A_308, %convert_element_type3A_319 : vector<26x512xi32>
    %slice3A_321 = vector.extract_strided_slice %transpose3A {offsets = [25, 0], sizes = [1, 512], strides = [1, 1]} : vector<26x512xf32> to vector<1x512xf32>
    %gt3A_322 = vector.broadcast %slice3A_321 : vector<1x512xf32> to vector<26x512xf32>
    %gt3A_323 = arith.cmpf ogt, %gt3A_322, %transpose3A : vector<26x512xf32>
    %eq3A_324 = vector.broadcast %slice3A_321 : vector<1x512xf32> to vector<26x512xf32>
    %eq3A_325 = arith.cmpf oeq, %eq3A_324, %transpose3A : vector<26x512xf32>
    %gt3A_326 = arith.constant 25 : i32
    %gt3A_327 = vector.broadcast %gt3A_326 : i32 to vector<26x512xi32>
    %gt3A_328 = arith.cmpi sgt, %iota3A, %gt3A_327 : vector<26x512xi32>
    %and3A_329 = arith.andi %eq3A_325, %gt3A_328 : vector<26x512xi1>
    %or3A_330 = arith.ori %gt3A_323, %and3A_329 : vector<26x512xi1>
    %convert_element_type3A_331 = arith.extui %or3A_330 : vector<26x512xi1> to vector<26x512xi32>
    %add3A_332 = arith.addi %add3A_320, %convert_element_type3A_331 : vector<26x512xi32>
    %lt3A = arith.constant 8 : i32
    %lt3A_333 = vector.broadcast %lt3A : i32 to vector<26x512xi32>
    %lt3A_334 = arith.cmpi slt, %add3A_332, %lt3A_333 : vector<26x512xi32>
    %reduce_max3A = arith.constant dense<0xFF800000> : vector<512xf32>
    %reduce_max3A_335 = vector.multi_reduction <maximumf>, %transpose3A, %reduce_max3A [0] : vector<26x512xf32> to vector<512xf32>
    %broadcast_in_dim3A_336 = vector.shape_cast %reduce_max3A_335 : vector<512xf32> to vector<1x512xf32>
    %sub3A = vector.broadcast %broadcast_in_dim3A_336 : vector<1x512xf32> to vector<26x512xf32>
    %sub3A_337 = arith.subf %transpose3A, %sub3A : vector<26x512xf32>
    %exp3A = math.exp %sub3A_337 : vector<26x512xf32>
    %jit3A = arith.constant 0.000000e+00 : f32
    %broadcast_in_dim3A_338 = vector.broadcast %jit3A : f32 to vector<26x512xf32>
    %select_n3A = arith.select %lt3A_334, %exp3A, %broadcast_in_dim3A_338 : vector<26x512xi1>, vector<26x512xf32>
    %reduce_sum3A = arith.constant dense<0.000000e+00> : vector<512xf32>
    %reduce_sum3A_339 = vector.multi_reduction <add>, %select_n3A, %reduce_sum3A [0] : vector<26x512xf32> to vector<512xf32>
    %broadcast_in_dim3A_340 = vector.shape_cast %reduce_sum3A_339 : vector<512xf32> to vector<1x512xf32>
    %div3A = vector.broadcast %broadcast_in_dim3A_340 : vector<1x512xf32> to vector<26x512xf32>
    %div3A_341 = arith.divf %select_n3A, %div3A : vector<26x512xf32>
    %transpose3A_342 = tpu.transpose %div3A_341, [1, 0] : vector<26x512xf32> -> vector<512x26xf32>
    %get3A_343 = arith.constant 0 : index
    %get3A_344 = arith.constant 0 : index
    %get3A_345 = vector.load %arg8[%get3A_343, %get3A_344] : memref<26x416xf32, #tpu.memory_space<vmem>>, vector<26x416xf32>
    %dot_general3A_346 = arith.constant dense<0.000000e+00> : vector<512x416xf32>
    %dot_general3A_347 = tpu.matmul %transpose3A_342, %get3A_345, %dot_general3A_346 {dimension_numbers = #tpu.dot_dimension_numbers<[1], [0], [0], [1], [0, 0, 1, 1], [], []>, transpose_lhs_hint = false} : vector<512x26xf32>, vector<26x416xf32>, vector<512x416xf32> -> vector<512x416xf32>
    %mul3A_348 = arith.mulf %add3A_9, %dot_general3A_347 : vector<512x416xf32>
    %get3A_349 = arith.constant 0 : index
    %get3A_350 = arith.constant 0 : index
    %get3A_351 = vector.load %arg9[%get3A_349, %get3A_350] : memref<416x64xf32, #tpu.memory_space<vmem>>, vector<416x64xf32>
    %dot_general3A_352 = arith.constant dense<0.000000e+00> : vector<512x64xf32>
    %dot_general3A_353 = tpu.matmul %mul3A_348, %get3A_351, %dot_general3A_352 {dimension_numbers = #tpu.dot_dimension_numbers<[1], [0], [0], [1], [0, 0, 1, 1], [], []>, transpose_lhs_hint = false} : vector<512x416xf32>, vector<416x64xf32>, vector<512x64xf32> -> vector<512x64xf32>
    %get3A_354 = arith.constant 0 : index
    %get3A_355 = arith.constant 0 : index
    %get3A_356 = vector.load %arg10[%get3A_354, %get3A_355] : memref<1x64xf32, #tpu.memory_space<vmem>>, vector<1x64xf32>
    %mul3A_357 = vector.broadcast %get3A_356 : vector<1x64xf32> to vector<512x64xf32>
    %mul3A_358 = arith.mulf %dot_general3A_353, %mul3A_357 : vector<512x64xf32>
    %get3A_359 = arith.constant 0 : index
    %get3A_360 = arith.constant 0 : index
    %get3A_361 = vector.load %arg11[%get3A_359, %get3A_360] : memref<1x64xf32, #tpu.memory_space<vmem>>, vector<1x64xf32>
    %add3A_362 = vector.broadcast %get3A_361 : vector<1x64xf32> to vector<512x64xf32>
    %add3A_363 = arith.addf %mul3A_358, %add3A_362 : vector<512x64xf32>
    %max3A_364 = arith.constant 0.000000e+00 : f32
    %max3A_365 = vector.broadcast %max3A_364 : f32 to vector<512x64xf32>
    %max3A_366 = arith.maximumf %add3A_363, %max3A_365 : vector<512x64xf32>
    %get3A_367 = arith.constant 0 : index
    %get3A_368 = arith.constant 0 : index
    %get3A_369 = vector.load %arg12[%get3A_367, %get3A_368] : memref<64x32xf32, #tpu.memory_space<vmem>>, vector<64x32xf32>
    %dot_general3A_370 = arith.constant dense<0.000000e+00> : vector<512x32xf32>
    %dot_general3A_371 = tpu.matmul %max3A_366, %get3A_369, %dot_general3A_370 {dimension_numbers = #tpu.dot_dimension_numbers<[1], [0], [0], [1], [0, 0, 1, 1], [], []>, transpose_lhs_hint = false} : vector<512x64xf32>, vector<64x32xf32>, vector<512x32xf32> -> vector<512x32xf32>
    %get3A_372 = arith.constant 0 : index
    %get3A_373 = arith.constant 0 : index
    %get3A_374 = vector.load %arg13[%get3A_372, %get3A_373] : memref<1x32xf32, #tpu.memory_space<vmem>>, vector<1x32xf32>
    %mul3A_375 = vector.broadcast %get3A_374 : vector<1x32xf32> to vector<512x32xf32>
    %mul3A_376 = arith.mulf %dot_general3A_371, %mul3A_375 : vector<512x32xf32>
    %get3A_377 = arith.constant 0 : index
    %get3A_378 = arith.constant 0 : index
    %get3A_379 = vector.load %arg14[%get3A_377, %get3A_378] : memref<1x32xf32, #tpu.memory_space<vmem>>, vector<1x32xf32>
    %add3A_380 = vector.broadcast %get3A_379 : vector<1x32xf32> to vector<512x32xf32>
    %add3A_381 = arith.addf %mul3A_376, %add3A_380 : vector<512x32xf32>
    %max3A_382 = arith.constant 0.000000e+00 : f32
    %max3A_383 = vector.broadcast %max3A_382 : f32 to vector<512x32xf32>
    %max3A_384 = arith.maximumf %add3A_381, %max3A_383 : vector<512x32xf32>
    %get3A_385 = arith.constant 0 : index
    %get3A_386 = arith.constant 0 : index
    %get3A_387 = vector.load %arg15[%get3A_385, %get3A_386] : memref<1x32xf32, #tpu.memory_space<vmem>>, vector<1x32xf32>
    %mul3A_388 = vector.broadcast %get3A_387 : vector<1x32xf32> to vector<512x32xf32>
    %mul3A_389 = arith.mulf %max3A_384, %mul3A_388 : vector<512x32xf32>
    %reduce_sum3A_390 = arith.constant dense<0.000000e+00> : vector<512xf32>
    %reduce_sum3A_391 = vector.multi_reduction <add>, %mul3A_389, %reduce_sum3A_390 [1] : vector<512x32xf32> to vector<512xf32>
    %broadcast_in_dim3A_392 = vector.shape_cast %reduce_sum3A_391 : vector<512xf32> to vector<512x1xf32>
    %get3A_393 = arith.constant 0 : index
    %get3A_394 = arith.constant 0 : index
    %get3A_395 = vector.load %arg2[%get3A_393, %get3A_394] : memref<512x26xf32, #tpu.memory_space<vmem>>, vector<512x26xf32>
    %reduce_sum3A_396 = arith.constant dense<0.000000e+00> : vector<512xf32>
    %reduce_sum3A_397 = vector.multi_reduction <add>, %get3A_395, %reduce_sum3A_396 [1] : vector<512x26xf32> to vector<512xf32>
    %broadcast_in_dim3A_398 = vector.shape_cast %reduce_sum3A_397 : vector<512xf32> to vector<512x1xf32>
    %add3A_399 = arith.addf %broadcast_in_dim3A_392, %broadcast_in_dim3A_398 : vector<512x1xf32>
    %get3A_400 = arith.constant 0 : index
    %get3A_401 = arith.constant 0 : index
    %get3A_402 = vector.load %arg16[%get3A_400, %get3A_401] : memref<1x1xf32, #tpu.memory_space<vmem>>, vector<1x1xf32>
    %get3A_403 = vector.extract %get3A_402[0, 0] : f32 from vector<1x1xf32>
    %add3A_404 = vector.broadcast %get3A_403 : f32 to vector<512x1xf32>
    %add3A_405 = arith.addf %add3A_399, %add3A_404 : vector<512x1xf32>
    %logistic3A = arith.negf %add3A_405 : vector<512x1xf32>
    %logistic3A_406 = math.exp %logistic3A : vector<512x1xf32>
    %logistic3A_407 = arith.constant 1.000000e+00 : f32
    %logistic3A_408 = vector.broadcast %logistic3A_407 : f32 to vector<512x1xf32>
    %logistic3A_409 = arith.addf %logistic3A_408, %logistic3A_406 : vector<512x1xf32>
    %logistic3A_410 = arith.divf %logistic3A_408, %logistic3A_409 : vector<512x1xf32>
    %transpose3A_411 = tpu.transpose %logistic3A_410, [1, 0] : vector<512x1xf32> -> vector<1x512xf32>
    %swap3A = arith.constant 0 : index
    %swap3A_412 = arith.constant 0 : index
    %swap3A_413 = vector.load %arg17[%swap3A, %swap3A_412] : memref<1x512xf32, #tpu.memory_space<vmem>>, vector<1x512xf32>
    tpu.vector_store %arg17[%swap3A, %swap3A_412], %transpose3A_411 {strides = array<i32>} : memref<1x512xf32, #tpu.memory_space<vmem>>, vector<1x512xf32>,
    return
  }
  func.func @transform_0(%arg0: i32) -> (i32, i32) {
    %c0_i32 = arith.constant 0 : i32
    %c0_i32_0 = arith.constant 0 : i32
    return %arg0, %c0_i32 : i32, i32
  }
  func.func @transform_1(%arg0: i32) -> (i32, i32) {
    %c0_i32 = arith.constant 0 : i32
    %c0_i32_0 = arith.constant 0 : i32
    return %arg0, %c0_i32 : i32, i32
  }
  func.func @transform_2(%arg0: i32) -> (i32, i32) {
    %c0_i32 = arith.constant 0 : i32
    %c0_i32_0 = arith.constant 0 : i32
    %c0_i32_1 = arith.constant 0 : i32
    return %c0_i32, %c0_i32_0 : i32, i32
  }
  func.func @transform_3(%arg0: i32) -> (i32, i32) {
    %c0_i32 = arith.constant 0 : i32
    %c0_i32_0 = arith.constant 0 : i32
    %c0_i32_1 = arith.constant 0 : i32
    return %c0_i32, %c0_i32_0 : i32, i32
  }
  func.func @transform_4(%arg0: i32) -> (i32, i32) {
    %c0_i32 = arith.constant 0 : i32
    %c0_i32_0 = arith.constant 0 : i32
    %c0_i32_1 = arith.constant 0 : i32
    return %c0_i32, %c0_i32_0 : i32, i32
  }
  func.func @transform_5(%arg0: i32) -> (i32, i32) {
    %c0_i32 = arith.constant 0 : i32
    %c0_i32_0 = arith.constant 0 : i32
    %c0_i32_1 = arith.constant 0 : i32
    return %c0_i32, %c0_i32_0 : i32, i32
  }
  func.func @transform_6(%arg0: i32) -> (i32, i32) {
    %c0_i32 = arith.constant 0 : i32
    %c0_i32_0 = arith.constant 0 : i32
    %c0_i32_1 = arith.constant 0 : i32
    return %c0_i32, %c0_i32_0 : i32, i32
  }
  func.func @transform_7(%arg0: i32) -> (i32, i32) {
    %c0_i32 = arith.constant 0 : i32
    %c0_i32_0 = arith.constant 0 : i32
    %c0_i32_1 = arith.constant 0 : i32
    return %c0_i32, %c0_i32_0 : i32, i32
  }
  func.func @transform_8(%arg0: i32) -> (i32, i32) {
    %c0_i32 = arith.constant 0 : i32
    %c0_i32_0 = arith.constant 0 : i32
    %c0_i32_1 = arith.constant 0 : i32
    return %c0_i32, %c0_i32_0 : i32, i32
  }
  func.func @transform_9(%arg0: i32) -> (i32, i32) {
    %c0_i32 = arith.constant 0 : i32
    %c0_i32_0 = arith.constant 0 : i32
    %c0_i32_1 = arith.constant 0 : i32
    return %c0_i32, %c0_i32_0 : i32, i32
  }
  func.func @transform_10(%arg0: i32) -> (i32, i32) {
    %c0_i32 = arith.constant 0 : i32
    %c0_i32_0 = arith.constant 0 : i32
    %c0_i32_1 = arith.constant 0 : i32
    return %c0_i32, %c0_i32_0 : i32, i32
  }
  func.func @transform_11(%arg0: i32) -> (i32, i32) {
    %c0_i32 = arith.constant 0 : i32
    %c0_i32_0 = arith.constant 0 : i32
    %c0_i32_1 = arith.constant 0 : i32
    return %c0_i32, %c0_i32_0 : i32, i32
  }
  func.func @transform_12(%arg0: i32) -> (i32, i32) {
    %c0_i32 = arith.constant 0 : i32
    %c0_i32_0 = arith.constant 0 : i32
    %c0_i32_1 = arith.constant 0 : i32
    return %c0_i32, %c0_i32_0 : i32, i32
  }
  func.func @transform_13(%arg0: i32) -> (i32, i32) {
    %c0_i32 = arith.constant 0 : i32
    %c0_i32_0 = arith.constant 0 : i32
    %c0_i32_1 = arith.constant 0 : i32
    return %c0_i32, %c0_i32_0 : i32, i32
  }
  func.func @transform_14(%arg0: i32) -> (i32, i32) {
    %c0_i32 = arith.constant 0 : i32
    %c0_i32_0 = arith.constant 0 : i32
    %c0_i32_1 = arith.constant 0 : i32
    return %c0_i32, %c0_i32_0 : i32, i32
  }
  func.func @transform_15(%arg0: i32) -> (i32, i32) {
    %c0_i32 = arith.constant 0 : i32
    %c0_i32_0 = arith.constant 0 : i32
    %c0_i32_1 = arith.constant 0 : i32
    return %c0_i32, %c0_i32_0 : i32, i32
  }
  func.func @transform_16(%arg0: i32) -> (i32, i32) {
    %c0_i32 = arith.constant 0 : i32
    %c0_i32_0 = arith.constant 0 : i32
    return %c0_i32, %arg0 : i32, i32
  }
}

</mosaic_0001>

<sc_bundles>
// kernel: kernel.10.cloned.1.call-start
scs
__scs_entry_jumppad:
0x0: {  	(pc) =	sbr.rel $0x88, $3  }
0x1: {  	(tag) =	ssettag $0x0;
	lr =	simm.s32 $0x1  }
0x2: {  	[smem:$0x3F8D] =	sst lr;
	_ =	strace $0xD0000000  }
0x3: {  	_ = 	snop  }
0x4: {  	_ = 	snop  }
0x5: {  	_ = 	snop  }
0x6: {  	_ = 	snop  }
0x7: {  	_ = 	snop  }
__scs_overlays_trampoline_lowered:
0x8: {  	[smem:$0x3F9C] =	sst s0  }
0x9: {  	[smem:$0x3F9D] =	sst s1  }
0xa: {  	[smem:$0x3F9E] =	sst s2  }
0xb: {  	[smem:$0x3F9F] =	sst s3  }
0xc: {  	[smem:$0x3FA0] =	sst s4  }
0xd: {  	[smem:$0x3FA1] =	sst s5  }
0xe: {  	[smem:$0x3FA2] =	sst s6  }
0xf: {  	[smem:$0x3FA3] =	sst s7  }
0x10: {  	[smem:$0x3FA4] =	sst s8  }
0x11: {  	[smem:$0x3FA5] =	sst s9;
	s0 =	simm.s32 @!p0 $0x0  }
0x12: {  	s1 =	sld [smem:$0x3F8B];
	s0 =	simm.s32 @p0 $0x1  }
0x13: {  	[smem:$0x3FA6] =	sst s0;
	s0 =	simm.s32 @!p1 $0x0  }
0x14: {  	s2 =	sld [smem:$0x3F8A];
	s0 =	simm.s32 @p1 $0x1  }
0x15: {  	[smem:$0x3FA7] =	sst s0;
	s0 =	simm.s32 @!p2 $0x0  }
0x16: {  	s3 =	sld [smem:$0x3FDB];
	s0 =	simm.s32 @p2 $0x1  }
0x17: {  	s4 =	simm.s32 $0x1BF5;
	[smem:$0x3FA9] =	sst s0  }
0x18: {  	s0 =	sld [smem:$0x3F8C];
	_ =	swait.ge [sflag:s4], $0x0  }
0x19: {  	s7 =	sld [smem:$0x3F8D]  }
0x1a: {  	s8 =	sadd.s32 $0xFFFFE003, lr  }
0x1b: {  	s9 =	sadd.s32 $0xFFFFFEF7, lr;
	s5 =	simm.s32 $0xFFFFFFFF;
	p2 =	slt.u32 s8, $0xFFFFF086  }
0x1c: {  	p1 =	slt.u32 s9, $0xF7A;
	s5 =	simm.s32 @!p2 $0x0  }
0x1d: {  	s5 =	simm.s32 @p1 $0x1;
	p0 =	seq.s32 s7, s2  }
0x1e: {  	s7 =	smul.u32 @!p0 $0xF7A, s2;
	p2 =	seq.s32 @!p0 s5, $0x0  }
0x1f: {  	s9 =	smul.u32 $0xF7A, s1;
	s8 =	simm.s32 @!p0 $0x1BF5;
	p2 =	por !p2, p0  }
0x20: {  	[sflag:s8] =	ssyncset.s32 @!p0 $0xFFFFF086;
	s6 =	sadd.s32 @!p0 s3, s7;
	s7 =	simm.s32 @!p0 $0x108  }
0x21: {  	s3 =	sadd.s32 s3, s9;
	s6 =	sadd.s32 @!p0 $0x88, s6;
	s7 =	simm.s32 @p2 $0x1082  }
0x22: {  	[simem:s7], [sflag:s8] =	dma.local @!p0 [hbm:s6], $0xF7A  }
0x23: {  	s9 =	sor.u32 $0xD0000000, s2;
	s6 =	simm.s32 $0x108;
	_ =	swait.ge @!p0 [sflag:s8], $0x0  }
0x24: {  	s3 =	sadd.s32 $0x88, s3;
	s6 =	simm.s32 @!p1 $0x1082;
	[sflag:s4] =	ssyncset.s32 $0xFFFFF086  }
0x25: {  	[simem:s6], [sflag:s4] =	dma.local [hbm:s3], $0xF7A  }
0x26: {  	[smem:$0x3F8D] =	sst s1;
	(tag) =	ssettag s2;
	_ =	strace s9  }
0x27: {  	s1 =	sld [smem:$0x3F9D]  }
0x28: {  	s2 =	sld [smem:$0x3F9E]  }
0x29: {  	s4 =	sld [smem:$0x3FA0]  }
0x2a: {  	p0 =	seq.s32 s5, $0x0;
	s5 =	sld [smem:$0x3FA1]  }
0x2b: {  	s6 =	sld [smem:$0x3FA2]  }
0x2c: {  	s7 =	sld [smem:$0x3FA3]  }
0x2d: {  	s3 =	simm.s32 $0x108;
	s8 =	sld [smem:$0x3FA4]  }
0x2e: {  	s3 =	simm.s32 @!p0 $0x1082;
	s9 =	sld [smem:$0x3FA5]  }
0x2f: {  	lr =	sadd.s32 s0, s3;
	s0 =	sld [smem:$0x3F9C]  }
0x30: {  	s3 =	sld [smem:$0x3F9F]  }
0x31: {  	[smem:$0x3FA8] =	sst s10  }
0x32: {  	s10 =	sld [smem:$0x3FA6];
	_ =	sdelay $0x3  }
0x33: {  	p0 =	seq.s32 s10, $0x1;
	s10 =	sld [smem:$0x3FA8];
	_ =	sdelay $0x3  }
0x34: {  	[smem:$0x3FA8] =	sst s10  }
0x35: {  	s10 =	sld [smem:$0x3FA7];
	_ =	sdelay $0x3  }
0x36: {  	p1 =	seq.s32 s10, $0x1;
	s10 =	sld [smem:$0x3FA8];
	_ =	sdelay $0x3  }
0x37: {  	[smem:$0x3FA8] =	sst s10  }
0x38: {  	s10 =	sld [smem:$0x3FA9]  }
0x39: {  	_ = 	snop;
	(pc) =	sbr.ind lr, $3  }
0x3a: {  	_ = 	snop  }
0x3b: {  	_ = 	snop  }
0x3c: {  	p2 =	seq.s32 s10, $0x1;
	s10 =	sld [smem:$0x3FA8]  }
0x3d: {  	_ =	shalt  }
0x3e: {  	_ =	shalt  }
0x3f: {  	_ =	shalt  }
0x40: {  	_ =	shalt  }
0x41: {  	_ =	shalt  }
0x42: {  	_ =	shalt  }
0x43: {  	_ =	shalt  }
0x44: {  	_ =	shalt  }
0x45: {  	_ =	shalt  }
0x46: {  	_ =	shalt  }
0x47: {  	_ =	shalt  }
0x48: {  	_ =	shalt  }
0x49: {  	_ =	shalt  }
0x4a: {  	_ =	shalt  }
0x4b: {  	_ =	shalt  }
0x4c: {  	_ =	shalt  }
0x4d: {  	_ =	shalt  }
0x4e: {  	_ =	shalt  }
0x4f: {  	_ =	shalt  }
0x50: {  	_ =	shalt  }
0x51: {  	_ =	shalt  }
0x52: {  	_ =	shalt  }
0x53: {  	_ =	shalt  }
0x54: {  	_ =	shalt  }
0x55: {  	_ =	shalt  }
0x56: {  	_ =	shalt  }
0x57: {  	_ =	shalt  }
0x58: {  	_ =	shalt  }
0x59: {  	_ =	shalt  }
0x5a: {  	_ =	shalt  }
0x5b: {  	_ =	shalt  }
0x5c: {  	_ =	shalt  }
0x5d: {  	_ =	shalt  }
0x5e: {  	_ =	shalt  }
0x5f: {  	_ =	shalt  }
0x60: {  	_ =	shalt  }
0x61: {  	_ =	shalt  }
0x62: {  	_ =	shalt  }
0x63: {  	_ =	shalt  }
0x64: {  	_ =	shalt  }
0x65: {  	_ =	shalt  }
0x66: {  	_ =	shalt  }
0x67: {  	_ =	shalt  }
0x68: {  	_ =	shalt  }
0x69: {  	_ =	shalt  }
0x6a: {  	_ =	shalt  }
0x6b: {  	_ =	shalt  }
0x6c: {  	_ =	shalt  }
0x6d: {  	_ =	shalt  }
0x6e: {  	_ =	shalt  }
0x6f: {  	_ =	shalt  }
0x70: {  	_ =	shalt  }
0x71: {  	_ =	shalt  }
0x72: {  	_ =	shalt  }
0x73: {  	_ =	shalt  }
0x74: {  	_ =	shalt  }
0x75: {  	_ =	shalt  }
0x76: {  	_ =	shalt  }
0x77: {  	_ =	shalt  }
0x78: {  	_ =	shalt  }
0x79: {  	_ =	shalt  }
0x7a: {  	_ =	shalt  }
0x7b: {  	_ =	shalt  }
0x7c: {  	_ =	shalt  }
0x7d: {  	_ =	shalt  }
0x7e: {  	_ =	shalt  }
0x7f: {  	_ =	shalt  }
0x80: {  	_ =	shalt  }
0x81: {  	_ =	shalt  }
0x82: {  	_ =	shalt  }
0x83: {  	_ =	shalt  }
0x84: {  	_ =	shalt  }
0x85: {  	_ =	shalt  }
0x86: {  	_ =	shalt  }
0x87: {  	_ =	shalt  }
.Lfunc_end0:
.L_simem_size_0:
called_computation.1_lowered:
.L_overlay_start_0:
0x88: {  	s2 =	sld [smem:$0x3FD9]  }
0x89: {  	s3 =	sld [smem:$0x3FFE];
	_ =	sdelay $0x1  }
0x8a: {  	s1 =	srdreg.scid  }
0x8b: {  	s0 =	sand.u32 $0x1, s1  }
0x8c: {  	s16 =	sshll.u32 s0, $0xA;
	s2 =	sadd.s32 s3, s2  }
0x8d: {  	s2 =	sadd.s32 s2, s16  }
0x8e: {  	[smem:$0x3FB4] =	sst s2  }
0x8f: {  	_ = 	snop  }
0x90: {  	(tm) =	ssettm $0x1  }
0x91: {  	s17 =	sld [smem:$0x3FFB];
	_ =	sdelay $0x3  }
0x92: {  	_ =	strace s17  }
0x93: {  	s2 =	sld [smem:$0x3FFC];
	_ =	sdelay $0x3  }
0x94: {  	_ =	strace s2  }
0x95: {  	s2 =	sld [smem:$0x3FFD];
	_ =	sdelay $0x3  }
0x96: {  	_ =	strace s2  }
0x97: {  	_ =	strace $0x8FFFFFFF  }
0x98: {  	s18 =	sld [smem:$0x3FDB];
	_ =	sdelay $0x1  }
0x99: {  	s19 =	simm.s32 $_scs_section_size  }
0x9a: {  	s4 =	simm.s32 $_size__tile_overlayer_lowered;
	s5 =	simm.s32 $_tile_overlayer_lowered  }
0x9b: {  	s22 =	simm.s32 $0x1BFF;
	s21 =	sshll.u32 s5, $0x1;
	s2 =	sadd.s32 s19, s18  }
0x9c: {  	s6 =	simm.s32 $0x0;
	s20 =	sshll.u32 s4, $0x1;
	s4 =	sadd.s32 s21, s2  }
0x9d: {  	[timem:s6], [sflag:s22] =	dma.local [hbm:s4], s20  }
0x9e: {  	_ =	swait.ge [sflag:s22], s20  }
0x9f: {  	s3 =	ssub.s32 $0x0, s20;
	[sflag:s22] =	ssyncset.done $0x0  }
0xa0: {  	[sflag:s22] =	ssyncadd.s32 s3;
	_ =	sdelay $0x1  }
0xa1: {  	s23 =	simm.s32 $0x1B8B  }
0xa2: {  	_ =	swait.ge [sflag:s23], $0x1  }
0xa3: {  	[sflag:s23] =	ssyncset.done $0x0  }
0xa4: {  	s25 =	simm.s32 $0x1B8E;
	s24 =	sld [smem:$0x3FFE];
	[sflag:s23] =	ssyncadd.s32 $0xFFFFFFFF  }
0xa5: {  	s26 =	simm.s32 $execute0_lowered;
	[smem:$0x3FD2] =	sst s25  }
0xa6: {  	s4 =	sshll.u32 s26, $0x1;
	_ =	strace $0x80000049;
	[dreg:$0x1] =	wrdreg $0xFFFFFFFF  }
0xa7: {  	s28 =	simm.s32 $_size_execute0_lowered;
	s2 =	sadd.s32 s2, s4;
	[dreg:$0x0] =	wrdreg $0x0  }
0xa8: {  	s4 =	sshll.u32 s28, $0x1;
	[dreg:$0x2] =	wrdreg s2  }
0xa9: {  	[dreg:$0x3] =	wrdreg s4  }
0xaa: {  	[dreg:$0x4] =	wrdreg $0xC0  }
0xab: {  	_ =	task [dreg:s6], $0x5FFFF  }
0xac: {  	[dreg:$0x1] =	wrdreg $0xFFFFFFFF  }
0xad: {  	[dreg:$0x0] =	wrdreg $0x60  }
0xae: {  	[dreg:$0x2] =	wrdreg s24  }
0xaf: {  	[dreg:$0x3] =	wrdreg $0x9  }
0xb0: {  	_ =	task.clear_ibuf [dreg:s6], $0x4FFFF;
	_ =	strace $0x90000049  }
0xb1: {  	s29 =	simm.s32 $0x9;
	_ =	strace $0x8000004B  }
0xb2: {  	_ =	swait.ge [sflag:s29], $0x1  }
0xb3: {  	[sflag:s29] =	ssyncadd.s32 $0xFFFFFFFF  }
0xb4: {  	_ =	strace $0x9000004B  }
0xb5: {  	_ =	sfence  }
0xb6: {  	s30 =	sld [smem:$0x0];
	_ =	sdelay $0x2  }
0xb7: {  	s31 =	sshll.u32 s1, $0xD;
	s1 =	sshrl.u32 s1, $0x2  }
0xb8: {  	s3 =	sand.u32 $0x4000, s31;
	s1 =	sadd.s32 s1, s30  }
0xb9: {  	s0 =	sor.u32 s3, s0;
	s1 =	sshll.u32 s1, $0x11  }
0xba: {  	s0 =	sor.u32 s1, s0  }
0xbb: {  	s0 =	sadd.s32 $0x8F2B, s0  }
0xbc: {  	[sflag:s0] =	ssyncadd.remote.s32 $0x1  }
0xbd: {  	_ =	sfence.sel $0xFFFF  }
0xbe: {  	[dreg:$0x0] =	wrdreg $0xFFFFFFFF;
	(pc) =	sbr.abs _section_cstart, $3  }
0xbf: {  	[dreg:$0x1] =	wrdreg $0xFFFFFFFF  }
0xc0: {  	_ =	task.clear_ibuf [dreg:s6], $0x2FFFF;
	_ =	strace $0x9FFFFFFF  }
0xc1: {  	(tm) =	ssettm $0x7FFFFFFF  }
tec
execute0_lowered:
.L_overlay_start_1:
0x0: {  	(tag) =	ssettag $0x1  }
0x1: {  	s7 =	rddreg [dreg:$0x0]  }
0x2: {  	s0 =	rddreg [dreg:$0x1];
	s1 =	simm.s32 $0x0;
	s5 =	srdreg.scid  }
0x3: {  	s2 =	stileid.u32;
	s12 =	simm.s32 $0x1380;
	s13 =	simm.s32 $0x7B80  }
0x4: {  	s14 =	simm.s32 $0x1;
	s15 =	simm.s32 $0x2;
	s16 =	simm.s32 $0xE380  }
0x5: {  	s17 =	simm.s32 $0x0;
	[smem:$0x7FF] =	sst s1;
	s3 =	sadd.s32 $0x4200, s7  }
0x6: {  	s4 =	sadd.s32 $0x510400, s7;
	s8 =	sand.u32 $0x1, s5;
	s5 =	sadd.s32 $0x509C00, s7  }
0x7: {  	s10 =	sshll.u32 s2, $0x1;
	s6 =	sadd.s32 $0x55FA00, s7;
	s9 =	ssub.s32 $0x2, s8  }
0x8: {  	s7 =	sadd.s32 $0x5C7A00, s7;
	_ =	strace $0x8000004A;
	s11 =	sshrl.u32 s9, $0x1  }
0x9: {  	v0 =	vlaneseq.u32;
	s8 =	sor.u32 s8, s10;
	s10 =	simm.s32 $0x3;
	s9 =	ssub.s32 s9, s11  }
0xa: {  	v0 =	vmul.u32 $0x10, v0;
	s8 =	smul.u32 $0x1A00, s8;
	s11 =	simm.s32 $0x680;
	s9 =	smax.u32 s9, $0x1  }
.LBB2_1:
0xb: {  	s18 =	simm.s32 $0x0  }
.LBB2_2:
0xc: {  	s19 =	smul.u32 $0x680, s18;
	_ =	sdelay $0x1  }
0xd: {  	s20 =	sadd.s32 s8, s19  }
0xe: {  	s19 =	sshrl.u32 s20, $0x3  }
0xf: {  	s22 =	simm.s32 $0x0;
	s21 =	sadd.s32 s5, s19  }
0x10: {  	[tilespmem:s22], [sflag:$0x3] =	stream.linear.gather [hbm4b:s21+s22], $0x680, $0x38;
	[tilespmem:$0xEA00] =	vst v63  }
0x11: {  	_ =	swait.ge [sflag:s10], $0x680  }
0x12: {  	[sflag:s10] =	ssyncset.done $0x0  }
0x13: {  	s21 =	simm.s32 $0x0;
	[sflag:s10] =	ssyncadd.s32 $0xFFFFF980  }
0x14: {  	v1 =	vld [tilespmem:s21+$0x0]  }
0x15: {  	s22 =	simm.s32 $0x40  }
.LBB2_3:
0x16: {  	p0 =	sne.s32 s22, $0x19C0  }
.Ltmp0:
0x17: {  	_ = 	snop;
	(pc) =	sbr.rel @p0 .LBB2_3-.Ltmp0, $4  }
0x18: {  	_ = 	snop  }
0x19: {  	s23 =	sshra.s32 s22, $0x2;
	s22 =	sadd.s32 $0x40, s22;
	v2 =	vshrl.u32 v1, $0x4;
	v3 =	vand.u32 $0xF, v1  }
0x1a: {  	v1 =	vld [tilespmem:s23+$0x0];
	[tilespmem:s21+$0xD00] =	vst v3  }
0x1b: {  	[tilespmem:s21+$0x680] =	vst v2;
	s21 =	smov.u32 s23  }
0x1c: {  	_ =	sdelay $0x2  }
0x1d: {  	v2 =	vand.u32 $0xF, v1  }
0x1e: {  	v1 =	vshrl.u32 v1, $0x4;
	[tilespmem:s21+$0xD00] =	vst v2  }
0x1f: {  	s31 =	simm.s32 $0x0;
	[tilespmem:s21+$0x680] =	vst v1  }
0x20: {  	[tilespmem:s12], [sflag:$0x1] =	stream.indirect.gather [hbm4b:s3+s11], $0x10, s31, s11, $0xb8;
	[tilespmem:$0xEA00] =	vst v63  }
0x21: {  	_ = 	snop  }
0x22: {  	[tilespmem:s13], [sflag:$0x2] =	stream.indirect.gather [hbm4b:s4+s11], $0x10, s11, s11, $0xb8;
	[tilespmem:$0xEA00] =	vst v63  }
0x23: {  	_ =	swait.ge [sflag:s14], $0x6800  }
0x24: {  	[sflag:s14] =	ssyncset.done $0x0  }
0x25: {  	[sflag:s14] =	ssyncadd.s32 $0xFFFF9800  }
0x26: {  	_ =	swait.ge [sflag:s15], $0x6800  }
0x27: {  	[sflag:s15] =	ssyncset.done $0x0  }
0x28: {  	s22 =	simm.s32 $0xD00;
	[sflag:s15] =	ssyncadd.s32 $0xFFFF9800  }
0x29: {  	v1 =	vld [tilespmem:s22+$0x0];
	_ =	sdelay $0x2  }
0x2a: {  	v2 =	vmov s31  }
0x2b: {  	v2 =	vshll.u32 v2, $0x4  }
0x2c: {  	v2 =	vor.u32 v0, v2;
	v3 =	vand.u32 $0xFFFFFFF8, v1  }
0x2d: {  	v1 =	vand.u32 $0x7, v1;
	v2 =	vadd.s32 v2, v3  }
0x2e: {  	v1 =	vor.u32 v1, v2;
	_ =	sdelay $0x4  }
0x2f: {  	v1 =	vld.idx.msk [tilespmem:v1+s13+$0x0], $0xffff;
	_ =	sdelay $0x3  }
0x30: {  	s21 =	simm.s32 $0xE380  }
0x31: {  	s22 =	simm.s32 $0xD10;
	[tilespmem:s21+$0x0] =	vst v1  }
0x32: {  	s23 =	simm.s32 $0x10;
	s24 =	simm.s32 $0x20;
	v1 =	vld [tilespmem:s22+$0x0]  }
.LBB2_5:
0x33: {  	p0 =	sne.s32 s24, $0x670;
	_ =	sdelay $0x1  }
0x34: {  	v2 =	vmov s23;
	s23 =	smov.u32 s24  }
0x35: {  	v2 =	vshll.u32 v2, $0x4  }
0x36: {  	v2 =	vor.u32 v0, v2;
	v3 =	vand.u32 $0xFFFFFFF8, v1  }
0x37: {  	v1 =	vand.u32 $0x7, v1;
	v2 =	vadd.s32 v2, v3  }
0x38: {  	v1 =	vor.u32 v1, v2;
	_ =	sdelay $0x4  }
0x39: {  	v1 =	vld.idx.msk [tilespmem:v1+s13+$0x0], $0xffff;
	_ =	sdelay $0x2  }
.Ltmp1:
0x3a: {  	(pc) =	sbr.rel @p0 .LBB2_5-.Ltmp1, $4  }
0x3b: {  	_ = 	snop  }
0x3c: {  	s21 =	sadd.s32 $0x10, s21  }
0x3d: {  	s22 =	sadd.s32 $0x10, s22;
	[tilespmem:s21+$0x0] =	vst v1  }
0x3e: {  	s24 =	sadd.s32 $0x10, s24;
	v1 =	vld [tilespmem:s22+$0x0]  }
0x3f: {  	_ =	sdelay $0x1  }
0x40: {  	v2 =	vmov s23  }
0x41: {  	v2 =	vshll.u32 v2, $0x4  }
0x42: {  	v2 =	vor.u32 v0, v2;
	v3 =	vand.u32 $0xFFFFFFF8, v1  }
0x43: {  	v1 =	vand.u32 $0x7, v1;
	v2 =	vadd.s32 v2, v3  }
0x44: {  	v1 =	vor.u32 v1, v2;
	_ =	sdelay $0x4  }
0x45: {  	v1 =	vld.idx.msk [tilespmem:v1+s13+$0x0], $0xffff;
	_ =	sdelay $0x3  }
0x46: {  	s21 =	sadd.s32 $0x10, s21;
	s20 =	sshll.u32 s20, $0x1  }
0x47: {  	s20 =	sadd.s32 s6, s20;
	[tilespmem:s21+$0x0] =	vst v1  }
0x48: {  	[hbm4b:s20+s1] =	stream.linear.scatter [tilespmem:s12], [sflag:$0x3], $0x6800, $0x38;
	[tilespmem:$0xEA00] =	vst v63  }
0x49: {  	s18 =	sadd.s32 $0x1, s18;
	_ =	swait.ge [sflag:s10], $0x6800  }
0x4a: {  	p0 =	sne.s32 s18, $0x4;
	[sflag:s10] =	ssyncset.done $0x0  }
.Ltmp2:
0x4b: {  	s19 =	sadd.s32 s7, s19;
	[sflag:s10] =	ssyncadd.s32 $0xFFFF9800;
	(pc) =	sbr.rel @p0 .LBB2_2-.Ltmp2, $4  }
0x4c: {  	[hbm4b:s19+s1] =	stream.linear.scatter [tilespmem:s16], [sflag:$0x3], $0x680, $0x38;
	[tilespmem:$0xEA00] =	vst v63  }
0x4d: {  	_ =	swait.ge [sflag:s10], $0x680  }
0x4e: {  	[sflag:s10] =	ssyncset.done $0x0  }
0x4f: {  	[sflag:s10] =	ssyncadd.s32 $0xFFFFF980  }
0x50: {  	s17 =	sadd.s32 $0x1, s17  }
0x51: {  	p0 =	sne.s32 s17, s9  }
.Ltmp3:
0x52: {  	_ = 	snop;
	(pc) =	sbr.rel @p0 .LBB2_1-.Ltmp3, $1  }
0x53: {  	_ =	sdelay $0x3  }
0x54: {  	_ =	sfence.sel $0x180000  }
0x55: {  	[bflag:$0x0] =	sbarrier.arrive $0xFFFF  }
0x56: {  	p0 =	sne.s32 s2, $0x0;
	_ =	strace $0x9000004A  }
0x57: {  	s0 =	sadd.s32 @!p0 $0x100000, s0;
	[bflag:$0x2] =	sbarrier.arrive $0xFFFF  }
0x58: {  	[sflag:s0] =	ssyncadd.tile.s32 @!p0 $0x1;
	_ =	shalt  }
.Lfunc_end2:
_tile_overlayer_lowered:
.L_overlay_start_2:
0x59: {  	(tag) =	ssettag $0x2  }
0x5a: {  	s0 =	rddreg [dreg:$0x0];
	s2 =	stileid.u32  }
0x5b: {  	s1 =	rddreg [dreg:$0x1];
	p0 =	sne.s32 s2, $0x0  }
0x5c: {  	s3 =	rddreg [dreg:$0x2];
	[bflag:$0x3] =	sbarrier.arrive $0xFFFF;
	s2 =	simm.s32 @!p0 $0x1C03  }
0x5d: {  	[timem:s3], [sflag:s2] =	dma.local @!p0 [hbm:s0], s1  }
0x5e: {  	s0 =	simm.s32 @!p0 $0x3  }
0x5f: {  	_ =	swait.ge @!p0 [sflag:s0], s1  }
0x60: {  	s1 =	ssub.s32 @!p0 $0x0, s1;
	[sflag:s0] =	ssyncset.done @!p0 $0x0  }
0x61: {  	[sflag:s0] =	ssyncadd.s32 @!p0 s1  }
0x62: {  	[bflag:$0x3] =	sbarrier.arrive $0xFFFF  }
0x63: {  	_ =	shalt  }

// kernel: kernel.13.cloned.1.call-start
scs
__scs_entry_jumppad:
0x0: {  	(pc) =	sbr.rel $0x88, $3  }
0x1: {  	(tag) =	ssettag $0x0;
	lr =	simm.s32 $0x1  }
0x2: {  	[smem:$0x3F8D] =	sst lr;
	_ =	strace $0xD0000000  }
0x3: {  	_ = 	snop  }
0x4: {  	_ = 	snop  }
0x5: {  	_ = 	snop  }
0x6: {  	_ = 	snop  }
0x7: {  	_ = 	snop  }
__scs_overlays_trampoline_lowered:
0x8: {  	[smem:$0x3F9C] =	sst s0  }
0x9: {  	[smem:$0x3F9D] =	sst s1  }
0xa: {  	[smem:$0x3F9E] =	sst s2  }
0xb: {  	[smem:$0x3F9F] =	sst s3  }
0xc: {  	[smem:$0x3FA0] =	sst s4  }
0xd: {  	[smem:$0x3FA1] =	sst s5  }
0xe: {  	[smem:$0x3FA2] =	sst s6  }
0xf: {  	[smem:$0x3FA3] =	sst s7  }
0x10: {  	[smem:$0x3FA4] =	sst s8  }
0x11: {  	[smem:$0x3FA5] =	sst s9;
	s0 =	simm.s32 @!p0 $0x0  }
0x12: {  	s1 =	sld [smem:$0x3F8B];
	s0 =	simm.s32 @p0 $0x1  }
0x13: {  	[smem:$0x3FA6] =	sst s0;
	s0 =	simm.s32 @!p1 $0x0  }
0x14: {  	s2 =	sld [smem:$0x3F8A];
	s0 =	simm.s32 @p1 $0x1  }
0x15: {  	[smem:$0x3FA7] =	sst s0;
	s0 =	simm.s32 @!p2 $0x0  }
0x16: {  	s3 =	sld [smem:$0x3FDB];
	s0 =	simm.s32 @p2 $0x1  }
0x17: {  	s4 =	simm.s32 $0x1BF5;
	[smem:$0x3FA9] =	sst s0  }
0x18: {  	s0 =	sld [smem:$0x3F8C];
	_ =	swait.ge [sflag:s4], $0x0  }
0x19: {  	s7 =	sld [smem:$0x3F8D]  }
0x1a: {  	s8 =	sadd.s32 $0xFFFFE003, lr  }
0x1b: {  	s9 =	sadd.s32 $0xFFFFFEF7, lr;
	s5 =	simm.s32 $0xFFFFFFFF;
	p2 =	slt.u32 s8, $0xFFFFF086  }
0x1c: {  	p1 =	slt.u32 s9, $0xF7A;
	s5 =	simm.s32 @!p2 $0x0  }
0x1d: {  	s5 =	simm.s32 @p1 $0x1;
	p0 =	seq.s32 s7, s2  }
0x1e: {  	s7 =	smul.u32 @!p0 $0xF7A, s2;
	p2 =	seq.s32 @!p0 s5, $0x0  }
0x1f: {  	s9 =	smul.u32 $0xF7A, s1;
	s8 =	simm.s32 @!p0 $0x1BF5;
	p2 =	por !p2, p0  }
0x20: {  	[sflag:s8] =	ssyncset.s32 @!p0 $0xFFFFF086;
	s6 =	sadd.s32 @!p0 s3, s7;
	s7 =	simm.s32 @!p0 $0x108  }
0x21: {  	s3 =	sadd.s32 s3, s9;
	s6 =	sadd.s32 @!p0 $0x88, s6;
	s7 =	simm.s32 @p2 $0x1082  }
0x22: {  	[simem:s7], [sflag:s8] =	dma.local @!p0 [hbm:s6], $0xF7A  }
0x23: {  	s9 =	sor.u32 $0xD0000000, s2;
	s6 =	simm.s32 $0x108;
	_ =	swait.ge @!p0 [sflag:s8], $0x0  }
0x24: {  	s3 =	sadd.s32 $0x88, s3;
	s6 =	simm.s32 @!p1 $0x1082;
	[sflag:s4] =	ssyncset.s32 $0xFFFFF086  }
0x25: {  	[simem:s6], [sflag:s4] =	dma.local [hbm:s3], $0xF7A  }
0x26: {  	[smem:$0x3F8D] =	sst s1;
	(tag) =	ssettag s2;
	_ =	strace s9  }
0x27: {  	s1 =	sld [smem:$0x3F9D]  }
0x28: {  	s2 =	sld [smem:$0x3F9E]  }
0x29: {  	s4 =	sld [smem:$0x3FA0]  }
0x2a: {  	p0 =	seq.s32 s5, $0x0;
	s5 =	sld [smem:$0x3FA1]  }
0x2b: {  	s6 =	sld [smem:$0x3FA2]  }
0x2c: {  	s7 =	sld [smem:$0x3FA3]  }
0x2d: {  	s3 =	simm.s32 $0x108;
	s8 =	sld [smem:$0x3FA4]  }
0x2e: {  	s3 =	simm.s32 @!p0 $0x1082;
	s9 =	sld [smem:$0x3FA5]  }
0x2f: {  	lr =	sadd.s32 s0, s3;
	s0 =	sld [smem:$0x3F9C]  }
0x30: {  	s3 =	sld [smem:$0x3F9F]  }
0x31: {  	[smem:$0x3FA8] =	sst s10  }
0x32: {  	s10 =	sld [smem:$0x3FA6];
	_ =	sdelay $0x3  }
0x33: {  	p0 =	seq.s32 s10, $0x1;
	s10 =	sld [smem:$0x3FA8];
	_ =	sdelay $0x3  }
0x34: {  	[smem:$0x3FA8] =	sst s10  }
0x35: {  	s10 =	sld [smem:$0x3FA7];
	_ =	sdelay $0x3  }
0x36: {  	p1 =	seq.s32 s10, $0x1;
	s10 =	sld [smem:$0x3FA8];
	_ =	sdelay $0x3  }
0x37: {  	[smem:$0x3FA8] =	sst s10  }
0x38: {  	s10 =	sld [smem:$0x3FA9]  }
0x39: {  	_ = 	snop;
	(pc) =	sbr.ind lr, $3  }
0x3a: {  	_ = 	snop  }
0x3b: {  	_ = 	snop  }
0x3c: {  	p2 =	seq.s32 s10, $0x1;
	s10 =	sld [smem:$0x3FA8]  }
0x3d: {  	_ =	shalt  }
0x3e: {  	_ =	shalt  }
0x3f: {  	_ =	shalt  }
0x40: {  	_ =	shalt  }
0x41: {  	_ =	shalt  }
0x42: {  	_ =	shalt  }
0x43: {  	_ =	shalt  }
0x44: {  	_ =	shalt  }
0x45: {  	_ =	shalt  }
0x46: {  	_ =	shalt  }
0x47: {  	_ =	shalt  }
0x48: {  	_ =	shalt  }
0x49: {  	_ =	shalt  }
0x4a: {  	_ =	shalt  }
0x4b: {  	_ =	shalt  }
0x4c: {  	_ =	shalt  }
0x4d: {  	_ =	shalt  }
0x4e: {  	_ =	shalt  }
0x4f: {  	_ =	shalt  }
0x50: {  	_ =	shalt  }
0x51: {  	_ =	shalt  }
0x52: {  	_ =	shalt  }
0x53: {  	_ =	shalt  }
0x54: {  	_ =	shalt  }
0x55: {  	_ =	shalt  }
0x56: {  	_ =	shalt  }
0x57: {  	_ =	shalt  }
0x58: {  	_ =	shalt  }
0x59: {  	_ =	shalt  }
0x5a: {  	_ =	shalt  }
0x5b: {  	_ =	shalt  }
0x5c: {  	_ =	shalt  }
0x5d: {  	_ =	shalt  }
0x5e: {  	_ =	shalt  }
0x5f: {  	_ =	shalt  }
0x60: {  	_ =	shalt  }
0x61: {  	_ =	shalt  }
0x62: {  	_ =	shalt  }
0x63: {  	_ =	shalt  }
0x64: {  	_ =	shalt  }
0x65: {  	_ =	shalt  }
0x66: {  	_ =	shalt  }
0x67: {  	_ =	shalt  }
0x68: {  	_ =	shalt  }
0x69: {  	_ =	shalt  }
0x6a: {  	_ =	shalt  }
0x6b: {  	_ =	shalt  }
0x6c: {  	_ =	shalt  }
0x6d: {  	_ =	shalt  }
0x6e: {  	_ =	shalt  }
0x6f: {  	_ =	shalt  }
0x70: {  	_ =	shalt  }
0x71: {  	_ =	shalt  }
0x72: {  	_ =	shalt  }
0x73: {  	_ =	shalt  }
0x74: {  	_ =	shalt  }
0x75: {  	_ =	shalt  }
0x76: {  	_ =	shalt  }
0x77: {  	_ =	shalt  }
0x78: {  	_ =	shalt  }
0x79: {  	_ =	shalt  }
0x7a: {  	_ =	shalt  }
0x7b: {  	_ =	shalt  }
0x7c: {  	_ =	shalt  }
0x7d: {  	_ =	shalt  }
0x7e: {  	_ =	shalt  }
0x7f: {  	_ =	shalt  }
0x80: {  	_ =	shalt  }
0x81: {  	_ =	shalt  }
0x82: {  	_ =	shalt  }
0x83: {  	_ =	shalt  }
0x84: {  	_ =	shalt  }
0x85: {  	_ =	shalt  }
0x86: {  	_ =	shalt  }
0x87: {  	_ =	shalt  }
.Lfunc_end0:
.L_simem_size_0:
called_computation.2_lowered:
.L_overlay_start_0:
0x88: {  	s2 =	sld [smem:$0x3FD9]  }
0x89: {  	s3 =	sld [smem:$0x3FFE];
	_ =	sdelay $0x1  }
0x8a: {  	s1 =	srdreg.scid  }
0x8b: {  	s0 =	sand.u32 $0x1, s1  }
0x8c: {  	s17 =	sshll.u32 s0, $0xA;
	s2 =	sadd.s32 s3, s2  }
0x8d: {  	s2 =	sadd.s32 s2, s17  }
0x8e: {  	[smem:$0x3FB4] =	sst s2  }
0x8f: {  	_ = 	snop  }
0x90: {  	(tm) =	ssettm $0x1  }
0x91: {  	s18 =	sld [smem:$0x3FFB];
	_ =	sdelay $0x3  }
0x92: {  	_ =	strace s18  }
0x93: {  	s2 =	sld [smem:$0x3FFC];
	_ =	sdelay $0x3  }
0x94: {  	_ =	strace s2  }
0x95: {  	s2 =	sld [smem:$0x3FFD];
	_ =	sdelay $0x3  }
0x96: {  	_ =	strace s2  }
0x97: {  	_ =	strace $0x8FFFFFFF  }
0x98: {  	s19 =	sld [smem:$0x3FDB];
	_ =	sdelay $0x1  }
0x99: {  	s20 =	simm.s32 $_scs_section_size  }
0x9a: {  	s4 =	simm.s32 $_size__tile_overlayer_lowered;
	s5 =	simm.s32 $_tile_overlayer_lowered  }
0x9b: {  	s6 =	simm.s32 $0x1BFF;
	s21 =	sshll.u32 s5, $0x1;
	s3 =	sadd.s32 s20, s19  }
0x9c: {  	s22 =	simm.s32 $0x0;
	s4 =	sshll.u32 s4, $0x1;
	s5 =	sadd.s32 s21, s3  }
0x9d: {  	[timem:s22], [sflag:s6] =	dma.local [hbm:s5], s4  }
0x9e: {  	_ =	swait.ge [sflag:s6], s4  }
0x9f: {  	s4 =	ssub.s32 $0x0, s4;
	[sflag:s6] =	ssyncset.done $0x0  }
0xa0: {  	[sflag:s6] =	ssyncadd.s32 s4;
	_ =	sdelay $0x1  }
0xa1: {  	s23 =	simm.s32 $0x1B8B  }
0xa2: {  	_ =	swait.ge [sflag:s23], $0x1  }
0xa3: {  	[sflag:s23] =	ssyncset.done $0x0  }
0xa4: {  	[sflag:s23] =	ssyncadd.s32 $0xFFFFFFFF  }
0xa5: {  	s4 =	sld [smem:$0x0]  }
0xa6: {  	s5 =	sand.u32 $0xFFFFFFFE, s1  }
0xa7: {  	p0 =	sne.s32 s1, s5  }
0xa8: {  	s5 =	sshll.u32 @p0 s5, $0xE  }
0xa9: {  	s5 =	sadd.s32 @p0 $0x11B8D, s5;
	s6 =	sshll.u32 @p0 s4, $0x11  }
0xaa: {  	s5 =	sor.u32 @p0 s6, s5  }
0xab: {  	[sflag:s5] =	ssyncadd.remote.s32 @p0 $0x1;
	_ =	sdelay $0x1  }
0xac: {  	s5 =	simm.s32 @p0 $0x1B8D  }
0xad: {  	_ =	swait.eq @p0 [sflag:s5], $0x1  }
0xae: {  	[sflag:s5] =	ssyncadd.s32 @p0 $0xFFFFFFFF  }
0xaf: {  	s6 =	sshll.u32 @!p0 s1, $0xE  }
0xb0: {  	s6 =	sor.u32 @!p0 $0x4000, s6;
	s5 =	simm.s32 @!p0 $0x1B8D  }
0xb1: {  	s4 =	sshll.u32 @!p0 s4, $0x11;
	s6 =	sadd.s32 @!p0 $0x11B8D, s6;
	_ =	swait.eq @!p0 [sflag:s5], $0x1  }
0xb2: {  	s4 =	sor.u32 @!p0 s4, s6;
	[sflag:s5] =	ssyncadd.s32 @!p0 $0xFFFFFFFF  }
0xb3: {  	s25 =	simm.s32 $0x1B8E;
	s24 =	sld [smem:$0x3FFE];
	[sflag:s4] =	ssyncadd.remote.s32 @!p0 $0x1  }
0xb4: {  	s26 =	simm.s32 $execute0_lowered;
	[smem:$0x3FD2] =	sst s25  }
0xb5: {  	s5 =	sshll.u32 s26, $0x1;
	_ =	strace $0x8000004C;
	[dreg:$0x1] =	wrdreg $0xFFFFFFFF  }
0xb6: {  	s28 =	simm.s32 $_size_execute0_lowered;
	s3 =	sadd.s32 s3, s5;
	[dreg:$0x0] =	wrdreg $0x0  }
0xb7: {  	s5 =	sshll.u32 s28, $0x1;
	[dreg:$0x2] =	wrdreg s3  }
0xb8: {  	[dreg:$0x3] =	wrdreg s5  }
0xb9: {  	[dreg:$0x4] =	wrdreg $0xC0  }
0xba: {  	_ =	task [dreg:s22], $0x5FFFF  }
0xbb: {  	[dreg:$0x1] =	wrdreg $0xFFFFFFFF  }
0xbc: {  	[dreg:$0x0] =	wrdreg $0x60  }
0xbd: {  	[dreg:$0x2] =	wrdreg s24  }
0xbe: {  	[dreg:$0x3] =	wrdreg $0xA  }
0xbf: {  	_ =	task.clear_ibuf [dreg:s22], $0x4FFFF;
	_ =	strace $0x9000004C  }
0xc0: {  	s29 =	simm.s32 $0xA;
	_ =	strace $0x8000004E  }
0xc1: {  	_ =	swait.ge [sflag:s29], $0x1  }
0xc2: {  	[sflag:s29] =	ssyncadd.s32 $0xFFFFFFFF  }
0xc3: {  	_ =	strace $0x9000004E  }
0xc4: {  	_ =	sfence  }
0xc5: {  	s30 =	sld [smem:$0x0];
	_ =	sdelay $0x2  }
0xc6: {  	s31 =	sshll.u32 s1, $0xD;
	s1 =	sshrl.u32 s1, $0x2  }
0xc7: {  	s4 =	sand.u32 $0x4000, s31;
	s1 =	sadd.s32 s1, s30  }
0xc8: {  	s0 =	sor.u32 s4, s0;
	s1 =	sshll.u32 s1, $0x11  }
0xc9: {  	s0 =	sor.u32 s1, s0  }
0xca: {  	s0 =	sadd.s32 $0x8F2B, s0  }
0xcb: {  	[sflag:s0] =	ssyncadd.remote.s32 $0x1  }
0xcc: {  	_ =	sfence.sel $0xFFFF  }
0xcd: {  	[dreg:$0x0] =	wrdreg $0xFFFFFFFF;
	(pc) =	sbr.abs _section_cstart, $3  }
0xce: {  	[dreg:$0x1] =	wrdreg $0xFFFFFFFF  }
0xcf: {  	_ =	task.clear_ibuf [dreg:s22], $0x2FFFF;
	_ =	strace $0x9FFFFFFF  }
0xd0: {  	(tm) =	ssettm $0x7FFFFFFF  }
0xd1: {  	_ =	shalt  }
tec
execute0_lowered:
.L_overlay_start_1:
0x0: {  	(tag) =	ssettag $0x1  }
0x1: {  	s7 =	rddreg [dreg:$0x0]  }
0x2: {  	s0 =	rddreg [dreg:$0x1];
	s1 =	simm.s32 $0x0;
	s5 =	srdreg.scid  }
0x3: {  	s2 =	stileid.u32;
	s12 =	simm.s32 $0x1380;
	s13 =	simm.s32 $0x7B80  }
0x4: {  	s14 =	simm.s32 $0x1;
	s15 =	simm.s32 $0x2;
	s16 =	simm.s32 $0xE380  }
0x5: {  	s17 =	simm.s32 $0x0;
	[smem:$0x7FF] =	sst s1;
	s3 =	sadd.s32 $0x4200, s7  }
0x6: {  	s4 =	sadd.s32 $0x510400, s7;
	s8 =	sand.u32 $0x1, s5;
	s5 =	sadd.s32 $0x4F9C00, s7  }
0x7: {  	s10 =	sshll.u32 s2, $0x1;
	s6 =	sadd.s32 $0x5CE200, s7;
	s9 =	ssub.s32 $0x2, s8  }
0x8: {  	s7 =	sadd.s32 $0x500400, s7;
	_ =	strace $0x8000004D;
	s11 =	sshrl.u32 s9, $0x1  }
0x9: {  	v0 =	vlaneseq.u32;
	s8 =	sor.u32 s8, s10;
	s10 =	simm.s32 $0x3;
	s9 =	ssub.s32 s9, s11  }
0xa: {  	v0 =	vmul.u32 $0x10, v0;
	s8 =	smul.u32 $0x1A00, s8;
	s11 =	simm.s32 $0x680;
	s9 =	smax.u32 s9, $0x1  }
.LBB2_1:
0xb: {  	s18 =	simm.s32 $0x0  }
.LBB2_2:
0xc: {  	s19 =	smul.u32 $0x680, s18;
	_ =	sdelay $0x1  }
0xd: {  	s20 =	sadd.s32 s8, s19  }
0xe: {  	s19 =	sshrl.u32 s20, $0x3  }
0xf: {  	s22 =	simm.s32 $0x0;
	s21 =	sadd.s32 s5, s19  }
0x10: {  	[tilespmem:s22], [sflag:$0x3] =	stream.linear.gather [hbm4b:s21+s22], $0x680, $0x38;
	[tilespmem:$0xEA00] =	vst v63  }
0x11: {  	_ =	swait.ge [sflag:s10], $0x680  }
0x12: {  	[sflag:s10] =	ssyncset.done $0x0  }
0x13: {  	s21 =	simm.s32 $0x0;
	[sflag:s10] =	ssyncadd.s32 $0xFFFFF980  }
0x14: {  	v1 =	vld [tilespmem:s21+$0x0]  }
0x15: {  	s22 =	simm.s32 $0x40  }
.LBB2_3:
0x16: {  	p0 =	sne.s32 s22, $0x19C0  }
.Ltmp0:
0x17: {  	_ = 	snop;
	(pc) =	sbr.rel @p0 .LBB2_3-.Ltmp0, $4  }
0x18: {  	_ = 	snop  }
0x19: {  	s23 =	sshra.s32 s22, $0x2;
	s22 =	sadd.s32 $0x40, s22;
	v2 =	vshrl.u32 v1, $0x4;
	v3 =	vand.u32 $0xF, v1  }
0x1a: {  	v1 =	vld [tilespmem:s23+$0x0];
	[tilespmem:s21+$0xD00] =	vst v3  }
0x1b: {  	[tilespmem:s21+$0x680] =	vst v2;
	s21 =	smov.u32 s23  }
0x1c: {  	_ =	sdelay $0x2  }
0x1d: {  	v2 =	vand.u32 $0xF, v1  }
0x1e: {  	v1 =	vshrl.u32 v1, $0x4;
	[tilespmem:s21+$0xD00] =	vst v2  }
0x1f: {  	s31 =	simm.s32 $0x0;
	[tilespmem:s21+$0x680] =	vst v1  }
0x20: {  	[tilespmem:s12], [sflag:$0x1] =	stream.indirect.gather [hbm4b:s3+s11], $0x10, s31, s11, $0xb8;
	[tilespmem:$0xEA00] =	vst v63  }
0x21: {  	_ = 	snop  }
0x22: {  	[tilespmem:s13], [sflag:$0x2] =	stream.indirect.gather [hbm4b:s4+s11], $0x10, s11, s11, $0xb8;
	[tilespmem:$0xEA00] =	vst v63  }
0x23: {  	_ =	swait.ge [sflag:s14], $0x6800  }
0x24: {  	[sflag:s14] =	ssyncset.done $0x0  }
0x25: {  	[sflag:s14] =	ssyncadd.s32 $0xFFFF9800  }
0x26: {  	_ =	swait.ge [sflag:s15], $0x6800  }
0x27: {  	[sflag:s15] =	ssyncset.done $0x0  }
0x28: {  	s22 =	simm.s32 $0xD00;
	[sflag:s15] =	ssyncadd.s32 $0xFFFF9800  }
0x29: {  	v1 =	vld [tilespmem:s22+$0x0];
	_ =	sdelay $0x2  }
0x2a: {  	v2 =	vmov s31  }
0x2b: {  	v2 =	vshll.u32 v2, $0x4  }
0x2c: {  	v2 =	vor.u32 v0, v2;
	v3 =	vand.u32 $0xFFFFFFF8, v1  }
0x2d: {  	v1 =	vand.u32 $0x7, v1;
	v2 =	vadd.s32 v2, v3  }
0x2e: {  	v1 =	vor.u32 v1, v2;
	_ =	sdelay $0x4  }
0x2f: {  	v1 =	vld.idx.msk [tilespmem:v1+s13+$0x0], $0xffff;
	_ =	sdelay $0x3  }
0x30: {  	s21 =	simm.s32 $0xE380  }
0x31: {  	s22 =	simm.s32 $0xD10;
	[tilespmem:s21+$0x0] =	vst v1  }
0x32: {  	s23 =	simm.s32 $0x10;
	s24 =	simm.s32 $0x20;
	v1 =	vld [tilespmem:s22+$0x0]  }
.LBB2_5:
0x33: {  	p0 =	sne.s32 s24, $0x670;
	_ =	sdelay $0x1  }
0x34: {  	v2 =	vmov s23;
	s23 =	smov.u32 s24  }
0x35: {  	v2 =	vshll.u32 v2, $0x4  }
0x36: {  	v2 =	vor.u32 v0, v2;
	v3 =	vand.u32 $0xFFFFFFF8, v1  }
0x37: {  	v1 =	vand.u32 $0x7, v1;
	v2 =	vadd.s32 v2, v3  }
0x38: {  	v1 =	vor.u32 v1, v2;
	_ =	sdelay $0x4  }
0x39: {  	v1 =	vld.idx.msk [tilespmem:v1+s13+$0x0], $0xffff;
	_ =	sdelay $0x2  }
.Ltmp1:
0x3a: {  	(pc) =	sbr.rel @p0 .LBB2_5-.Ltmp1, $4  }
0x3b: {  	_ = 	snop  }
0x3c: {  	s21 =	sadd.s32 $0x10, s21  }
0x3d: {  	s22 =	sadd.s32 $0x10, s22;
	[tilespmem:s21+$0x0] =	vst v1  }
0x3e: {  	s24 =	sadd.s32 $0x10, s24;
	v1 =	vld [tilespmem:s22+$0x0]  }
0x3f: {  	_ =	sdelay $0x1  }
0x40: {  	v2 =	vmov s23  }
0x41: {  	v2 =	vshll.u32 v2, $0x4  }
0x42: {  	v2 =	vor.u32 v0, v2;
	v3 =	vand.u32 $0xFFFFFFF8, v1  }
0x43: {  	v1 =	vand.u32 $0x7, v1;
	v2 =	vadd.s32 v2, v3  }
0x44: {  	v1 =	vor.u32 v1, v2;
	_ =	sdelay $0x4  }
0x45: {  	v1 =	vld.idx.msk [tilespmem:v1+s13+$0x0], $0xffff;
	_ =	sdelay $0x3  }
0x46: {  	s21 =	sadd.s32 $0x10, s21;
	s20 =	sshll.u32 s20, $0x1  }
0x47: {  	s20 =	sadd.s32 s6, s20;
	[tilespmem:s21+$0x0] =	vst v1  }
0x48: {  	[hbm4b:s20+s1] =	stream.linear.scatter [tilespmem:s12], [sflag:$0x3], $0x6800, $0x38;
	[tilespmem:$0xEA00] =	vst v63  }
0x49: {  	s18 =	sadd.s32 $0x1, s18;
	_ =	swait.ge [sflag:s10], $0x6800  }
0x4a: {  	p0 =	sne.s32 s18, $0x4;
	[sflag:s10] =	ssyncset.done $0x0  }
.Ltmp2:
0x4b: {  	s19 =	sadd.s32 s7, s19;
	[sflag:s10] =	ssyncadd.s32 $0xFFFF9800;
	(pc) =	sbr.rel @p0 .LBB2_2-.Ltmp2, $4  }
0x4c: {  	[hbm4b:s19+s1] =	stream.linear.scatter [tilespmem:s16], [sflag:$0x3], $0x680, $0x38;
	[tilespmem:$0xEA00] =	vst v63  }
0x4d: {  	_ =	swait.ge [sflag:s10], $0x680  }
0x4e: {  	[sflag:s10] =	ssyncset.done $0x0  }
0x4f: {  	[sflag:s10] =	ssyncadd.s32 $0xFFFFF980  }
0x50: {  	s17 =	sadd.s32 $0x1, s17  }
0x51: {  	p0 =	sne.s32 s17, s9  }
.Ltmp3:
0x52: {  	_ = 	snop;
	(pc) =	sbr.rel @p0 .LBB2_1-.Ltmp3, $1  }
0x53: {  	_ =	sdelay $0x3  }
0x54: {  	_ =	sfence.sel $0x180000  }
0x55: {  	[bflag:$0x0] =	sbarrier.arrive $0xFFFF  }
0x56: {  	p0 =	sne.s32 s2, $0x0;
	_ =	strace $0x9000004D  }
0x57: {  	s0 =	sadd.s32 @!p0 $0x100000, s0;
	[bflag:$0x2] =	sbarrier.arrive $0xFFFF  }
0x58: {  	[sflag:s0] =	ssyncadd.tile.s32 @!p0 $0x1;
	_ =	shalt  }
.Lfunc_end2:
_tile_overlayer_lowered:
.L_overlay_start_2:
0x59: {  	(tag) =	ssettag $0x2  }
0x5a: {  	s0 =	rddreg [dreg:$0x0];
	s2 =	stileid.u32  }
0x5b: {  	s1 =	rddreg [dreg:$0x1];
	p0 =	sne.s32 s2, $0x0  }
0x5c: {  	s3 =	rddreg [dreg:$0x2];
	[bflag:$0x3] =	sbarrier.arrive $0xFFFF;
	s2 =	simm.s32 @!p0 $0x1C03  }
0x5d: {  	[timem:s3], [sflag:s2] =	dma.local @!p0 [hbm:s0], s1  }
0x5e: {  	s0 =	simm.s32 @!p0 $0x3  }
0x5f: {  	_ =	swait.ge @!p0 [sflag:s0], s1  }
0x60: {  	s1 =	ssub.s32 @!p0 $0x0, s1;
	[sflag:s0] =	ssyncset.done @!p0 $0x0  }
0x61: {  	[sflag:s0] =	ssyncadd.s32 @!p0 s1  }
0x62: {  	[bflag:$0x3] =	sbarrier.arrive $0xFFFF  }
0x63: {  	_ =	shalt  }

// kernel: kernel.7.cloned.1.call-start
scs
__scs_entry_jumppad:
0x0: {  	(pc) =	sbr.rel $0x88, $3  }
0x1: {  	(tag) =	ssettag $0x0;
	lr =	simm.s32 $0x1  }
0x2: {  	[smem:$0x3F8D] =	sst lr;
	_ =	strace $0xD0000000  }
0x3: {  	_ = 	snop  }
0x4: {  	_ = 	snop  }
0x5: {  	_ = 	snop  }
0x6: {  	_ = 	snop  }
0x7: {  	_ = 	snop  }
__scs_overlays_trampoline_lowered:
0x8: {  	[smem:$0x3F9C] =	sst s0  }
0x9: {  	[smem:$0x3F9D] =	sst s1  }
0xa: {  	[smem:$0x3F9E] =	sst s2  }
0xb: {  	[smem:$0x3F9F] =	sst s3  }
0xc: {  	[smem:$0x3FA0] =	sst s4  }
0xd: {  	[smem:$0x3FA1] =	sst s5  }
0xe: {  	[smem:$0x3FA2] =	sst s6  }
0xf: {  	[smem:$0x3FA3] =	sst s7  }
0x10: {  	[smem:$0x3FA4] =	sst s8  }
0x11: {  	[smem:$0x3FA5] =	sst s9;
	s0 =	simm.s32 @!p0 $0x0  }
0x12: {  	s1 =	sld [smem:$0x3F8B];
	s0 =	simm.s32 @p0 $0x1  }
0x13: {  	[smem:$0x3FA6] =	sst s0;
	s0 =	simm.s32 @!p1 $0x0  }
0x14: {  	s2 =	sld [smem:$0x3F8A];
	s0 =	simm.s32 @p1 $0x1  }
0x15: {  	[smem:$0x3FA7] =	sst s0;
	s0 =	simm.s32 @!p2 $0x0  }
0x16: {  	s3 =	sld [smem:$0x3FDB];
	s0 =	simm.s32 @p2 $0x1  }
0x17: {  	s4 =	simm.s32 $0x1BF5;
	[smem:$0x3FA9] =	sst s0  }
0x18: {  	s0 =	sld [smem:$0x3F8C];
	_ =	swait.ge [sflag:s4], $0x0  }
0x19: {  	s7 =	sld [smem:$0x3F8D]  }
0x1a: {  	s8 =	sadd.s32 $0xFFFFE003, lr  }
0x1b: {  	s9 =	sadd.s32 $0xFFFFFEF7, lr;
	s5 =	simm.s32 $0xFFFFFFFF;
	p2 =	slt.u32 s8, $0xFFFFF086  }
0x1c: {  	p1 =	slt.u32 s9, $0xF7A;
	s5 =	simm.s32 @!p2 $0x0  }
0x1d: {  	s5 =	simm.s32 @p1 $0x1;
	p0 =	seq.s32 s7, s2  }
0x1e: {  	s7 =	smul.u32 @!p0 $0xF7A, s2;
	p2 =	seq.s32 @!p0 s5, $0x0  }
0x1f: {  	s9 =	smul.u32 $0xF7A, s1;
	s8 =	simm.s32 @!p0 $0x1BF5;
	p2 =	por !p2, p0  }
0x20: {  	[sflag:s8] =	ssyncset.s32 @!p0 $0xFFFFF086;
	s6 =	sadd.s32 @!p0 s3, s7;
	s7 =	simm.s32 @!p0 $0x108  }
0x21: {  	s3 =	sadd.s32 s3, s9;
	s6 =	sadd.s32 @!p0 $0x88, s6;
	s7 =	simm.s32 @p2 $0x1082  }
0x22: {  	[simem:s7], [sflag:s8] =	dma.local @!p0 [hbm:s6], $0xF7A  }
0x23: {  	s9 =	sor.u32 $0xD0000000, s2;
	s6 =	simm.s32 $0x108;
	_ =	swait.ge @!p0 [sflag:s8], $0x0  }
0x24: {  	s3 =	sadd.s32 $0x88, s3;
	s6 =	simm.s32 @!p1 $0x1082;
	[sflag:s4] =	ssyncset.s32 $0xFFFFF086  }
0x25: {  	[simem:s6], [sflag:s4] =	dma.local [hbm:s3], $0xF7A  }
0x26: {  	[smem:$0x3F8D] =	sst s1;
	(tag) =	ssettag s2;
	_ =	strace s9  }
0x27: {  	s1 =	sld [smem:$0x3F9D]  }
0x28: {  	s2 =	sld [smem:$0x3F9E]  }
0x29: {  	s4 =	sld [smem:$0x3FA0]  }
0x2a: {  	p0 =	seq.s32 s5, $0x0;
	s5 =	sld [smem:$0x3FA1]  }
0x2b: {  	s6 =	sld [smem:$0x3FA2]  }
0x2c: {  	s7 =	sld [smem:$0x3FA3]  }
0x2d: {  	s3 =	simm.s32 $0x108;
	s8 =	sld [smem:$0x3FA4]  }
0x2e: {  	s3 =	simm.s32 @!p0 $0x1082;
	s9 =	sld [smem:$0x3FA5]  }
0x2f: {  	lr =	sadd.s32 s0, s3;
	s0 =	sld [smem:$0x3F9C]  }
0x30: {  	s3 =	sld [smem:$0x3F9F]  }
0x31: {  	[smem:$0x3FA8] =	sst s10  }
0x32: {  	s10 =	sld [smem:$0x3FA6];
	_ =	sdelay $0x3  }
0x33: {  	p0 =	seq.s32 s10, $0x1;
	s10 =	sld [smem:$0x3FA8];
	_ =	sdelay $0x3  }
0x34: {  	[smem:$0x3FA8] =	sst s10  }
0x35: {  	s10 =	sld [smem:$0x3FA7];
	_ =	sdelay $0x3  }
0x36: {  	p1 =	seq.s32 s10, $0x1;
	s10 =	sld [smem:$0x3FA8];
	_ =	sdelay $0x3  }
0x37: {  	[smem:$0x3FA8] =	sst s10  }
0x38: {  	s10 =	sld [smem:$0x3FA9]  }
0x39: {  	_ = 	snop;
	(pc) =	sbr.ind lr, $3  }
0x3a: {  	_ = 	snop  }
0x3b: {  	_ = 	snop  }
0x3c: {  	p2 =	seq.s32 s10, $0x1;
	s10 =	sld [smem:$0x3FA8]  }
0x3d: {  	_ =	shalt  }
0x3e: {  	_ =	shalt  }
0x3f: {  	_ =	shalt  }
0x40: {  	_ =	shalt  }
0x41: {  	_ =	shalt  }
0x42: {  	_ =	shalt  }
0x43: {  	_ =	shalt  }
0x44: {  	_ =	shalt  }
0x45: {  	_ =	shalt  }
0x46: {  	_ =	shalt  }
0x47: {  	_ =	shalt  }
0x48: {  	_ =	shalt  }
0x49: {  	_ =	shalt  }
0x4a: {  	_ =	shalt  }
0x4b: {  	_ =	shalt  }
0x4c: {  	_ =	shalt  }
0x4d: {  	_ =	shalt  }
0x4e: {  	_ =	shalt  }
0x4f: {  	_ =	shalt  }
0x50: {  	_ =	shalt  }
0x51: {  	_ =	shalt  }
0x52: {  	_ =	shalt  }
0x53: {  	_ =	shalt  }
0x54: {  	_ =	shalt  }
0x55: {  	_ =	shalt  }
0x56: {  	_ =	shalt  }
0x57: {  	_ =	shalt  }
0x58: {  	_ =	shalt  }
0x59: {  	_ =	shalt  }
0x5a: {  	_ =	shalt  }
0x5b: {  	_ =	shalt  }
0x5c: {  	_ =	shalt  }
0x5d: {  	_ =	shalt  }
0x5e: {  	_ =	shalt  }
0x5f: {  	_ =	shalt  }
0x60: {  	_ =	shalt  }
0x61: {  	_ =	shalt  }
0x62: {  	_ =	shalt  }
0x63: {  	_ =	shalt  }
0x64: {  	_ =	shalt  }
0x65: {  	_ =	shalt  }
0x66: {  	_ =	shalt  }
0x67: {  	_ =	shalt  }
0x68: {  	_ =	shalt  }
0x69: {  	_ =	shalt  }
0x6a: {  	_ =	shalt  }
0x6b: {  	_ =	shalt  }
0x6c: {  	_ =	shalt  }
0x6d: {  	_ =	shalt  }
0x6e: {  	_ =	shalt  }
0x6f: {  	_ =	shalt  }
0x70: {  	_ =	shalt  }
0x71: {  	_ =	shalt  }
0x72: {  	_ =	shalt  }
0x73: {  	_ =	shalt  }
0x74: {  	_ =	shalt  }
0x75: {  	_ =	shalt  }
0x76: {  	_ =	shalt  }
0x77: {  	_ =	shalt  }
0x78: {  	_ =	shalt  }
0x79: {  	_ =	shalt  }
0x7a: {  	_ =	shalt  }
0x7b: {  	_ =	shalt  }
0x7c: {  	_ =	shalt  }
0x7d: {  	_ =	shalt  }
0x7e: {  	_ =	shalt  }
0x7f: {  	_ =	shalt  }
0x80: {  	_ =	shalt  }
0x81: {  	_ =	shalt  }
0x82: {  	_ =	shalt  }
0x83: {  	_ =	shalt  }
0x84: {  	_ =	shalt  }
0x85: {  	_ =	shalt  }
0x86: {  	_ =	shalt  }
0x87: {  	_ =	shalt  }
.Lfunc_end0:
.L_simem_size_0:
called_computation_lowered:
.L_overlay_start_0:
0x88: {  	s2 =	sld [smem:$0x3FD9]  }
0x89: {  	s3 =	sld [smem:$0x3FFE];
	_ =	sdelay $0x1  }
0x8a: {  	s1 =	srdreg.scid  }
0x8b: {  	s0 =	sand.u32 $0x1, s1  }
0x8c: {  	s17 =	sshll.u32 s0, $0xA;
	s2 =	sadd.s32 s3, s2  }
0x8d: {  	s2 =	sadd.s32 s2, s17  }
0x8e: {  	[smem:$0x3FB4] =	sst s2  }
0x8f: {  	_ = 	snop  }
0x90: {  	s2 =	sld [smem:$0x3FC8];
	(tm) =	ssettm $0x1  }
0x91: {  	s18 =	sld [smem:$0x3FFB];
	_ =	sdelay $0x3  }
0x92: {  	_ =	strace s18  }
0x93: {  	s3 =	sld [smem:$0x3FFC];
	_ =	sdelay $0x3  }
0x94: {  	_ =	strace s3  }
0x95: {  	s3 =	sld [smem:$0x3FFD];
	_ =	sdelay $0x3  }
0x96: {  	_ =	strace s3  }
0x97: {  	_ =	strace $0x8FFFFFFF  }
0x98: {  	s19 =	sld [smem:$0x3FDB];
	_ =	sdelay $0x1  }
0x99: {  	s4 =	simm.s32 $_scs_section_size  }
0x9a: {  	s5 =	simm.s32 $_size__tile_overlayer_lowered;
	s6 =	simm.s32 $_tile_overlayer_lowered  }
0x9b: {  	s22 =	simm.s32 $0x1BFF;
	s21 =	sshll.u32 s6, $0x1;
	s3 =	sadd.s32 s4, s19  }
0x9c: {  	s7 =	simm.s32 $0x0;
	s20 =	sshll.u32 s5, $0x1;
	s5 =	sadd.s32 s21, s3  }
0x9d: {  	[timem:s7], [sflag:s22] =	dma.local [hbm:s5], s20  }
0x9e: {  	_ =	swait.ge [sflag:s22], s20  }
0x9f: {  	s4 =	ssub.s32 $0x0, s20;
	[sflag:s22] =	ssyncset.done $0x0  }
0xa0: {  	[sflag:s22] =	ssyncadd.s32 s4;
	_ =	sdelay $0x1  }
0xa1: {  	s23 =	simm.s32 $0x1B8B  }
0xa2: {  	_ =	swait.ge [sflag:s23], $0x1  }
0xa3: {  	[sflag:s23] =	ssyncset.done $0x0  }
0xa4: {  	s25 =	simm.s32 $0x1B8E;
	s24 =	sld [smem:$0x3FFE];
	[sflag:s23] =	ssyncadd.s32 $0xFFFFFFFF  }
0xa5: {  	s26 =	simm.s32 $execute0_lowered;
	[smem:$0x3FD2] =	sst s25  }
0xa6: {  	s5 =	sshll.u32 s26, $0x1;
	_ =	strace $0x80000046;
	[dreg:$0x1] =	wrdreg $0xFFFFFFFF  }
0xa7: {  	s28 =	simm.s32 $_size_execute0_lowered;
	s3 =	sadd.s32 s3, s5;
	[dreg:$0x0] =	wrdreg $0x0  }
0xa8: {  	s5 =	sshll.u32 s28, $0x1;
	[dreg:$0x2] =	wrdreg s3  }
0xa9: {  	[dreg:$0x3] =	wrdreg s5  }
0xaa: {  	[dreg:$0x4] =	wrdreg $0xC0  }
0xab: {  	_ =	task [dreg:s7], $0x5FFFF  }
0xac: {  	[dreg:$0x1] =	wrdreg $0xFFFFFFFF  }
0xad: {  	[dreg:$0x0] =	wrdreg $0x60  }
0xae: {  	[dreg:$0x2] =	wrdreg s2  }
0xaf: {  	[dreg:$0x3] =	wrdreg s24  }
0xb0: {  	[dreg:$0x4] =	wrdreg $0x9  }
0xb1: {  	_ =	task.clear_ibuf [dreg:s7], $0x5FFFF;
	_ =	strace $0x90000046  }
0xb2: {  	s29 =	simm.s32 $0x9;
	_ =	strace $0x80000048  }
0xb3: {  	_ =	swait.ge [sflag:s29], $0x1  }
0xb4: {  	[sflag:s29] =	ssyncadd.s32 $0xFFFFFFFF  }
0xb5: {  	_ =	strace $0x90000048  }
0xb6: {  	_ =	sfence  }
0xb7: {  	s30 =	sld [smem:$0x0];
	_ =	sdelay $0x2  }
0xb8: {  	s31 =	sshll.u32 s1, $0xD;
	s1 =	sshrl.u32 s1, $0x2  }
0xb9: {  	s3 =	sand.u32 $0x4000, s31;
	s1 =	sadd.s32 s1, s30  }
0xba: {  	s0 =	sor.u32 s3, s0;
	s1 =	sshll.u32 s1, $0x11  }
0xbb: {  	s0 =	sor.u32 s1, s0  }
0xbc: {  	s0 =	sadd.s32 $0x8F2B, s0  }
0xbd: {  	[sflag:s0] =	ssyncadd.remote.s32 $0x1  }
0xbe: {  	_ =	sfence.sel $0xFFFF  }
0xbf: {  	[dreg:$0x0] =	wrdreg $0xFFFFFFFF;
	(pc) =	sbr.abs _section_cstart, $3  }
0xc0: {  	[dreg:$0x1] =	wrdreg $0xFFFFFFFF  }
0xc1: {  	_ =	task.clear_ibuf [dreg:s7], $0x2FFFF;
	_ =	strace $0x9FFFFFFF  }
0xc2: {  	(tm) =	ssettm $0x7FFFFFFF  }
0xc3: {  	_ =	shalt  }
tec
execute0_lowered:
.L_overlay_start_1:
0x0: {  	(tag) =	ssettag $0x1  }
0x1: {  	s2 =	rddreg [dreg:$0x0];
	s0 =	srdreg.scid  }
0x2: {  	s7 =	stileid.u32;
	s1 =	rddreg [dreg:$0x1];
	s31 =	simm.s32 $0x0  }
0x3: {  	s15 =	simm.s32 $0x4000;
	s16 =	simm.s32 $0x2;
	s17 =	simm.s32 $0x6000  }
0x4: {  	s0 =	sand.u32 $0x1, s0;
	s3 =	sshll.u32 s7, $0x1;
	[smem:$0x7FF] =	sst s31  }
0x5: {  	s6 =	sadd.s32 $0x4200, s1;
	p0 =	sgt.u32 s7, $0xA;
	s4 =	sor.u32 s0, s3  }
.Ltmp0:
0x6: {  	s0 =	ssub.s32 $0x2, s0;
	s3 =	sshll.u32 s4, $0x9;
	(pc) =	sbr.rel .LBB2_1-.Ltmp0, $4  }
0x7: {  	_ =	strace $0x80000047;
	s5 =	sshrl.u32 s0, $0x1;
	s3 =	sadd.s32 s2, s3  }
0x8: {  	s0 =	ssub.s32 s0, s5;
	[dreg:$0x3] =	wrdreg s3;
	s30 =	sadd.s32 $0x4000, s3  }
0x9: {  	v0 =	vlaneseq.u32;
	s8 =	sor.u32 $0x40, s4;
	s0 =	smax.u32 s0, $0x1;
	[dreg:$0x4] =	wrdreg s30  }
0xa: {  	v0 =	vmul.u32 $0x10, v0;
	s9 =	sor.u32 $0x60, s4;
	s3 =	simm.s32 $0x0;
	[dreg:$0x5] =	wrdreg s0  }
.LBB2_11:
0xb: {  	s0 =	simm.s32 @!p0 $0x3  }
0xc: {  	_ =	swait.ge @!p0 [sflag:s0], $0x2000  }
0xd: {  	s3 =	rddreg [dreg:$0x6]  }
0xe: {  	s1 =	rddreg [dreg:$0x5];
	s3 =	sadd.s32 $0x1, s3  }
0xf: {  	p1 =	sne.s32 s3, s1  }
.Ltmp1:
0x10: {  	_ = 	snop;
	(pc) =	sbr.rel @!p1 .LBB2_12-.Ltmp1, $3  }
0x11: {  	_ =	sdelay $0x1  }
0x12: {  	[sflag:s0] =	ssyncset.done @!p0 $0x0  }
0x13: {  	[sflag:s0] =	ssyncadd.s32 @!p0 $0xFFFFE000  }
.LBB2_1:
.Ltmp2:
0x14: {  	[dreg:$0x6] =	wrdreg s3;
	(pc) =	sbr.rel .LBB2_2-.Ltmp2, $4  }
0x15: {  	s0 =	rddreg [dreg:$0x3];
	s1 =	simm.s32 $0x1000;
	s29 =	simm.s32 $0x13D6400  }
0x16: {  	[tilespmem:s31], [sflag:$0x1] =	stream.strided.gather [hbm4b:s0+s1], $0x2000, s29, s1, $0x38;
	[tilespmem:$0x8000] =	vst v63  }
0x17: {  	s30 =	rddreg [dreg:$0x4];
	s5 =	simm.s32 $0x2000;
	s19 =	simm.s32 $0x0  }
0x18: {  	[tilespmem:s5], [sflag:$0x2] =	stream.strided.gather [hbm4b:s30+s1], $0x2000, s29, s1, $0x38;
	[tilespmem:$0x8000] =	vst v63  }
.LBB2_10:
0x19: {  	s19 =	sadd.s32 $0x1, s19  }
0x1a: {  	p1 =	sne.s32 s19, $0x50  }
.Ltmp3:
0x1b: {  	_ = 	snop;
	(pc) =	sbr.rel @!p1 .LBB2_11-.Ltmp3, $1  }
0x1c: {  	_ =	sdelay $0x3  }
.LBB2_2:
0x1d: {  	s20 =	sshll.u32 s19, $0x6  }
0x1e: {  	s1 =	sshll.u32 s19, $0x1;
	s0 =	sadd.s32 s8, s20  }
0x1f: {  	s30 =	sadd.s32 $0xFFFFFFFE, s1;
	s21 =	sor.u32 s4, s20;
	p1 =	sgt.u32 s0, $0x13D5  }
0x20: {  	p2 =	sgt.u32 s21, $0x13D5;
	s0 =	sshll.u32 @!p1 s0, $0x9;
	s3 =	simm.s32 @!p1 $0x1000  }
0x21: {  	s5 =	simm.s32 @!p1 $0x13D6400;
	s7 =	simm.s32 @!p1 $0x0;
	s0 =	sadd.s32 @!p1 s2, s0  }
0x22: {  	[tilespmem:s7], [sflag:$0x1] =	stream.strided.gather @!p1 [hbm4b:s0+s3], $0x2000, s5, s3, $0x38;
	[tilespmem:$0x8000] =	vst v63  }
.Ltmp4:
0x23: {  	p1 =	sgt.u32 s30, $0x9F;
	(pc) =	sbr.rel @p2 .LBB2_6-.Ltmp4, $4  }
0x24: {  	s0 =	simm.s32 @!p1 $0x3  }
0x25: {  	_ =	swait.ge @!p1 [sflag:s0], $0x2000  }
0x26: {  	[sflag:s0] =	ssyncset.done @!p1 $0x0  }
0x27: {  	[sflag:s0] =	ssyncadd.s32 @!p1 $0xFFFFE000  }
0x28: {  	s1 =	simm.s32 $0x1  }
0x29: {  	s22 =	simm.s32 $0x0;
	s0 =	simm.s32 $0x0;
	_ =	swait.ge [sflag:s1], $0x2000  }
0x2a: {  	s23 =	sand.u32 $0x60, s22;
	s5 =	sand.u32 $0xC00, s0;
	[sflag:s1] =	ssyncset.done $0x0  }
0x2b: {  	s24 =	sor.u32 s23, s5;
	[sflag:s1] =	ssyncadd.s32 $0xFFFFE000  }
0x2c: {  	v2 =	vor.u32 s22, v0;
	v1 =	vld [tilespmem:s24+$0x0];
	_ =	sdelay $0x4  }
0x2d: {  	s3 =	simm.s32 $0x1;
	[tilespmem:v2+s15+$0x0] =	vst.idx.msk $0xffff, v1  }
0x2e: {  	v2 =	vor.u32 s3, v0;
	v1 =	vld [tilespmem:s24+$0x80];
	_ =	sdelay $0x4  }
0x2f: {  	s25 =	simm.s32 $0x2;
	[tilespmem:v2+s15+$0x0] =	vst.idx.msk $0xffff, v1  }
0x30: {  	v2 =	vor.u32 s25, v0;
	v1 =	vld [tilespmem:s24+$0x100];
	_ =	sdelay $0x4  }
0x31: {  	s26 =	simm.s32 $0x3;
	[tilespmem:v2+s15+$0x0] =	vst.idx.msk $0xffff, v1  }
0x32: {  	v2 =	vor.u32 s26, v0;
	v1 =	vld [tilespmem:s24+$0x180];
	_ =	sdelay $0x4  }
0x33: {  	s31 =	simm.s32 $0x4;
	[tilespmem:v2+s15+$0x0] =	vst.idx.msk $0xffff, v1  }
0x34: {  	v2 =	vor.u32 s31, v0;
	v1 =	vld [tilespmem:s24+$0x200];
	_ =	sdelay $0x4  }
0x35: {  	s7 =	simm.s32 $0x5;
	[tilespmem:v2+s15+$0x0] =	vst.idx.msk $0xffff, v1  }
0x36: {  	v2 =	vor.u32 s7, v0;
	v1 =	vld [tilespmem:s24+$0x280];
	_ =	sdelay $0x1  }
0x37: {  	s10 =	sand.u32 $0x3, s22  }
0x38: {  	s1 =	sshll.u32 s10, $0x5  }
0x39: {  	s1 =	sadd.s32 $0x0, s1  }
0x3a: {  	s11 =	simm.s32 $0x6;
	s1 =	sor.u32 $0x300, s1;
	[tilespmem:v2+s15+$0x0] =	vst.idx.msk $0xffff, v1  }
0x3b: {  	v2 =	vor.u32 s11, v0;
	v1 =	vld [tilespmem:s1+$0x0];
	_ =	sdelay $0x3  }
0x3c: {  	s12 =	sor.u32 s22, s0  }
0x3d: {  	s13 =	simm.s32 $0x7;
	s1 =	sor.u32 $0x380, s12;
	[tilespmem:v2+s15+$0x0] =	vst.idx.msk $0xffff, v1  }
0x3e: {  	v2 =	vor.u32 s13, v0;
	v1 =	vld [tilespmem:s1+$0x0];
	_ =	sdelay $0x3  }
0x3f: {  	s1 =	sor.u32 $0x1000, s5  }
0x40: {  	s7 =	simm.s32 $0x8;
	s14 =	sor.u32 s23, s1;
	[tilespmem:v2+s15+$0x0] =	vst.idx.msk $0xffff, v1  }
0x41: {  	v2 =	vor.u32 s7, v0;
	v1 =	vld [tilespmem:s14+$0x0];
	_ =	sdelay $0x3  }
0x42: {  	s7 =	sor.u32 $0x1080, s5  }
0x43: {  	s10 =	simm.s32 $0x9;
	s18 =	sor.u32 s23, s7;
	[tilespmem:v2+s15+$0x0] =	vst.idx.msk $0xffff, v1  }
0x44: {  	v2 =	vor.u32 s10, v0;
	v1 =	vld [tilespmem:s18+$0x0];
	_ =	sdelay $0x3  }
0x45: {  	s10 =	sor.u32 $0x1100, s5  }
0x46: {  	s11 =	simm.s32 $0xA;
	s24 =	sor.u32 s23, s10;
	[tilespmem:v2+s15+$0x0] =	vst.idx.msk $0xffff, v1  }
0x47: {  	v2 =	vor.u32 s11, v0;
	v1 =	vld [tilespmem:s24+$0x0];
	_ =	sdelay $0x3  }
0x48: {  	s11 =	sor.u32 $0x1180, s5  }
0x49: {  	s12 =	simm.s32 $0xB;
	s25 =	sor.u32 s23, s11;
	[tilespmem:v2+s15+$0x0] =	vst.idx.msk $0xffff, v1  }
0x4a: {  	v2 =	vor.u32 s12, v0;
	v1 =	vld [tilespmem:s25+$0x0];
	_ =	sdelay $0x3  }
0x4b: {  	s12 =	sor.u32 $0x1200, s5  }
0x4c: {  	s13 =	simm.s32 $0xC;
	s26 =	sor.u32 s23, s12;
	[tilespmem:v2+s15+$0x0] =	vst.idx.msk $0xffff, v1  }
0x4d: {  	v2 =	vor.u32 s13, v0;
	v1 =	vld [tilespmem:s26+$0x0];
	_ =	sdelay $0x3  }
0x4e: {  	s13 =	sor.u32 $0x1280, s5  }
0x4f: {  	s18 =	simm.s32 $0xD;
	s31 =	sor.u32 s23, s13;
	[tilespmem:v2+s15+$0x0] =	vst.idx.msk $0xffff, v1  }
0x50: {  	v2 =	vor.u32 s18, v0;
	v1 =	vld [tilespmem:s31+$0x0];
	_ =	sdelay $0x3  }
0x51: {  	s18 =	sor.u32 $0x1300, s5  }
0x52: {  	s24 =	simm.s32 $0xE;
	s14 =	sor.u32 s23, s18;
	[tilespmem:v2+s15+$0x0] =	vst.idx.msk $0xffff, v1  }
0x53: {  	v2 =	vor.u32 s24, v0;
	v1 =	vld [tilespmem:s14+$0x0];
	_ =	sdelay $0x3  }
0x54: {  	s24 =	sor.u32 $0x1380, s5  }
0x55: {  	s26 =	simm.s32 $0xF;
	s25 =	sor.u32 s23, s24;
	[tilespmem:v2+s15+$0x0] =	vst.idx.msk $0xffff, v1  }
0x56: {  	v2 =	vor.u32 s26, v0;
	v1 =	vld [tilespmem:s25+$0x0];
	_ =	sdelay $0x2  }
0x57: {  	s23 =	simm.s32 $0x10  }
0x58: {  	s3 =	sand.u32 $0x70, s23  }
0x59: {  	s5 =	sor.u32 s3, s5;
	s25 =	simm.s32 $0x100;
	[tilespmem:v2+s15+$0x0] =	vst.idx.msk $0xffff, v1  }
0x5a: {  	v2 =	vor.u32 s25, v0;
	v1 =	vld [tilespmem:s5+$0x0];
	_ =	sdelay $0x4  }
0x5b: {  	s31 =	simm.s32 $0x101;
	[tilespmem:v2+s15+$0x0] =	vst.idx.msk $0xffff, v1  }
0x5c: {  	v2 =	vor.u32 s31, v0;
	v1 =	vld [tilespmem:s5+$0x80];
	_ =	sdelay $0x4  }
0x5d: {  	s14 =	simm.s32 $0x102;
	[tilespmem:v2+s15+$0x0] =	vst.idx.msk $0xffff, v1  }
0x5e: {  	v2 =	vor.u32 s14, v0;
	v1 =	vld [tilespmem:s5+$0x100];
	_ =	sdelay $0x4  }
0x5f: {  	s26 =	simm.s32 $0x103;
	[tilespmem:v2+s15+$0x0] =	vst.idx.msk $0xffff, v1  }
0x60: {  	v2 =	vor.u32 s26, v0;
	v1 =	vld [tilespmem:s5+$0x180];
	_ =	sdelay $0x4  }
0x61: {  	s31 =	simm.s32 $0x104;
	[tilespmem:v2+s15+$0x0] =	vst.idx.msk $0xffff, v1  }
0x62: {  	v2 =	vor.u32 s31, v0;
	v1 =	vld [tilespmem:s5+$0x200];
	_ =	sdelay $0x4  }
0x63: {  	s14 =	simm.s32 $0x105;
	[tilespmem:v2+s15+$0x0] =	vst.idx.msk $0xffff, v1  }
0x64: {  	v2 =	vor.u32 s14, v0;
	v1 =	vld [tilespmem:s5+$0x280]  }
0x65: {  	s26 =	sand.u32 $0x7, s22  }
0x66: {  	s5 =	sshll.u32 s26, $0x4  }
0x67: {  	s5 =	sadd.s32 $0x0, s5  }
0x68: {  	s5 =	sadd.s32 $0x10, s5  }
0x69: {  	s31 =	simm.s32 $0x106;
	s5 =	sor.u32 $0x300, s5;
	[tilespmem:v2+s15+$0x0] =	vst.idx.msk $0xffff, v1  }
0x6a: {  	v2 =	vor.u32 s31, v0;
	v1 =	vld [tilespmem:s5+$0x0];
	_ =	sdelay $0x3  }
0x6b: {  	s0 =	sor.u32 s23, s0  }
0x6c: {  	s0 =	sor.u32 $0x380, s0;
	s14 =	simm.s32 $0x107;
	[tilespmem:v2+s15+$0x0] =	vst.idx.msk $0xffff, v1  }
0x6d: {  	v2 =	vor.u32 s14, v0;
	v1 =	vld [tilespmem:s0+$0x0];
	_ =	sdelay $0x4  }
0x6e: {  	s23 =	sor.u32 s3, s1;
	s25 =	simm.s32 $0x108;
	[tilespmem:v2+s15+$0x0] =	vst.idx.msk $0xffff, v1  }
0x6f: {  	v2 =	vor.u32 s25, v0;
	v1 =	vld [tilespmem:s23+$0x0];
	_ =	sdelay $0x4  }
0x70: {  	s26 =	sor.u32 s3, s7;
	s31 =	simm.s32 $0x109;
	[tilespmem:v2+s15+$0x0] =	vst.idx.msk $0xffff, v1  }
0x71: {  	v2 =	vor.u32 s31, v0;
	v1 =	vld [tilespmem:s26+$0x0];
	_ =	sdelay $0x4  }
0x72: {  	s1 =	sor.u32 s3, s10;
	s5 =	simm.s32 $0x10A;
	[tilespmem:v2+s15+$0x0] =	vst.idx.msk $0xffff, v1  }
0x73: {  	v2 =	vor.u32 s5, v0;
	v1 =	vld [tilespmem:s1+$0x0];
	_ =	sdelay $0x4  }
0x74: {  	s10 =	simm.s32 $0x10B;
	s7 =	sor.u32 s3, s11;
	[tilespmem:v2+s15+$0x0] =	vst.idx.msk $0xffff, v1  }
0x75: {  	v2 =	vor.u32 s10, v0;
	v1 =	vld [tilespmem:s7+$0x0];
	_ =	sdelay $0x4  }
0x76: {  	s11 =	sor.u32 s3, s12;
	s12 =	simm.s32 $0x10C;
	[tilespmem:v2+s15+$0x0] =	vst.idx.msk $0xffff, v1  }
0x77: {  	v2 =	vor.u32 s12, v0;
	v1 =	vld [tilespmem:s11+$0x0];
	_ =	sdelay $0x4  }
0x78: {  	s13 =	sor.u32 s3, s13;
	s14 =	simm.s32 $0x10D;
	[tilespmem:v2+s15+$0x0] =	vst.idx.msk $0xffff, v1  }
0x79: {  	v2 =	vor.u32 s14, v0;
	v1 =	vld [tilespmem:s13+$0x0];
	_ =	sdelay $0x4  }
0x7a: {  	s18 =	sor.u32 s3, s18;
	s23 =	simm.s32 $0x10E;
	[tilespmem:v2+s15+$0x0] =	vst.idx.msk $0xffff, v1  }
0x7b: {  	v2 =	vor.u32 s23, v0;
	v1 =	vld [tilespmem:s18+$0x0];
	_ =	sdelay $0x4  }
0x7c: {  	s25 =	sor.u32 s3, s24;
	s31 =	simm.s32 $0x10F;
	[tilespmem:v2+s15+$0x0] =	vst.idx.msk $0xffff, v1  }
0x7d: {  	v2 =	vor.u32 s31, v0;
	v1 =	vld [tilespmem:s25+$0x0]  }
0x7e: {  	s29 =	simm.s32 $0xFFFFF100  }
0x7f: {  	s30 =	simm.s32 $0x400;
	s28 =	simm.s32 $0x0;
	s24 =	simm.s32 $0x0  }
0x80: {  	s26 =	simm.s32 $0x100;
	s23 =	simm.s32 $0x200;
	s25 =	simm.s32 $0x20  }
.LBB2_4:
0x81: {  	p2 =	sne.s32 s30, $0x1E00;
	s18 =	sand.u32 $0x60, s25;
	s31 =	sand.u32 $0xC00, s26  }
0x82: {  	s0 =	sor.u32 s18, s31;
	[tilespmem:v2+s15+$0x0] =	vst.idx.msk $0xffff, v1  }
0x83: {  	v2 =	vor.u32 s23, v0;
	v1 =	vld [tilespmem:s0+$0x0];
	_ =	sdelay $0x4  }
0x84: {  	s1 =	sadd.s32 $0x1, s23;
	[tilespmem:v2+s15+$0x0] =	vst.idx.msk $0xffff, v1  }
0x85: {  	v2 =	vor.u32 s1, v0;
	v1 =	vld [tilespmem:s0+$0x80];
	_ =	sdelay $0x4  }
0x86: {  	s1 =	sadd.s32 $0x2, s23;
	[tilespmem:v2+s15+$0x0] =	vst.idx.msk $0xffff, v1  }
0x87: {  	v2 =	vor.u32 s1, v0;
	v1 =	vld [tilespmem:s0+$0x100];
	_ =	sdelay $0x4  }
0x88: {  	s1 =	sadd.s32 $0x3, s23;
	[tilespmem:v2+s15+$0x0] =	vst.idx.msk $0xffff, v1  }
0x89: {  	v2 =	vor.u32 s1, v0;
	v1 =	vld [tilespmem:s0+$0x180];
	_ =	sdelay $0x4  }
0x8a: {  	s1 =	sadd.s32 $0x4, s23;
	[tilespmem:v2+s15+$0x0] =	vst.idx.msk $0xffff, v1  }
0x8b: {  	v2 =	vor.u32 s1, v0;
	v1 =	vld [tilespmem:s0+$0x200];
	_ =	sdelay $0x4  }
0x8c: {  	s1 =	sadd.s32 $0x5, s23;
	[tilespmem:v2+s15+$0x0] =	vst.idx.msk $0xffff, v1  }
0x8d: {  	v2 =	vor.u32 s1, v0;
	v1 =	vld [tilespmem:s0+$0x280]  }
0x8e: {  	s22 =	sadd.s32 $0x1, s22  }
0x8f: {  	s0 =	sand.u32 $0x3, s22  }
0x90: {  	s28 =	sadd.s32 $0x100, s28;
	s0 =	sshll.u32 s0, $0x5  }
0x91: {  	s0 =	sadd.s32 s0, s28  }
0x92: {  	s1 =	sadd.s32 $0x6, s23;
	s0 =	sor.u32 $0x300, s0;
	[tilespmem:v2+s15+$0x0] =	vst.idx.msk $0xffff, v1  }
0x93: {  	v2 =	vor.u32 s1, v0;
	v1 =	vld [tilespmem:s0+$0x0];
	_ =	sdelay $0x3  }
0x94: {  	s0 =	sor.u32 s25, s26  }
0x95: {  	s1 =	sadd.s32 $0x7, s23;
	s0 =	sor.u32 $0x380, s0;
	[tilespmem:v2+s15+$0x0] =	vst.idx.msk $0xffff, v1  }
0x96: {  	v2 =	vor.u32 s1, v0;
	v1 =	vld [tilespmem:s0+$0x0];
	_ =	sdelay $0x3  }
0x97: {  	s1 =	sor.u32 $0x1000, s31  }
0x98: {  	s3 =	sadd.s32 $0x8, s23;
	s0 =	sor.u32 s18, s1;
	[tilespmem:v2+s15+$0x0] =	vst.idx.msk $0xffff, v1  }
0x99: {  	v2 =	vor.u32 s3, v0;
	v1 =	vld [tilespmem:s0+$0x0];
	_ =	sdelay $0x3  }
0x9a: {  	s0 =	sor.u32 $0x1080, s31  }
0x9b: {  	s5 =	sadd.s32 $0x9, s23;
	s3 =	sor.u32 s18, s0;
	[tilespmem:v2+s15+$0x0] =	vst.idx.msk $0xffff, v1  }
0x9c: {  	v2 =	vor.u32 s5, v0;
	v1 =	vld [tilespmem:s3+$0x0];
	_ =	sdelay $0x3  }
0x9d: {  	s13 =	sor.u32 $0x1100, s31  }
0x9e: {  	s5 =	sadd.s32 $0xA, s23;
	s3 =	sor.u32 s18, s13;
	[tilespmem:v2+s15+$0x0] =	vst.idx.msk $0xffff, v1  }
0x9f: {  	v2 =	vor.u32 s5, v0;
	v1 =	vld [tilespmem:s3+$0x0];
	_ =	sdelay $0x3  }
0xa0: {  	s11 =	sor.u32 $0x1180, s31  }
0xa1: {  	s5 =	sadd.s32 $0xB, s23;
	s3 =	sor.u32 s18, s11;
	[tilespmem:v2+s15+$0x0] =	vst.idx.msk $0xffff, v1  }
0xa2: {  	v2 =	vor.u32 s5, v0;
	v1 =	vld [tilespmem:s3+$0x0];
	_ =	sdelay $0x3  }
0xa3: {  	s12 =	sor.u32 $0x1200, s31  }
0xa4: {  	s5 =	sadd.s32 $0xC, s23;
	s3 =	sor.u32 s18, s12;
	[tilespmem:v2+s15+$0x0] =	vst.idx.msk $0xffff, v1  }
0xa5: {  	v2 =	vor.u32 s5, v0;
	v1 =	vld [tilespmem:s3+$0x0];
	_ =	sdelay $0x3  }
0xa6: {  	s7 =	sor.u32 $0x1280, s31  }
0xa7: {  	s5 =	sadd.s32 $0xD, s23;
	s3 =	sor.u32 s18, s7;
	[tilespmem:v2+s15+$0x0] =	vst.idx.msk $0xffff, v1  }
0xa8: {  	v2 =	vor.u32 s5, v0;
	v1 =	vld [tilespmem:s3+$0x0];
	_ =	sdelay $0x3  }
0xa9: {  	s10 =	sor.u32 $0x1300, s31  }
0xaa: {  	s5 =	sadd.s32 $0xE, s23;
	s3 =	sor.u32 s18, s10;
	[tilespmem:v2+s15+$0x0] =	vst.idx.msk $0xffff, v1  }
0xab: {  	v2 =	vor.u32 s5, v0;
	v1 =	vld [tilespmem:s3+$0x0];
	_ =	sdelay $0x3  }
0xac: {  	s5 =	sor.u32 $0x1380, s31  }
0xad: {  	s3 =	sor.u32 s18, s5;
	s18 =	sadd.s32 $0xF, s23;
	[tilespmem:v2+s15+$0x0] =	vst.idx.msk $0xffff, v1  }
0xae: {  	v2 =	vor.u32 s18, v0;
	v1 =	vld [tilespmem:s3+$0x0];
	_ =	sdelay $0x2  }
0xaf: {  	s3 =	sadd.s32 $0x10, s25  }
0xb0: {  	s18 =	sand.u32 $0x70, s3  }
0xb1: {  	s14 =	sadd.s32 $0x100, s23;
	s31 =	sor.u32 s18, s31;
	[tilespmem:v2+s15+$0x0] =	vst.idx.msk $0xffff, v1  }
0xb2: {  	v2 =	vor.u32 s14, v0;
	v1 =	vld [tilespmem:s31+$0x0];
	_ =	sdelay $0x4  }
0xb3: {  	s14 =	sadd.s32 $0x101, s23;
	[tilespmem:v2+s15+$0x0] =	vst.idx.msk $0xffff, v1  }
0xb4: {  	v2 =	vor.u32 s14, v0;
	v1 =	vld [tilespmem:s31+$0x80];
	_ =	sdelay $0x4  }
0xb5: {  	s14 =	sadd.s32 $0x102, s23;
	[tilespmem:v2+s15+$0x0] =	vst.idx.msk $0xffff, v1  }
0xb6: {  	v2 =	vor.u32 s14, v0;
	v1 =	vld [tilespmem:s31+$0x100];
	_ =	sdelay $0x4  }
0xb7: {  	s14 =	sadd.s32 $0x103, s23;
	[tilespmem:v2+s15+$0x0] =	vst.idx.msk $0xffff, v1  }
0xb8: {  	v2 =	vor.u32 s14, v0;
	v1 =	vld [tilespmem:s31+$0x180];
	_ =	sdelay $0x4  }
0xb9: {  	s14 =	sadd.s32 $0x104, s23;
	[tilespmem:v2+s15+$0x0] =	vst.idx.msk $0xffff, v1  }
0xba: {  	v2 =	vor.u32 s14, v0;
	v1 =	vld [tilespmem:s31+$0x200];
	_ =	sdelay $0x4  }
0xbb: {  	s14 =	sadd.s32 $0x105, s23;
	[tilespmem:v2+s15+$0x0] =	vst.idx.msk $0xffff, v1  }
0xbc: {  	s24 =	sadd.s32 $0x2, s24;
	v2 =	vor.u32 s14, v0;
	v1 =	vld [tilespmem:s31+$0x280]  }
0xbd: {  	s14 =	sand.u32 $0x7, s24  }
0xbe: {  	s14 =	sshll.u32 s14, $0x4  }
0xbf: {  	s14 =	sadd.s32 s26, s14  }
0xc0: {  	s14 =	sadd.s32 $0x10, s14  }
0xc1: {  	s31 =	sadd.s32 $0x106, s23;
	s14 =	sor.u32 $0x300, s14;
	[tilespmem:v2+s15+$0x0] =	vst.idx.msk $0xffff, v1  }
0xc2: {  	v2 =	vor.u32 s31, v0;
	v1 =	vld [tilespmem:s14+$0x0];
	_ =	sdelay $0x3  }
0xc3: {  	s3 =	sor.u32 s3, s26  }
0xc4: {  	s3 =	sor.u32 $0x380, s3;
	s14 =	sadd.s32 $0x107, s23;
	[tilespmem:v2+s15+$0x0] =	vst.idx.msk $0xffff, v1  }
0xc5: {  	v2 =	vor.u32 s14, v0;
	v1 =	vld [tilespmem:s3+$0x0];
	_ =	sdelay $0x4  }
0xc6: {  	s1 =	sor.u32 s18, s1;
	s3 =	sadd.s32 $0x108, s23;
	[tilespmem:v2+s15+$0x0] =	vst.idx.msk $0xffff, v1  }
0xc7: {  	v2 =	vor.u32 s3, v0;
	v1 =	vld [tilespmem:s1+$0x0];
	_ =	sdelay $0x4  }
0xc8: {  	s0 =	sor.u32 s18, s0;
	s1 =	sadd.s32 $0x109, s23;
	[tilespmem:v2+s15+$0x0] =	vst.idx.msk $0xffff, v1  }
0xc9: {  	v2 =	vor.u32 s1, v0;
	v1 =	vld [tilespmem:s0+$0x0];
	_ =	sdelay $0x4  }
0xca: {  	s1 =	sadd.s32 $0x10A, s23;
	s0 =	sor.u32 s18, s13;
	[tilespmem:v2+s15+$0x0] =	vst.idx.msk $0xffff, v1  }
0xcb: {  	v2 =	vor.u32 s1, v0;
	v1 =	vld [tilespmem:s0+$0x0];
	_ =	sdelay $0x4  }
0xcc: {  	s1 =	sadd.s32 $0x10B, s23;
	s0 =	sor.u32 s18, s11;
	[tilespmem:v2+s15+$0x0] =	vst.idx.msk $0xffff, v1  }
0xcd: {  	v2 =	vor.u32 s1, v0;
	v1 =	vld [tilespmem:s0+$0x0];
	_ =	sdelay $0x4  }
0xce: {  	s1 =	sadd.s32 $0x10C, s23;
	s0 =	sor.u32 s18, s12;
	[tilespmem:v2+s15+$0x0] =	vst.idx.msk $0xffff, v1  }
0xcf: {  	v2 =	vor.u32 s1, v0;
	v1 =	vld [tilespmem:s0+$0x0];
	_ =	sdelay $0x4  }
0xd0: {  	s1 =	sadd.s32 $0x10D, s23;
	s0 =	sor.u32 s18, s7;
	[tilespmem:v2+s15+$0x0] =	vst.idx.msk $0xffff, v1  }
0xd1: {  	v2 =	vor.u32 s1, v0;
	v1 =	vld [tilespmem:s0+$0x0];
	_ =	sdelay $0x4  }
0xd2: {  	s1 =	sadd.s32 $0x10E, s23;
	s0 =	sor.u32 s18, s10;
	[tilespmem:v2+s15+$0x0] =	vst.idx.msk $0xffff, v1  }
0xd3: {  	v2 =	vor.u32 s1, v0;
	v1 =	vld [tilespmem:s0+$0x0];
	_ =	sdelay $0x4  }
.Ltmp5:
0xd4: {  	s1 =	sadd.s32 $0x10F, s23;
	s0 =	sor.u32 s18, s5;
	[tilespmem:v2+s15+$0x0] =	vst.idx.msk $0xffff, v1;
	(pc) =	sbr.rel @p2 .LBB2_4-.Ltmp5, $3  }
0xd5: {  	s23 =	smov.u32 s30;
	v2 =	vor.u32 s1, v0;
	v1 =	vld [tilespmem:s0+$0x0];
	_ =	sdelay $0x1  }
0xd6: {  	s29 =	sadd.s32 $0x100, s29  }
0xd7: {  	s25 =	sadd.s32 $0x20, s25;
	s26 =	sadd.s32 $0x1000, s29;
	s30 =	sadd.s32 $0x200, s30  }
0xd8: {  	_ =	sdelay $0x2  }
0xd9: {  	s13 =	sand.u32 $0x60, s25;
	s0 =	sand.u32 $0xC00, s26  }
0xda: {  	s1 =	sor.u32 s13, s0;
	[tilespmem:v2+s15+$0x0] =	vst.idx.msk $0xffff, v1  }
0xdb: {  	v2 =	vor.u32 s23, v0;
	v1 =	vld [tilespmem:s1+$0x0];
	_ =	sdelay $0x4  }
0xdc: {  	s3 =	sadd.s32 $0x1, s23;
	[tilespmem:v2+s15+$0x0] =	vst.idx.msk $0xffff, v1  }
0xdd: {  	v2 =	vor.u32 s3, v0;
	v1 =	vld [tilespmem:s1+$0x80];
	_ =	sdelay $0x4  }
0xde: {  	s11 =	sadd.s32 $0x2, s23;
	[tilespmem:v2+s15+$0x0] =	vst.idx.msk $0xffff, v1  }
0xdf: {  	v2 =	vor.u32 s11, v0;
	v1 =	vld [tilespmem:s1+$0x100];
	_ =	sdelay $0x4  }
0xe0: {  	s12 =	sadd.s32 $0x3, s23;
	[tilespmem:v2+s15+$0x0] =	vst.idx.msk $0xffff, v1  }
0xe1: {  	v2 =	vor.u32 s12, v0;
	v1 =	vld [tilespmem:s1+$0x180];
	_ =	sdelay $0x4  }
0xe2: {  	s14 =	sadd.s32 $0x4, s23;
	[tilespmem:v2+s15+$0x0] =	vst.idx.msk $0xffff, v1  }
0xe3: {  	v2 =	vor.u32 s14, v0;
	v1 =	vld [tilespmem:s1+$0x200];
	_ =	sdelay $0x4  }
0xe4: {  	s18 =	sadd.s32 $0x5, s23;
	[tilespmem:v2+s15+$0x0] =	vst.idx.msk $0xffff, v1  }
0xe5: {  	v2 =	vor.u32 s18, v0;
	v1 =	vld [tilespmem:s1+$0x280]  }
0xe6: {  	s29 =	sadd.s32 $0x1, s22  }
0xe7: {  	s1 =	sand.u32 $0x3, s29  }
0xe8: {  	s30 =	sadd.s32 $0x100, s28;
	s1 =	sshll.u32 s1, $0x5  }
0xe9: {  	s1 =	sadd.s32 s1, s30  }
0xea: {  	s5 =	sadd.s32 $0x6, s23;
	s1 =	sor.u32 $0x300, s1;
	[tilespmem:v2+s15+$0x0] =	vst.idx.msk $0xffff, v1  }
0xeb: {  	v2 =	vor.u32 s5, v0;
	v1 =	vld [tilespmem:s1+$0x0];
	_ =	sdelay $0x3  }
0xec: {  	s7 =	sor.u32 s25, s26  }
0xed: {  	s10 =	sadd.s32 $0x7, s23;
	s1 =	sor.u32 $0x380, s7;
	[tilespmem:v2+s15+$0x0] =	vst.idx.msk $0xffff, v1  }
0xee: {  	v2 =	vor.u32 s10, v0;
	v1 =	vld [tilespmem:s1+$0x0];
	_ =	sdelay $0x3  }
0xef: {  	s1 =	sor.u32 $0x1000, s0  }
0xf0: {  	s5 =	sadd.s32 $0x8, s23;
	s11 =	sor.u32 s13, s1;
	[tilespmem:v2+s15+$0x0] =	vst.idx.msk $0xffff, v1  }
0xf1: {  	v2 =	vor.u32 s5, v0;
	v1 =	vld [tilespmem:s11+$0x0];
	_ =	sdelay $0x3  }
0xf2: {  	s5 =	sor.u32 $0x1080, s0  }
0xf3: {  	s7 =	sadd.s32 $0x9, s23;
	s12 =	sor.u32 s13, s5;
	[tilespmem:v2+s15+$0x0] =	vst.idx.msk $0xffff, v1  }
0xf4: {  	v2 =	vor.u32 s7, v0;
	v1 =	vld [tilespmem:s12+$0x0];
	_ =	sdelay $0x3  }
0xf5: {  	s7 =	sor.u32 $0x1100, s0  }
0xf6: {  	s10 =	sadd.s32 $0xA, s23;
	s14 =	sor.u32 s13, s7;
	[tilespmem:v2+s15+$0x0] =	vst.idx.msk $0xffff, v1  }
0xf7: {  	v2 =	vor.u32 s10, v0;
	v1 =	vld [tilespmem:s14+$0x0];
	_ =	sdelay $0x3  }
0xf8: {  	s10 =	sor.u32 $0x1180, s0  }
0xf9: {  	s11 =	sadd.s32 $0xB, s23;
	s18 =	sor.u32 s13, s10;
	[tilespmem:v2+s15+$0x0] =	vst.idx.msk $0xffff, v1  }
0xfa: {  	v2 =	vor.u32 s11, v0;
	v1 =	vld [tilespmem:s18+$0x0];
	_ =	sdelay $0x3  }
0xfb: {  	s11 =	sor.u32 $0x1200, s0  }
0xfc: {  	s12 =	sadd.s32 $0xC, s23;
	s22 =	sor.u32 s13, s11;
	[tilespmem:v2+s15+$0x0] =	vst.idx.msk $0xffff, v1  }
0xfd: {  	v2 =	vor.u32 s12, v0;
	v1 =	vld [tilespmem:s22+$0x0];
	_ =	sdelay $0x3  }
0xfe: {  	s12 =	sor.u32 $0x1280, s0  }
0xff: {  	s14 =	sadd.s32 $0xD, s23;
	s28 =	sor.u32 s13, s12;
	[tilespmem:v2+s15+$0x0] =	vst.idx.msk $0xffff, v1  }
0x100: {  	v2 =	vor.u32 s14, v0;
	v1 =	vld [tilespmem:s28+$0x0];
	_ =	sdelay $0x3  }
0x101: {  	s18 =	sor.u32 $0x1300, s0  }
0x102: {  	s30 =	sadd.s32 $0xE, s23;
	s29 =	sor.u32 s13, s18;
	[tilespmem:v2+s15+$0x0] =	vst.idx.msk $0xffff, v1  }
0x103: {  	v2 =	vor.u32 s30, v0;
	v1 =	vld [tilespmem:s29+$0x0];
	_ =	sdelay $0x3  }
0x104: {  	s22 =	sor.u32 $0x1380, s0  }
0x105: {  	s13 =	sor.u32 s13, s22;
	s14 =	sadd.s32 $0xF, s23;
	[tilespmem:v2+s15+$0x0] =	vst.idx.msk $0xffff, v1  }
0x106: {  	v2 =	vor.u32 s14, v0;
	v1 =	vld [tilespmem:s13+$0x0];
	_ =	sdelay $0x2  }
0x107: {  	s13 =	sadd.s32 $0x10, s25  }
0x108: {  	s3 =	sand.u32 $0x70, s13  }
0x109: {  	s25 =	sadd.s32 $0x100, s23;
	s0 =	sor.u32 s3, s0;
	[tilespmem:v2+s15+$0x0] =	vst.idx.msk $0xffff, v1  }
0x10a: {  	v2 =	vor.u32 s25, v0;
	v1 =	vld [tilespmem:s0+$0x0];
	_ =	sdelay $0x4  }
0x10b: {  	s28 =	sadd.s32 $0x101, s23;
	[tilespmem:v2+s15+$0x0] =	vst.idx.msk $0xffff, v1  }
0x10c: {  	v2 =	vor.u32 s28, v0;
	v1 =	vld [tilespmem:s0+$0x80];
	_ =	sdelay $0x4  }
0x10d: {  	s29 =	sadd.s32 $0x102, s23;
	[tilespmem:v2+s15+$0x0] =	vst.idx.msk $0xffff, v1  }
0x10e: {  	v2 =	vor.u32 s29, v0;
	v1 =	vld [tilespmem:s0+$0x100];
	_ =	sdelay $0x4  }
0x10f: {  	s30 =	sadd.s32 $0x103, s23;
	[tilespmem:v2+s15+$0x0] =	vst.idx.msk $0xffff, v1  }
0x110: {  	v2 =	vor.u32 s30, v0;
	v1 =	vld [tilespmem:s0+$0x180];
	_ =	sdelay $0x4  }
0x111: {  	s25 =	sadd.s32 $0x104, s23;
	[tilespmem:v2+s15+$0x0] =	vst.idx.msk $0xffff, v1  }
0x112: {  	v2 =	vor.u32 s25, v0;
	v1 =	vld [tilespmem:s0+$0x200];
	_ =	sdelay $0x4  }
0x113: {  	s28 =	sadd.s32 $0x105, s23;
	[tilespmem:v2+s15+$0x0] =	vst.idx.msk $0xffff, v1  }
0x114: {  	s29 =	sadd.s32 $0x2, s24;
	v2 =	vor.u32 s28, v0;
	v1 =	vld [tilespmem:s0+$0x280]  }
0x115: {  	s0 =	sand.u32 $0x7, s29  }
0x116: {  	s0 =	sshll.u32 s0, $0x4  }
0x117: {  	s0 =	sadd.s32 s26, s0  }
0x118: {  	s0 =	sadd.s32 $0x10, s0  }
0x119: {  	s30 =	sadd.s32 $0x106, s23;
	s0 =	sor.u32 $0x300, s0;
	[tilespmem:v2+s15+$0x0] =	vst.idx.msk $0xffff, v1  }
0x11a: {  	v2 =	vor.u32 s30, v0;
	v1 =	vld [tilespmem:s0+$0x0];
	_ =	sdelay $0x3  }
0x11b: {  	s24 =	sor.u32 s13, s26  }
0x11c: {  	s25 =	sadd.s32 $0x107, s23;
	s0 =	sor.u32 $0x380, s24;
	[tilespmem:v2+s15+$0x0] =	vst.idx.msk $0xffff, v1  }
0x11d: {  	v2 =	vor.u32 s25, v0;
	v1 =	vld [tilespmem:s0+$0x0];
	_ =	sdelay $0x4  }
0x11e: {  	s28 =	sadd.s32 $0x108, s23;
	s26 =	sor.u32 s3, s1;
	[tilespmem:v2+s15+$0x0] =	vst.idx.msk $0xffff, v1  }
0x11f: {  	v2 =	vor.u32 s28, v0;
	v1 =	vld [tilespmem:s26+$0x0];
	_ =	sdelay $0x4  }
0x120: {  	s29 =	sor.u32 s3, s5;
	s30 =	sadd.s32 $0x109, s23;
	[tilespmem:v2+s15+$0x0] =	vst.idx.msk $0xffff, v1  }
0x121: {  	v2 =	vor.u32 s30, v0;
	v1 =	vld [tilespmem:s29+$0x0];
	_ =	sdelay $0x4  }
0x122: {  	s5 =	sadd.s32 $0x10A, s23;
	s1 =	sor.u32 s3, s7;
	[tilespmem:v2+s15+$0x0] =	vst.idx.msk $0xffff, v1  }
0x123: {  	v2 =	vor.u32 s5, v0;
	v1 =	vld [tilespmem:s1+$0x0];
	_ =	sdelay $0x4  }
0x124: {  	s7 =	sor.u32 s3, s10;
	s10 =	sadd.s32 $0x10B, s23;
	[tilespmem:v2+s15+$0x0] =	vst.idx.msk $0xffff, v1  }
0x125: {  	v2 =	vor.u32 s10, v0;
	v1 =	vld [tilespmem:s7+$0x0];
	_ =	sdelay $0x4  }
0x126: {  	s11 =	sor.u32 s3, s11;
	s13 =	sadd.s32 $0x10C, s23;
	[tilespmem:v2+s15+$0x0] =	vst.idx.msk $0xffff, v1  }
0x127: {  	v2 =	vor.u32 s13, v0;
	v1 =	vld [tilespmem:s11+$0x0];
	_ =	sdelay $0x4  }
0x128: {  	s14 =	sor.u32 s3, s12;
	s24 =	sadd.s32 $0x10D, s23;
	[tilespmem:v2+s15+$0x0] =	vst.idx.msk $0xffff, v1  }
0x129: {  	v2 =	vor.u32 s24, v0;
	v1 =	vld [tilespmem:s14+$0x0];
	_ =	sdelay $0x4  }
0x12a: {  	s25 =	sor.u32 s3, s18;
	s26 =	sadd.s32 $0x10E, s23;
	[tilespmem:v2+s15+$0x0] =	vst.idx.msk $0xffff, v1  }
0x12b: {  	v2 =	vor.u32 s26, v0;
	v1 =	vld [tilespmem:s25+$0x0];
	_ =	sdelay $0x4  }
0x12c: {  	s28 =	sor.u32 s3, s22;
	s29 =	sadd.s32 $0x10F, s23;
	[tilespmem:v2+s15+$0x0] =	vst.idx.msk $0xffff, v1  }
0x12d: {  	v2 =	vor.u32 s29, v0;
	v1 =	vld [tilespmem:s28+$0x0];
	_ =	sdelay $0x3  }
0x12e: {  	s30 =	sshll.u32 s21, $0xA  }
0x12f: {  	s31 =	simm.s32 $0x0;
	s0 =	sadd.s32 s6, s30;
	[tilespmem:v2+s15+$0x0] =	vst.idx.msk $0xffff, v1  }
0x130: {  	[hbm4b:s0+s31] =	stream.linear.scatter [tilespmem:s15], [sflag:$0x3], $0x2000, $0x38;
	[tilespmem:$0x8000] =	vst v63  }
.LBB2_6:
0x131: {  	s0 =	sadd.s32 s9, s20  }
0x132: {  	p2 =	sgt.u32 s0, $0x13D5  }
0x133: {  	s20 =	sor.u32 $0x20, s21;
	s0 =	sshll.u32 @!p2 s0, $0x9;
	s1 =	simm.s32 @!p2 $0x1000  }
0x134: {  	s3 =	simm.s32 @!p2 $0x13D6400;
	s5 =	simm.s32 @!p2 $0x2000;
	s0 =	sadd.s32 @!p2 s2, s0  }
0x135: {  	[tilespmem:s5], [sflag:$0x2] =	stream.strided.gather @!p2 [hbm4b:s0+s1], $0x2000, s3, s1, $0x38;
	[tilespmem:$0x8000] =	vst v63  }
0x136: {  	p2 =	sgt.u32 s20, $0x13D5  }
.Ltmp6:
0x137: {  	_ = 	snop;
	(pc) =	sbr.rel @p2 .LBB2_10-.Ltmp6, $4  }
0x138: {  	s0 =	simm.s32 @!p1 $0x4  }
0x139: {  	_ =	swait.ge @!p1 [sflag:s0], $0x2000  }
0x13a: {  	[sflag:s0] =	ssyncset.done @!p1 $0x0  }
0x13b: {  	[sflag:s0] =	ssyncadd.s32 @!p1 $0xFFFFE000  }
0x13c: {  	s0 =	simm.s32 $0x0  }
0x13d: {  	_ =	swait.ge [sflag:s16], $0x2000;
	s22 =	simm.s32 $0x0;
	s21 =	sand.u32 $0xC00, s0  }
0x13e: {  	[sflag:s16] =	ssyncset.done $0x0;
	s23 =	sand.u32 $0x60, s22;
	s5 =	sor.u32 $0x2000, s21  }
0x13f: {  	[sflag:s16] =	ssyncadd.s32 $0xFFFFE000;
	s1 =	sor.u32 s23, s5  }
0x140: {  	v2 =	vor.u32 s22, v0;
	v1 =	vld [tilespmem:s1+$0x0];
	_ =	sdelay $0x4  }
0x141: {  	s3 =	simm.s32 $0x1;
	[tilespmem:v2+s17+$0x0] =	vst.idx.msk $0xffff, v1  }
0x142: {  	v2 =	vor.u32 s3, v0;
	v1 =	vld [tilespmem:s1+$0x80];
	_ =	sdelay $0x4  }
0x143: {  	s24 =	simm.s32 $0x2;
	[tilespmem:v2+s17+$0x0] =	vst.idx.msk $0xffff, v1  }
0x144: {  	v2 =	vor.u32 s24, v0;
	v1 =	vld [tilespmem:s1+$0x100];
	_ =	sdelay $0x4  }
0x145: {  	s25 =	simm.s32 $0x3;
	[tilespmem:v2+s17+$0x0] =	vst.idx.msk $0xffff, v1  }
0x146: {  	v2 =	vor.u32 s25, v0;
	v1 =	vld [tilespmem:s1+$0x180];
	_ =	sdelay $0x4  }
0x147: {  	s26 =	simm.s32 $0x4;
	[tilespmem:v2+s17+$0x0] =	vst.idx.msk $0xffff, v1  }
0x148: {  	v2 =	vor.u32 s26, v0;
	v1 =	vld [tilespmem:s1+$0x200];
	_ =	sdelay $0x4  }
0x149: {  	s30 =	simm.s32 $0x5;
	[tilespmem:v2+s17+$0x0] =	vst.idx.msk $0xffff, v1  }
0x14a: {  	v2 =	vor.u32 s30, v0;
	v1 =	vld [tilespmem:s1+$0x280];
	_ =	sdelay $0x1  }
0x14b: {  	s3 =	sand.u32 $0x3, s22  }
0x14c: {  	s1 =	sshll.u32 s3, $0x5  }
0x14d: {  	s1 =	sadd.s32 $0x0, s1  }
0x14e: {  	s7 =	simm.s32 $0x6;
	s1 =	sor.u32 $0x300, s1;
	[tilespmem:v2+s17+$0x0] =	vst.idx.msk $0xffff, v1  }
0x14f: {  	v2 =	vor.u32 s7, v0;
	v1 =	vld [tilespmem:s1+$0x2000];
	_ =	sdelay $0x3  }
0x150: {  	s10 =	sor.u32 s22, s0  }
0x151: {  	s11 =	simm.s32 $0x7;
	s1 =	sor.u32 $0x380, s10;
	[tilespmem:v2+s17+$0x0] =	vst.idx.msk $0xffff, v1  }
0x152: {  	v2 =	vor.u32 s11, v0;
	v1 =	vld [tilespmem:s1+$0x2000];
	_ =	sdelay $0x3  }
0x153: {  	s1 =	sor.u32 $0x3000, s21  }
0x154: {  	s7 =	simm.s32 $0x8;
	s12 =	sor.u32 s23, s1;
	[tilespmem:v2+s17+$0x0] =	vst.idx.msk $0xffff, v1  }
0x155: {  	v2 =	vor.u32 s7, v0;
	v1 =	vld [tilespmem:s12+$0x0];
	_ =	sdelay $0x3  }
0x156: {  	s7 =	sor.u32 $0x3080, s21  }
0x157: {  	s10 =	simm.s32 $0x9;
	s13 =	sor.u32 s23, s7;
	[tilespmem:v2+s17+$0x0] =	vst.idx.msk $0xffff, v1  }
0x158: {  	v2 =	vor.u32 s10, v0;
	v1 =	vld [tilespmem:s13+$0x0];
	_ =	sdelay $0x3  }
0x159: {  	s10 =	sor.u32 $0x3100, s21  }
0x15a: {  	s11 =	simm.s32 $0xA;
	s14 =	sor.u32 s23, s10;
	[tilespmem:v2+s17+$0x0] =	vst.idx.msk $0xffff, v1  }
0x15b: {  	v2 =	vor.u32 s11, v0;
	v1 =	vld [tilespmem:s14+$0x0];
	_ =	sdelay $0x3  }
0x15c: {  	s11 =	sor.u32 $0x3180, s21  }
0x15d: {  	s12 =	simm.s32 $0xB;
	s18 =	sor.u32 s23, s11;
	[tilespmem:v2+s17+$0x0] =	vst.idx.msk $0xffff, v1  }
0x15e: {  	v2 =	vor.u32 s12, v0;
	v1 =	vld [tilespmem:s18+$0x0];
	_ =	sdelay $0x3  }
0x15f: {  	s12 =	sor.u32 $0x3200, s21  }
0x160: {  	s13 =	simm.s32 $0xC;
	s24 =	sor.u32 s23, s12;
	[tilespmem:v2+s17+$0x0] =	vst.idx.msk $0xffff, v1  }
0x161: {  	v2 =	vor.u32 s13, v0;
	v1 =	vld [tilespmem:s24+$0x0];
	_ =	sdelay $0x3  }
0x162: {  	s13 =	sor.u32 $0x3280, s21  }
0x163: {  	s14 =	simm.s32 $0xD;
	s25 =	sor.u32 s23, s13;
	[tilespmem:v2+s17+$0x0] =	vst.idx.msk $0xffff, v1  }
0x164: {  	v2 =	vor.u32 s14, v0;
	v1 =	vld [tilespmem:s25+$0x0];
	_ =	sdelay $0x3  }
0x165: {  	s18 =	sor.u32 $0x3300, s21  }
0x166: {  	s30 =	simm.s32 $0xE;
	s26 =	sor.u32 s23, s18;
	[tilespmem:v2+s17+$0x0] =	vst.idx.msk $0xffff, v1  }
0x167: {  	v2 =	vor.u32 s30, v0;
	v1 =	vld [tilespmem:s26+$0x0];
	_ =	sdelay $0x3  }
0x168: {  	s24 =	sor.u32 $0x3380, s21  }
0x169: {  	s21 =	simm.s32 $0xF;
	s14 =	sor.u32 s23, s24;
	[tilespmem:v2+s17+$0x0] =	vst.idx.msk $0xffff, v1  }
0x16a: {  	v2 =	vor.u32 s21, v0;
	v1 =	vld [tilespmem:s14+$0x0];
	_ =	sdelay $0x2  }
0x16b: {  	s14 =	simm.s32 $0x10  }
0x16c: {  	s3 =	sand.u32 $0x70, s14  }
0x16d: {  	s23 =	simm.s32 $0x100;
	s5 =	sor.u32 s3, s5;
	[tilespmem:v2+s17+$0x0] =	vst.idx.msk $0xffff, v1  }
0x16e: {  	v2 =	vor.u32 s23, v0;
	v1 =	vld [tilespmem:s5+$0x0];
	_ =	sdelay $0x4  }
0x16f: {  	s25 =	simm.s32 $0x101;
	[tilespmem:v2+s17+$0x0] =	vst.idx.msk $0xffff, v1  }
0x170: {  	v2 =	vor.u32 s25, v0;
	v1 =	vld [tilespmem:s5+$0x80];
	_ =	sdelay $0x4  }
0x171: {  	s26 =	simm.s32 $0x102;
	[tilespmem:v2+s17+$0x0] =	vst.idx.msk $0xffff, v1  }
0x172: {  	v2 =	vor.u32 s26, v0;
	v1 =	vld [tilespmem:s5+$0x100];
	_ =	sdelay $0x4  }
0x173: {  	s30 =	simm.s32 $0x103;
	[tilespmem:v2+s17+$0x0] =	vst.idx.msk $0xffff, v1  }
0x174: {  	v2 =	vor.u32 s30, v0;
	v1 =	vld [tilespmem:s5+$0x180];
	_ =	sdelay $0x4  }
0x175: {  	s23 =	simm.s32 $0x104;
	[tilespmem:v2+s17+$0x0] =	vst.idx.msk $0xffff, v1  }
0x176: {  	v2 =	vor.u32 s23, v0;
	v1 =	vld [tilespmem:s5+$0x200];
	_ =	sdelay $0x4  }
0x177: {  	s25 =	simm.s32 $0x105;
	[tilespmem:v2+s17+$0x0] =	vst.idx.msk $0xffff, v1  }
0x178: {  	v2 =	vor.u32 s25, v0;
	v1 =	vld [tilespmem:s5+$0x280]  }
0x179: {  	s26 =	sand.u32 $0x7, s22  }
0x17a: {  	s5 =	sshll.u32 s26, $0x4  }
0x17b: {  	s5 =	sadd.s32 $0x0, s5  }
0x17c: {  	s5 =	sadd.s32 $0x10, s5  }
0x17d: {  	s30 =	simm.s32 $0x106;
	s5 =	sor.u32 $0x300, s5;
	[tilespmem:v2+s17+$0x0] =	vst.idx.msk $0xffff, v1  }
0x17e: {  	v2 =	vor.u32 s30, v0;
	v1 =	vld [tilespmem:s5+$0x2000];
	_ =	sdelay $0x3  }
0x17f: {  	s0 =	sor.u32 s14, s0  }
0x180: {  	s21 =	simm.s32 $0x107;
	s0 =	sor.u32 $0x380, s0;
	[tilespmem:v2+s17+$0x0] =	vst.idx.msk $0xffff, v1  }
0x181: {  	v2 =	vor.u32 s21, v0;
	v1 =	vld [tilespmem:s0+$0x2000];
	_ =	sdelay $0x4  }
0x182: {  	s23 =	sor.u32 s3, s1;
	s25 =	simm.s32 $0x108;
	[tilespmem:v2+s17+$0x0] =	vst.idx.msk $0xffff, v1  }
0x183: {  	v2 =	vor.u32 s25, v0;
	v1 =	vld [tilespmem:s23+$0x0];
	_ =	sdelay $0x4  }
0x184: {  	s26 =	sor.u32 s3, s7;
	s30 =	simm.s32 $0x109;
	[tilespmem:v2+s17+$0x0] =	vst.idx.msk $0xffff, v1  }
0x185: {  	v2 =	vor.u32 s30, v0;
	v1 =	vld [tilespmem:s26+$0x0];
	_ =	sdelay $0x4  }
0x186: {  	s1 =	sor.u32 s3, s10;
	s5 =	simm.s32 $0x10A;
	[tilespmem:v2+s17+$0x0] =	vst.idx.msk $0xffff, v1  }
0x187: {  	v2 =	vor.u32 s5, v0;
	v1 =	vld [tilespmem:s1+$0x0];
	_ =	sdelay $0x4  }
0x188: {  	s10 =	simm.s32 $0x10B;
	s7 =	sor.u32 s3, s11;
	[tilespmem:v2+s17+$0x0] =	vst.idx.msk $0xffff, v1  }
0x189: {  	v2 =	vor.u32 s10, v0;
	v1 =	vld [tilespmem:s7+$0x0];
	_ =	sdelay $0x4  }
0x18a: {  	s11 =	sor.u32 s3, s12;
	s12 =	simm.s32 $0x10C;
	[tilespmem:v2+s17+$0x0] =	vst.idx.msk $0xffff, v1  }
0x18b: {  	v2 =	vor.u32 s12, v0;
	v1 =	vld [tilespmem:s11+$0x0];
	_ =	sdelay $0x4  }
0x18c: {  	s14 =	sor.u32 s3, s13;
	s21 =	simm.s32 $0x10D;
	[tilespmem:v2+s17+$0x0] =	vst.idx.msk $0xffff, v1  }
0x18d: {  	v2 =	vor.u32 s21, v0;
	v1 =	vld [tilespmem:s14+$0x0];
	_ =	sdelay $0x4  }
0x18e: {  	s25 =	simm.s32 $0x10E;
	s23 =	sor.u32 s3, s18;
	[tilespmem:v2+s17+$0x0] =	vst.idx.msk $0xffff, v1  }
0x18f: {  	v2 =	vor.u32 s25, v0;
	v1 =	vld [tilespmem:s23+$0x0];
	_ =	sdelay $0x4  }
0x190: {  	s30 =	simm.s32 $0x10F;
	s26 =	sor.u32 s3, s24;
	[tilespmem:v2+s17+$0x0] =	vst.idx.msk $0xffff, v1  }
0x191: {  	s28 =	simm.s32 $0xFFFFF100;
	v2 =	vor.u32 s30, v0;
	v1 =	vld [tilespmem:s26+$0x0]  }
0x192: {  	s29 =	simm.s32 $0x400;
	s24 =	simm.s32 $0x100;
	s21 =	simm.s32 $0x200  }
0x193: {  	s25 =	simm.s32 $0x0;
	s23 =	simm.s32 $0x0;
	s26 =	simm.s32 $0x0  }
.LBB2_8:
0x194: {  	p1 =	sne.s32 s29, $0x1E00;
	s5 =	sand.u32 $0xC00, s24;
	s22 =	sadd.s32 $0x20, s22  }
0x195: {  	s18 =	sand.u32 $0x60, s22;
	s1 =	sor.u32 $0x2000, s5  }
0x196: {  	s0 =	sor.u32 s18, s1;
	[tilespmem:v2+s17+$0x0] =	vst.idx.msk $0xffff, v1  }
0x197: {  	v2 =	vor.u32 s21, v0;
	v1 =	vld [tilespmem:s0+$0x0];
	_ =	sdelay $0x4  }
0x198: {  	s3 =	sadd.s32 $0x1, s21;
	[tilespmem:v2+s17+$0x0] =	vst.idx.msk $0xffff, v1  }
0x199: {  	v2 =	vor.u32 s3, v0;
	v1 =	vld [tilespmem:s0+$0x80];
	_ =	sdelay $0x4  }
0x19a: {  	s3 =	sadd.s32 $0x2, s21;
	[tilespmem:v2+s17+$0x0] =	vst.idx.msk $0xffff, v1  }
0x19b: {  	v2 =	vor.u32 s3, v0;
	v1 =	vld [tilespmem:s0+$0x100];
	_ =	sdelay $0x4  }
0x19c: {  	s3 =	sadd.s32 $0x3, s21;
	[tilespmem:v2+s17+$0x0] =	vst.idx.msk $0xffff, v1  }
0x19d: {  	v2 =	vor.u32 s3, v0;
	v1 =	vld [tilespmem:s0+$0x180];
	_ =	sdelay $0x4  }
0x19e: {  	s3 =	sadd.s32 $0x4, s21;
	[tilespmem:v2+s17+$0x0] =	vst.idx.msk $0xffff, v1  }
0x19f: {  	v2 =	vor.u32 s3, v0;
	v1 =	vld [tilespmem:s0+$0x200];
	_ =	sdelay $0x4  }
0x1a0: {  	s3 =	sadd.s32 $0x5, s21;
	[tilespmem:v2+s17+$0x0] =	vst.idx.msk $0xffff, v1  }
0x1a1: {  	v2 =	vor.u32 s3, v0;
	v1 =	vld [tilespmem:s0+$0x280]  }
0x1a2: {  	s26 =	sadd.s32 $0x1, s26  }
0x1a3: {  	s0 =	sand.u32 $0x3, s26  }
0x1a4: {  	s25 =	sadd.s32 $0x100, s25;
	s0 =	sshll.u32 s0, $0x5  }
0x1a5: {  	s0 =	sadd.s32 s0, s25  }
0x1a6: {  	s3 =	sadd.s32 $0x6, s21;
	s0 =	sor.u32 $0x300, s0;
	[tilespmem:v2+s17+$0x0] =	vst.idx.msk $0xffff, v1  }
0x1a7: {  	v2 =	vor.u32 s3, v0;
	v1 =	vld [tilespmem:s0+$0x2000];
	_ =	sdelay $0x3  }
0x1a8: {  	s0 =	sor.u32 s22, s24  }
0x1a9: {  	s3 =	sadd.s32 $0x7, s21;
	s0 =	sor.u32 $0x380, s0;
	[tilespmem:v2+s17+$0x0] =	vst.idx.msk $0xffff, v1  }
0x1aa: {  	v2 =	vor.u32 s3, v0;
	v1 =	vld [tilespmem:s0+$0x2000];
	_ =	sdelay $0x3  }
0x1ab: {  	s30 =	sor.u32 $0x3000, s5  }
0x1ac: {  	s3 =	sadd.s32 $0x8, s21;
	s0 =	sor.u32 s18, s30;
	[tilespmem:v2+s17+$0x0] =	vst.idx.msk $0xffff, v1  }
0x1ad: {  	v2 =	vor.u32 s3, v0;
	v1 =	vld [tilespmem:s0+$0x0];
	_ =	sdelay $0x3  }
0x1ae: {  	s0 =	sor.u32 $0x3080, s5  }
0x1af: {  	s7 =	sadd.s32 $0x9, s21;
	s3 =	sor.u32 s18, s0;
	[tilespmem:v2+s17+$0x0] =	vst.idx.msk $0xffff, v1  }
0x1b0: {  	v2 =	vor.u32 s7, v0;
	v1 =	vld [tilespmem:s3+$0x0];
	_ =	sdelay $0x3  }
0x1b1: {  	s13 =	sor.u32 $0x3100, s5  }
0x1b2: {  	s7 =	sadd.s32 $0xA, s21;
	s3 =	sor.u32 s18, s13;
	[tilespmem:v2+s17+$0x0] =	vst.idx.msk $0xffff, v1  }
0x1b3: {  	v2 =	vor.u32 s7, v0;
	v1 =	vld [tilespmem:s3+$0x0];
	_ =	sdelay $0x3  }
0x1b4: {  	s11 =	sor.u32 $0x3180, s5  }
0x1b5: {  	s7 =	sadd.s32 $0xB, s21;
	s3 =	sor.u32 s18, s11;
	[tilespmem:v2+s17+$0x0] =	vst.idx.msk $0xffff, v1  }
0x1b6: {  	v2 =	vor.u32 s7, v0;
	v1 =	vld [tilespmem:s3+$0x0];
	_ =	sdelay $0x3  }
0x1b7: {  	s12 =	sor.u32 $0x3200, s5  }
0x1b8: {  	s7 =	sadd.s32 $0xC, s21;
	s3 =	sor.u32 s18, s12;
	[tilespmem:v2+s17+$0x0] =	vst.idx.msk $0xffff, v1  }
0x1b9: {  	v2 =	vor.u32 s7, v0;
	v1 =	vld [tilespmem:s3+$0x0];
	_ =	sdelay $0x3  }
0x1ba: {  	s7 =	sor.u32 $0x3280, s5  }
0x1bb: {  	s10 =	sadd.s32 $0xD, s21;
	s3 =	sor.u32 s18, s7;
	[tilespmem:v2+s17+$0x0] =	vst.idx.msk $0xffff, v1  }
0x1bc: {  	v2 =	vor.u32 s10, v0;
	v1 =	vld [tilespmem:s3+$0x0];
	_ =	sdelay $0x3  }
0x1bd: {  	s10 =	sor.u32 $0x3300, s5  }
0x1be: {  	s14 =	sadd.s32 $0xE, s21;
	s3 =	sor.u32 s18, s10;
	[tilespmem:v2+s17+$0x0] =	vst.idx.msk $0xffff, v1  }
0x1bf: {  	v2 =	vor.u32 s14, v0;
	v1 =	vld [tilespmem:s3+$0x0];
	_ =	sdelay $0x3  }
0x1c0: {  	s5 =	sor.u32 $0x3380, s5  }
0x1c1: {  	s14 =	sadd.s32 $0xF, s21;
	s3 =	sor.u32 s18, s5;
	[tilespmem:v2+s17+$0x0] =	vst.idx.msk $0xffff, v1  }
0x1c2: {  	v2 =	vor.u32 s14, v0;
	v1 =	vld [tilespmem:s3+$0x0];
	_ =	sdelay $0x2  }
0x1c3: {  	s3 =	sadd.s32 $0x10, s22  }
0x1c4: {  	s18 =	sand.u32 $0x70, s3  }
0x1c5: {  	s14 =	sadd.s32 $0x100, s21;
	s1 =	sor.u32 s18, s1;
	[tilespmem:v2+s17+$0x0] =	vst.idx.msk $0xffff, v1  }
0x1c6: {  	v2 =	vor.u32 s14, v0;
	v1 =	vld [tilespmem:s1+$0x0];
	_ =	sdelay $0x4  }
0x1c7: {  	s14 =	sadd.s32 $0x101, s21;
	[tilespmem:v2+s17+$0x0] =	vst.idx.msk $0xffff, v1  }
0x1c8: {  	v2 =	vor.u32 s14, v0;
	v1 =	vld [tilespmem:s1+$0x80];
	_ =	sdelay $0x4  }
0x1c9: {  	s14 =	sadd.s32 $0x102, s21;
	[tilespmem:v2+s17+$0x0] =	vst.idx.msk $0xffff, v1  }
0x1ca: {  	v2 =	vor.u32 s14, v0;
	v1 =	vld [tilespmem:s1+$0x100];
	_ =	sdelay $0x4  }
0x1cb: {  	s14 =	sadd.s32 $0x103, s21;
	[tilespmem:v2+s17+$0x0] =	vst.idx.msk $0xffff, v1  }
0x1cc: {  	v2 =	vor.u32 s14, v0;
	v1 =	vld [tilespmem:s1+$0x180];
	_ =	sdelay $0x4  }
0x1cd: {  	s14 =	sadd.s32 $0x104, s21;
	[tilespmem:v2+s17+$0x0] =	vst.idx.msk $0xffff, v1  }
0x1ce: {  	v2 =	vor.u32 s14, v0;
	v1 =	vld [tilespmem:s1+$0x200];
	_ =	sdelay $0x4  }
0x1cf: {  	s14 =	sadd.s32 $0x105, s21;
	[tilespmem:v2+s17+$0x0] =	vst.idx.msk $0xffff, v1  }
0x1d0: {  	s23 =	sadd.s32 $0x2, s23;
	v2 =	vor.u32 s14, v0;
	v1 =	vld [tilespmem:s1+$0x280]  }
0x1d1: {  	s1 =	sand.u32 $0x7, s23  }
0x1d2: {  	s1 =	sshll.u32 s1, $0x4  }
0x1d3: {  	s1 =	sadd.s32 s24, s1  }
0x1d4: {  	s1 =	sadd.s32 $0x10, s1  }
0x1d5: {  	s14 =	sadd.s32 $0x106, s21;
	s1 =	sor.u32 $0x300, s1;
	[tilespmem:v2+s17+$0x0] =	vst.idx.msk $0xffff, v1  }
0x1d6: {  	v2 =	vor.u32 s14, v0;
	v1 =	vld [tilespmem:s1+$0x2000];
	_ =	sdelay $0x3  }
0x1d7: {  	s1 =	sor.u32 s3, s24  }
0x1d8: {  	s3 =	sadd.s32 $0x107, s21;
	s1 =	sor.u32 $0x380, s1;
	[tilespmem:v2+s17+$0x0] =	vst.idx.msk $0xffff, v1  }
0x1d9: {  	v2 =	vor.u32 s3, v0;
	v1 =	vld [tilespmem:s1+$0x2000];
	_ =	sdelay $0x4  }
0x1da: {  	s3 =	sadd.s32 $0x108, s21;
	s1 =	sor.u32 s18, s30;
	[tilespmem:v2+s17+$0x0] =	vst.idx.msk $0xffff, v1  }
0x1db: {  	v2 =	vor.u32 s3, v0;
	v1 =	vld [tilespmem:s1+$0x0];
	_ =	sdelay $0x4  }
0x1dc: {  	s0 =	sor.u32 s18, s0;
	s1 =	sadd.s32 $0x109, s21;
	[tilespmem:v2+s17+$0x0] =	vst.idx.msk $0xffff, v1  }
0x1dd: {  	v2 =	vor.u32 s1, v0;
	v1 =	vld [tilespmem:s0+$0x0];
	_ =	sdelay $0x4  }
0x1de: {  	s1 =	sadd.s32 $0x10A, s21;
	s0 =	sor.u32 s18, s13;
	[tilespmem:v2+s17+$0x0] =	vst.idx.msk $0xffff, v1  }
0x1df: {  	v2 =	vor.u32 s1, v0;
	v1 =	vld [tilespmem:s0+$0x0];
	_ =	sdelay $0x4  }
0x1e0: {  	s1 =	sadd.s32 $0x10B, s21;
	s0 =	sor.u32 s18, s11;
	[tilespmem:v2+s17+$0x0] =	vst.idx.msk $0xffff, v1  }
0x1e1: {  	v2 =	vor.u32 s1, v0;
	v1 =	vld [tilespmem:s0+$0x0];
	_ =	sdelay $0x4  }
0x1e2: {  	s1 =	sadd.s32 $0x10C, s21;
	s0 =	sor.u32 s18, s12;
	[tilespmem:v2+s17+$0x0] =	vst.idx.msk $0xffff, v1  }
0x1e3: {  	v2 =	vor.u32 s1, v0;
	v1 =	vld [tilespmem:s0+$0x0];
	_ =	sdelay $0x4  }
0x1e4: {  	s1 =	sadd.s32 $0x10D, s21;
	s0 =	sor.u32 s18, s7;
	[tilespmem:v2+s17+$0x0] =	vst.idx.msk $0xffff, v1  }
0x1e5: {  	v2 =	vor.u32 s1, v0;
	v1 =	vld [tilespmem:s0+$0x0];
	_ =	sdelay $0x4  }
0x1e6: {  	s1 =	sadd.s32 $0x10E, s21;
	s0 =	sor.u32 s18, s10;
	[tilespmem:v2+s17+$0x0] =	vst.idx.msk $0xffff, v1  }
0x1e7: {  	v2 =	vor.u32 s1, v0;
	v1 =	vld [tilespmem:s0+$0x0];
	_ =	sdelay $0x3  }
.Ltmp7:
0x1e8: {  	(pc) =	sbr.rel @p1 .LBB2_8-.Ltmp7, $4  }
0x1e9: {  	s1 =	sadd.s32 $0x10F, s21;
	s21 =	smov.u32 s29;
	s0 =	sor.u32 s18, s5;
	[tilespmem:v2+s17+$0x0] =	vst.idx.msk $0xffff, v1  }
0x1ea: {  	v2 =	vor.u32 s1, v0;
	v1 =	vld [tilespmem:s0+$0x0]  }
0x1eb: {  	s28 =	sadd.s32 $0x100, s28  }
0x1ec: {  	s24 =	sadd.s32 $0x1000, s28;
	s29 =	sadd.s32 $0x200, s29  }
0x1ed: {  	_ =	sdelay $0x1  }
0x1ee: {  	s18 =	sand.u32 $0xC00, s24;
	s5 =	sadd.s32 $0x20, s22  }
0x1ef: {  	s22 =	sand.u32 $0x60, s5;
	s0 =	sor.u32 $0x2000, s18  }
0x1f0: {  	s1 =	sor.u32 s22, s0;
	[tilespmem:v2+s17+$0x0] =	vst.idx.msk $0xffff, v1  }
0x1f1: {  	v2 =	vor.u32 s21, v0;
	v1 =	vld [tilespmem:s1+$0x0];
	_ =	sdelay $0x4  }
0x1f2: {  	s3 =	sadd.s32 $0x1, s21;
	[tilespmem:v2+s17+$0x0] =	vst.idx.msk $0xffff, v1  }
0x1f3: {  	v2 =	vor.u32 s3, v0;
	v1 =	vld [tilespmem:s1+$0x80];
	_ =	sdelay $0x4  }
0x1f4: {  	s14 =	sadd.s32 $0x2, s21;
	[tilespmem:v2+s17+$0x0] =	vst.idx.msk $0xffff, v1  }
0x1f5: {  	v2 =	vor.u32 s14, v0;
	v1 =	vld [tilespmem:s1+$0x100];
	_ =	sdelay $0x4  }
0x1f6: {  	s28 =	sadd.s32 $0x3, s21;
	[tilespmem:v2+s17+$0x0] =	vst.idx.msk $0xffff, v1  }
0x1f7: {  	v2 =	vor.u32 s28, v0;
	v1 =	vld [tilespmem:s1+$0x180];
	_ =	sdelay $0x4  }
0x1f8: {  	s29 =	sadd.s32 $0x4, s21;
	[tilespmem:v2+s17+$0x0] =	vst.idx.msk $0xffff, v1  }
0x1f9: {  	v2 =	vor.u32 s29, v0;
	v1 =	vld [tilespmem:s1+$0x200];
	_ =	sdelay $0x4  }
0x1fa: {  	s30 =	sadd.s32 $0x5, s21;
	[tilespmem:v2+s17+$0x0] =	vst.idx.msk $0xffff, v1  }
0x1fb: {  	v2 =	vor.u32 s30, v0;
	v1 =	vld [tilespmem:s1+$0x280]  }
0x1fc: {  	s7 =	sadd.s32 $0x1, s26  }
0x1fd: {  	s1 =	sand.u32 $0x3, s7  }
0x1fe: {  	s10 =	sadd.s32 $0x100, s25;
	s1 =	sshll.u32 s1, $0x5  }
0x1ff: {  	s1 =	sadd.s32 s1, s10  }
0x200: {  	s11 =	sadd.s32 $0x6, s21;
	s1 =	sor.u32 $0x300, s1;
	[tilespmem:v2+s17+$0x0] =	vst.idx.msk $0xffff, v1  }
0x201: {  	v2 =	vor.u32 s11, v0;
	v1 =	vld [tilespmem:s1+$0x2000];
	_ =	sdelay $0x3  }
0x202: {  	s12 =	sor.u32 s5, s24  }
0x203: {  	s13 =	sadd.s32 $0x7, s21;
	s1 =	sor.u32 $0x380, s12;
	[tilespmem:v2+s17+$0x0] =	vst.idx.msk $0xffff, v1  }
0x204: {  	v2 =	vor.u32 s13, v0;
	v1 =	vld [tilespmem:s1+$0x2000];
	_ =	sdelay $0x3  }
0x205: {  	s1 =	sor.u32 $0x3000, s18  }
0x206: {  	s7 =	sadd.s32 $0x8, s21;
	s14 =	sor.u32 s22, s1;
	[tilespmem:v2+s17+$0x0] =	vst.idx.msk $0xffff, v1  }
0x207: {  	v2 =	vor.u32 s7, v0;
	v1 =	vld [tilespmem:s14+$0x0];
	_ =	sdelay $0x3  }
0x208: {  	s7 =	sor.u32 $0x3080, s18  }
0x209: {  	s10 =	sadd.s32 $0x9, s21;
	s25 =	sor.u32 s22, s7;
	[tilespmem:v2+s17+$0x0] =	vst.idx.msk $0xffff, v1  }
0x20a: {  	v2 =	vor.u32 s10, v0;
	v1 =	vld [tilespmem:s25+$0x0];
	_ =	sdelay $0x3  }
0x20b: {  	s10 =	sor.u32 $0x3100, s18  }
0x20c: {  	s11 =	sadd.s32 $0xA, s21;
	s26 =	sor.u32 s22, s10;
	[tilespmem:v2+s17+$0x0] =	vst.idx.msk $0xffff, v1  }
0x20d: {  	v2 =	vor.u32 s11, v0;
	v1 =	vld [tilespmem:s26+$0x0];
	_ =	sdelay $0x3  }
0x20e: {  	s11 =	sor.u32 $0x3180, s18  }
0x20f: {  	s12 =	sadd.s32 $0xB, s21;
	s28 =	sor.u32 s22, s11;
	[tilespmem:v2+s17+$0x0] =	vst.idx.msk $0xffff, v1  }
0x210: {  	v2 =	vor.u32 s12, v0;
	v1 =	vld [tilespmem:s28+$0x0];
	_ =	sdelay $0x3  }
0x211: {  	s12 =	sor.u32 $0x3200, s18  }
0x212: {  	s13 =	sadd.s32 $0xC, s21;
	s29 =	sor.u32 s22, s12;
	[tilespmem:v2+s17+$0x0] =	vst.idx.msk $0xffff, v1  }
0x213: {  	v2 =	vor.u32 s13, v0;
	v1 =	vld [tilespmem:s29+$0x0];
	_ =	sdelay $0x3  }
0x214: {  	s13 =	sor.u32 $0x3280, s18  }
0x215: {  	s14 =	sadd.s32 $0xD, s21;
	s30 =	sor.u32 s22, s13;
	[tilespmem:v2+s17+$0x0] =	vst.idx.msk $0xffff, v1  }
0x216: {  	v2 =	vor.u32 s14, v0;
	v1 =	vld [tilespmem:s30+$0x0];
	_ =	sdelay $0x3  }
0x217: {  	s25 =	sor.u32 $0x3300, s18  }
0x218: {  	s26 =	sadd.s32 $0xE, s21;
	s14 =	sor.u32 s22, s25;
	[tilespmem:v2+s17+$0x0] =	vst.idx.msk $0xffff, v1  }
0x219: {  	v2 =	vor.u32 s26, v0;
	v1 =	vld [tilespmem:s14+$0x0];
	_ =	sdelay $0x3  }
0x21a: {  	s18 =	sor.u32 $0x3380, s18  }
0x21b: {  	s28 =	sor.u32 s22, s18;
	s29 =	sadd.s32 $0xF, s21;
	[tilespmem:v2+s17+$0x0] =	vst.idx.msk $0xffff, v1  }
0x21c: {  	v2 =	vor.u32 s29, v0;
	v1 =	vld [tilespmem:s28+$0x0];
	_ =	sdelay $0x2  }
0x21d: {  	s5 =	sadd.s32 $0x10, s5  }
0x21e: {  	s3 =	sand.u32 $0x70, s5  }
0x21f: {  	s0 =	sor.u32 s3, s0;
	s30 =	sadd.s32 $0x100, s21;
	[tilespmem:v2+s17+$0x0] =	vst.idx.msk $0xffff, v1  }
0x220: {  	v2 =	vor.u32 s30, v0;
	v1 =	vld [tilespmem:s0+$0x0];
	_ =	sdelay $0x4  }
0x221: {  	s22 =	sadd.s32 $0x101, s21;
	[tilespmem:v2+s17+$0x0] =	vst.idx.msk $0xffff, v1  }
0x222: {  	v2 =	vor.u32 s22, v0;
	v1 =	vld [tilespmem:s0+$0x80];
	_ =	sdelay $0x4  }
0x223: {  	s26 =	sadd.s32 $0x102, s21;
	[tilespmem:v2+s17+$0x0] =	vst.idx.msk $0xffff, v1  }
0x224: {  	v2 =	vor.u32 s26, v0;
	v1 =	vld [tilespmem:s0+$0x100];
	_ =	sdelay $0x4  }
0x225: {  	s28 =	sadd.s32 $0x103, s21;
	[tilespmem:v2+s17+$0x0] =	vst.idx.msk $0xffff, v1  }
0x226: {  	v2 =	vor.u32 s28, v0;
	v1 =	vld [tilespmem:s0+$0x180];
	_ =	sdelay $0x4  }
0x227: {  	s29 =	sadd.s32 $0x104, s21;
	[tilespmem:v2+s17+$0x0] =	vst.idx.msk $0xffff, v1  }
0x228: {  	v2 =	vor.u32 s29, v0;
	v1 =	vld [tilespmem:s0+$0x200];
	_ =	sdelay $0x4  }
0x229: {  	s30 =	sadd.s32 $0x105, s21;
	[tilespmem:v2+s17+$0x0] =	vst.idx.msk $0xffff, v1  }
0x22a: {  	s14 =	sadd.s32 $0x2, s23;
	v2 =	vor.u32 s30, v0;
	v1 =	vld [tilespmem:s0+$0x280]  }
0x22b: {  	s0 =	sand.u32 $0x7, s14  }
0x22c: {  	s0 =	sshll.u32 s0, $0x4  }
0x22d: {  	s0 =	sadd.s32 s24, s0  }
0x22e: {  	s0 =	sadd.s32 $0x10, s0  }
0x22f: {  	s22 =	sadd.s32 $0x106, s21;
	s0 =	sor.u32 $0x300, s0;
	[tilespmem:v2+s17+$0x0] =	vst.idx.msk $0xffff, v1  }
0x230: {  	v2 =	vor.u32 s22, v0;
	v1 =	vld [tilespmem:s0+$0x2000];
	_ =	sdelay $0x3  }
0x231: {  	s23 =	sor.u32 s5, s24  }
0x232: {  	s24 =	sadd.s32 $0x107, s21;
	s0 =	sor.u32 $0x380, s23;
	[tilespmem:v2+s17+$0x0] =	vst.idx.msk $0xffff, v1  }
0x233: {  	v2 =	vor.u32 s24, v0;
	v1 =	vld [tilespmem:s0+$0x2000];
	_ =	sdelay $0x4  }
0x234: {  	s26 =	sor.u32 s3, s1;
	s28 =	sadd.s32 $0x108, s21;
	[tilespmem:v2+s17+$0x0] =	vst.idx.msk $0xffff, v1  }
0x235: {  	v2 =	vor.u32 s28, v0;
	v1 =	vld [tilespmem:s26+$0x0];
	_ =	sdelay $0x4  }
0x236: {  	s29 =	sor.u32 s3, s7;
	s30 =	sadd.s32 $0x109, s21;
	[tilespmem:v2+s17+$0x0] =	vst.idx.msk $0xffff, v1  }
0x237: {  	v2 =	vor.u32 s30, v0;
	v1 =	vld [tilespmem:s29+$0x0];
	_ =	sdelay $0x4  }
0x238: {  	s5 =	sor.u32 s3, s10;
	s7 =	sadd.s32 $0x10A, s21;
	[tilespmem:v2+s17+$0x0] =	vst.idx.msk $0xffff, v1  }
0x239: {  	v2 =	vor.u32 s7, v0;
	v1 =	vld [tilespmem:s5+$0x0];
	_ =	sdelay $0x4  }
0x23a: {  	s10 =	sor.u32 s3, s11;
	s11 =	sadd.s32 $0x10B, s21;
	[tilespmem:v2+s17+$0x0] =	vst.idx.msk $0xffff, v1  }
0x23b: {  	v2 =	vor.u32 s11, v0;
	v1 =	vld [tilespmem:s10+$0x0];
	_ =	sdelay $0x4  }
0x23c: {  	s14 =	sor.u32 s3, s12;
	s22 =	sadd.s32 $0x10C, s21;
	[tilespmem:v2+s17+$0x0] =	vst.idx.msk $0xffff, v1  }
0x23d: {  	v2 =	vor.u32 s22, v0;
	v1 =	vld [tilespmem:s14+$0x0];
	_ =	sdelay $0x4  }
0x23e: {  	s23 =	sor.u32 s3, s13;
	s24 =	sadd.s32 $0x10D, s21;
	[tilespmem:v2+s17+$0x0] =	vst.idx.msk $0xffff, v1  }
0x23f: {  	v2 =	vor.u32 s24, v0;
	v1 =	vld [tilespmem:s23+$0x0];
	_ =	sdelay $0x4  }
0x240: {  	s25 =	sor.u32 s3, s25;
	s26 =	sadd.s32 $0x10E, s21;
	[tilespmem:v2+s17+$0x0] =	vst.idx.msk $0xffff, v1  }
0x241: {  	v2 =	vor.u32 s26, v0;
	v1 =	vld [tilespmem:s25+$0x0];
	_ =	sdelay $0x4  }
0x242: {  	s28 =	sor.u32 s3, s18;
	s29 =	sadd.s32 $0x10F, s21;
	[tilespmem:v2+s17+$0x0] =	vst.idx.msk $0xffff, v1  }
0x243: {  	v2 =	vor.u32 s29, v0;
	v1 =	vld [tilespmem:s28+$0x0];
	_ =	sdelay $0x1  }
.Ltmp8:
0x244: {  	_ = 	snop;
	(pc) =	sbr.rel .LBB2_10-.Ltmp8, $4  }
0x245: {  	_ = 	snop  }
0x246: {  	s30 =	sshll.u32 s20, $0xA  }
0x247: {  	s0 =	sadd.s32 s6, s30;
	[tilespmem:v2+s17+$0x0] =	vst.idx.msk $0xffff, v1  }
0x248: {  	[hbm4b:s0+s31] =	stream.linear.scatter [tilespmem:s17], [sflag:$0x4], $0x2000, $0x38;
	[tilespmem:$0x8000] =	vst v63  }
.LBB2_12:
0x249: {  	_ =	sfence.sel $0x180000  }
0x24a: {  	[bflag:$0x0] =	sbarrier.arrive $0xFFFF  }
0x24b: {  	_ =	strace $0x90000047  }
0x24c: {  	s0 =	stileid.u32;
	[bflag:$0x2] =	sbarrier.arrive $0xFFFF  }
0x24d: {  	p0 =	sne.s32 s0, $0x0;
	s0 =	rddreg [dreg:$0x2]  }
0x24e: {  	s0 =	sadd.s32 @!p0 $0x100000, s0  }
0x24f: {  	[sflag:s0] =	ssyncadd.tile.s32 @!p0 $0x1;
	_ =	shalt  }
.Lfunc_end2:
_tile_overlayer_lowered:
.L_overlay_start_2:
0x250: {  	(tag) =	ssettag $0x2  }
0x251: {  	s0 =	rddreg [dreg:$0x0];
	s2 =	stileid.u32  }
0x252: {  	s1 =	rddreg [dreg:$0x1];
	p0 =	sne.s32 s2, $0x0  }
0x253: {  	s3 =	rddreg [dreg:$0x2];
	[bflag:$0x3] =	sbarrier.arrive $0xFFFF;
	s2 =	simm.s32 @!p0 $0x1C05  }
0x254: {  	[timem:s3], [sflag:s2] =	dma.local @!p0 [hbm:s0], s1  }
0x255: {  	s0 =	simm.s32 @!p0 $0x5  }
0x256: {  	_ =	swait.ge @!p0 [sflag:s0], s1  }
0x257: {  	s1 =	ssub.s32 @!p0 $0x0, s1;
	[sflag:s0] =	ssyncset.done @!p0 $0x0  }
0x258: {  	[sflag:s0] =	ssyncadd.s32 @!p0 s1  }
0x259: {  	[bflag:$0x3] =	sbarrier.arrive $0xFFFF  }
0x25a: {  	_ =	shalt  }

</sc_bundles>
